<compile_context>
chip_gen: v7x
topology: tpu7x:2x2x1
jax: 0.10.2.dev20260603
libtpu: 0.0.44.dev20260713+nightly
codegen_flags: <defaults>
</compile_context>

<pallas_src>
import functools

import jax
import jax.numpy as jnp
from jax import lax
from jax.experimental import pallas as pl
from jax.experimental.pallas import tpu as pltpu
from jax.experimental.pallas import tpu_sc as plsc

_NROW = 16384
_SEQ = 200
_SEQP = 208
_D = 64
_BLK = 16
_RBLK = 1


def _rank_body(ts_ref, idx_ref):
    ts = ts_ref[...]
    b = ts.shape[0]
    tsi = lax.bitcast_convert_type(ts, jnp.int32)
    a_k = jnp.broadcast_to(tsi[:, :, None], (b, _SEQ, _SEQ))
    a_j = jnp.broadcast_to(tsi[:, None, :], (b, _SEQ, _SEQ))
    k_iota = lax.broadcasted_iota(jnp.int32, (b, _SEQ, _SEQ), 1)
    j_iota = lax.broadcasted_iota(jnp.int32, (b, _SEQ, _SEQ), 2)
    trif = jnp.where(k_iota < j_iota, 1.0, 0.0)
    cmp = jnp.where(a_k < a_j, 1.0, jnp.where(a_k == a_j, trif, 0.0))
    rank = jnp.sum(cmp, axis=1).astype(jnp.int32)
    pos = rank * _D
    idx_ref[...] = jnp.concatenate(
        [pos, jnp.zeros((b, _SEQP - _SEQ), jnp.int32)], axis=1)


def _tc_rank(ts):
    return pl.pallas_call(
        _rank_body,
        grid=(_NROW // _BLK,),
        in_specs=[pl.BlockSpec((_BLK, _SEQ), lambda i: (i, 0))],
        out_specs=pl.BlockSpec((_BLK, _SEQP), lambda i: (i, 0)),
        out_shape=jax.ShapeDtypeStruct((_NROW, _SEQP), jnp.int32),
    )(ts)


def _sc_scatter_body(table_hbm, pos_hbm, out_hbm, tab_v):
    pltpu.sync_copy(table_hbm, tab_v)

    def build(pos_vmem, out_vmem):
        def chunk(jc_static, jc_val, nvalid):
            rv = pos_vmem[0, pl.ds(jc_val * 16, 16)]
            for l in range(nvalid):
                p = rv[l]
                src = (jc_static * 16 + l) * _D if jc_static is not None \
                    else (jc_val * 16 + l) * _D
                for k in range(0, _D, 16):
                    out_vmem[0, pl.ds(p + k, 16)] = tab_v[pl.ds(src + k, 16)]

        @plsc.parallel_loop(0, _SEQ // 16, unroll=2)
        def _(jc):
            chunk(None, jc, 16)

        chunk(_SEQ // 16, _SEQ // 16, _SEQ - (_SEQ // 16) * 16)

    pltpu.emit_pipeline(
        build,
        grid=(_NROW // _RBLK,),
        in_specs=[pl.BlockSpec((_RBLK, _SEQP), lambda i: (i, 0))],
        out_specs=[pl.BlockSpec((_RBLK, _SEQ * _D), lambda i: (i, 0))],
        core_axis_name=("c", "s"),
        dimension_semantics=(pltpu.PARALLEL,),
    )(pos_hbm, out_hbm)


def _sc_scatter(table_flat, pos_arr):
    mesh = plsc.VectorSubcoreMesh(core_axis_name="c", subcore_axis_name="s")
    k = pl.kernel(
        _sc_scatter_body,
        mesh=mesh,
        compiler_params=pltpu.CompilerParams(needs_layout_passes=False),
        out_type=jax.ShapeDtypeStruct((_NROW, _SEQ * _D), jnp.float32),
        scratch_types=[
            pltpu.VMEM((_SEQ * _D,), jnp.float32),
        ],
    )
    return k(table_flat, pos_arr)


@jax.jit
def kernel(ts, pos_embeddings):
    pos = _tc_rank(ts)
    out = _sc_scatter(pos_embeddings.reshape(-1), pos)
    return out.reshape(_NROW, _SEQ, _D)

# --- scband reference (transcript-rebuilt; emitter-appended) ---
"""Pipeline reference for scband-pos-encode-64965675320007 (READ-ONLY COPY).

The authoritative reference and input builder live on the scoring server;
editing this copy changes nothing except your own understanding.
"""

import jax, jax.numpy as jnp
import numpy as np


def setup_inputs(seed: int = 0) -> dict:
    key = jax.random.key(seed)
    k1, k2 = jax.random.split(key)
    ts = jax.random.uniform(k1, (16384, 200), dtype=jnp.float32)
    pos_embeddings = jax.random.normal(k2, (200, 64), dtype=jnp.float32)
    return {"ts": ts, "pos_embeddings": pos_embeddings}


def reference(ts, pos_embeddings):
    # order = ts.argsort() along last dim; values are in [0, seq_len)
    order = jnp.argsort(ts, axis=-1)
    # nn.Embedding lookup -> gather rows of the table
    ts_emb = jnp.take(pos_embeddings, order, axis=0)
    return ts_emb

if __name__ == "__main__":
    import jax
    _d = setup_inputs()
    print(jax.jit(kernel)(*tuple(_d.values())))

</pallas_src>

<mosaic_0001>
#map = affine_map<(d0, d1) -> (0)>
#map1 = affine_map<(d0, d1) -> (0, 0)>
module attributes {stable_mosaic.version = 14 : i64} {
  func.func @_sc_scatter_body(%arg0: i32, %arg1: i32, %arg2: memref<12800xf32, #tpu.memory_space<hbm>>, %arg3: memref<16384x208xi32, #tpu.memory_space<hbm>>, %arg4: memref<16384x12800xf32, #tpu.memory_space<hbm>>, %arg5: memref<12800xf32, #tpu.memory_space<vmem>>) attributes {dimension_semantics = [#tpu.dimension_semantics<core_parallel>, #tpu.dimension_semantics<subcore_parallel>], iteration_bounds = array<i64: 2, 16>, scalar_prefetch = 0 : i64, scratch_operands = 1 : i64, tpu.core_type = #tpu.core_type<sc_vector_subcore>, window_params = [{transform_indices = #map}, {transform_indices = #map1}, {transform_indices = #map1}]} {
    "tpu.region"() ({
      %run_scoped3A = tpu.sem_alloc : memref<!tpu.dma_semaphore, #tpu.memory_space<semaphore_mem>>
      tpu.enqueue_dma source(%arg2 : memref<12800xf32, #tpu.memory_space<hbm>>) target(%arg5 : memref<12800xf32, #tpu.memory_space<vmem>>) target_semaphore(%run_scoped3A : memref<!tpu.dma_semaphore, #tpu.memory_space<semaphore_mem>>)
      tpu.wait_dma2 semaphore(%run_scoped3A : memref<!tpu.dma_semaphore, #tpu.memory_space<semaphore_mem>>) src(%arg2 : memref<12800xf32, #tpu.memory_space<hbm>>) dst(%arg5 : memref<12800xf32, #tpu.memory_space<vmem>>)
      tpu.yield
    }) : () -> ()
    %mul3A = arith.constant 1 : i32
    %mul3A_0 = arith.muli %arg1, %mul3A : i32
    %add3A = arith.constant 0 : i32
    %add3A_1 = arith.addi %add3A, %mul3A_0 : i32
    %mul3A_2 = arith.constant 16 : i32
    %mul3A_3 = arith.muli %arg0, %mul3A_2 : i32
    %add3A_4 = arith.addi %add3A_1, %mul3A_3 : i32
    %mul3A_5 = arith.constant 512 : i32
    %mul3A_6 = arith.muli %add3A_4, %mul3A_5 : i32
    "tpu.region"() ({
      %run_scoped3A = memref.alloca() : memref<2x1x208xi32, #tpu.memory_space<vmem>>
      %run_scoped3A_7 = tpu.sem_alloc : memref<2x!tpu.dma_semaphore, #tpu.memory_space<semaphore_mem>>
      %run_scoped3A_8 = memref.alloca() : memref<2x1x12800xf32, #tpu.memory_space<vmem>>
      %run_scoped3A_9 = tpu.sem_alloc : memref<2x!tpu.dma_semaphore, #tpu.memory_space<semaphore_mem>>
      %add3A_10 = arith.constant 0 : i32
      %add3A_11 = arith.addi %add3A_10, %mul3A_6 : i32
      %select_n3A = arith.constant true
      %select_n3A_12 = arith.constant 0 : i32
      %select_n3A_13 = arith.constant -1 : i32
      %select_n3A_14 = arith.select %select_n3A, %select_n3A_13, %select_n3A_12 : i32
      %eq3A = arith.constant -1 : i32
      %eq3A_15 = arith.cmpi eq, %select_n3A_14, %eq3A : i32
      %select_n3A_16 = arith.constant 511 : i32
      %select_n3A_17 = arith.select %eq3A_15, %select_n3A_16, %select_n3A_14 : i32
      %add3A_18 = arith.addi %select_n3A_17, %mul3A_6 : i32
      %select_n3A_19 = arith.constant true
      %select_n3A_20 = arith.constant 0 : i32
      %select_n3A_21 = arith.constant 1 : i32
      %select_n3A_22 = arith.select %select_n3A_19, %select_n3A_21, %select_n3A_20 : i32
      %eq3A_23 = arith.constant 512 : i32
      %eq3A_24 = arith.cmpi eq, %select_n3A_22, %eq3A_23 : i32
      %select_n3A_25 = arith.constant 0 : i32
      %select_n3A_26 = arith.select %eq3A_24, %select_n3A_25, %select_n3A_22 : i32
      %add3A_27 = arith.addi %select_n3A_26, %mul3A_6 : i32
      %add3A_28 = arith.constant 1 : i32
      %add3A_29 = arith.addi %select_n3A_26, %add3A_28 : i32
      %select_n3A_30 = arith.constant true
      %select_n3A_31 = arith.select %select_n3A_30, %add3A_29, %select_n3A_26 : i32
      %eq3A_32 = arith.constant 512 : i32
      %eq3A_33 = arith.cmpi eq, %select_n3A_31, %eq3A_32 : i32
      %select_n3A_34 = arith.constant 0 : i32
      %select_n3A_35 = arith.select %eq3A_33, %select_n3A_34, %select_n3A_31 : i32
      %add3A_36 = arith.addi %select_n3A_35, %mul3A_6 : i32
      "tpu.trace_start"() <{level = 10 : i32, message = "ep_initialize_0"}> : () -> ()
      %rem3A = arith.constant 0 : i32
      %rem3A_37 = arith.constant 2 : i32
      %rem3A_38 = arith.remui %rem3A, %rem3A_37 : i32
      %mul3A_39 = arith.constant 1 : i32
      %mul3A_40 = arith.muli %mul3A_39, %add3A_11 : i32
      %dma_start3A = arith.constant 0 : i32
      %dma_start3A_41 = arith.constant 0 : i32
      %dma_start3A_42 = tpu.memref_slice %run_scoped3A[%rem3A_38, %dma_start3A, %dma_start3A_41] : memref<2x1x208xi32, #tpu.memory_space<vmem>> -> memref<1x1x208xi32, #tpu.memory_space<vmem>>
      %dma_start3A_43 = tpu.memref_squeeze %dma_start3A_42 : memref<1x1x208xi32, #tpu.memory_space<vmem>> -> memref<1x208xi32, #tpu.memory_space<vmem>>
      %dma_start3A_44 = arith.constant 0 : i32
      %dma_start3A_45 = tpu.memref_slice %arg3[%mul3A_40, %dma_start3A_44] : memref<16384x208xi32, #tpu.memory_space<hbm>> -> memref<1x208xi32, #tpu.memory_space<hbm>>
      %dma_start3A_46 = tpu.memref_slice %run_scoped3A_7[%rem3A_38] : memref<2x!tpu.dma_semaphore, #tpu.memory_space<semaphore_mem>> -> memref<1x!tpu.dma_semaphore, #tpu.memory_space<semaphore_mem>>
      %dma_start3A_47 = tpu.memref_squeeze %dma_start3A_46 : memref<1x!tpu.dma_semaphore, #tpu.memory_space<semaphore_mem>> -> memref<!tpu.dma_semaphore, #tpu.memory_space<semaphore_mem>>
      %dma_start3A_48 = arith.constant 0 : i32
      %dma_start3A_49 = arith.constant 0 : i32
      %dma_start3A_50 = tpu.memref_slice %run_scoped3A[%rem3A_38, %dma_start3A_48, %dma_start3A_49] : memref<2x1x208xi32, #tpu.memory_space<vmem>> -> memref<1x1x208xi32, #tpu.memory_space<vmem>>
      %dma_start3A_51 = tpu.memref_squeeze %dma_start3A_50 : memref<1x1x208xi32, #tpu.memory_space<vmem>> -> memref<1x208xi32, #tpu.memory_space<vmem>>
      %dma_start3A_52 = arith.constant 0 : i32
      %dma_start3A_53 = tpu.memref_slice %arg3[%mul3A_40, %dma_start3A_52] : memref<16384x208xi32, #tpu.memory_space<hbm>> -> memref<1x208xi32, #tpu.memory_space<hbm>>
      tpu.enqueue_dma source(%dma_start3A_53 : memref<1x208xi32, #tpu.memory_space<hbm>>) target(%dma_start3A_51 : memref<1x208xi32, #tpu.memory_space<vmem>>) target_semaphore(%dma_start3A_47 : memref<!tpu.dma_semaphore, #tpu.memory_space<semaphore_mem>>)
      %add3A_54 = arith.constant 0 : i32
      %add3A_55 = arith.constant 1 : i32
      %add3A_56 = arith.addi %add3A_54, %add3A_55 : i32
      %select_n3A_57 = arith.constant true
      %select_n3A_58 = arith.constant 0 : i32
      %select_n3A_59 = arith.select %select_n3A_57, %add3A_56, %select_n3A_58 : i32
      "tpu.trace_stop"() : () -> ()
      %scan3A = arith.constant 0 : i32
      %scan3A_60 = arith.constant 0 : i32
      %scan3A_61 = arith.constant 0 : i32
      %scan3A_62 = arith.constant 0 : i32
      %scan3A_63 = arith.constant 0 : i32
      %scan3A_64 = arith.constant 512 : i32
      %scan3A_65 = arith.addi %scan3A_63, %scan3A_64 : i32
      %scan3A_66 = arith.constant 1 : i32
      %scan3A_67:5 = scf.for %scan3A_121 = %scan3A_63 to %scan3A_65 step %scan3A_66 iter_args(%scan3A_122 = %select_n3A_59, %scan3A_123 = %scan3A, %scan3A_124 = %scan3A_60, %scan3A_125 = %scan3A_61, %scan3A_126 = %scan3A_62) -> (i32, i32, i32, i32, i32)  : i32 {
        %eq3A_127 = arith.constant 0 : i32
        %eq3A_128 = arith.cmpi eq, %scan3A_121, %eq3A_127 : i32
        %eq3A_129 = arith.constant 511 : i32
        %eq3A_130 = arith.cmpi eq, %scan3A_121, %eq3A_129 : i32
        %add3A_131 = arith.addi %scan3A_126, %mul3A_6 : i32
        %sub3A_132 = arith.constant 1 : i32
        %sub3A_133 = arith.subi %scan3A_126, %sub3A_132 : i32
        %select_n3A_134 = arith.constant true
        %select_n3A_135 = arith.select %select_n3A_134, %sub3A_133, %scan3A_126 : i32
        %eq3A_136 = arith.constant -1 : i32
        %eq3A_137 = arith.cmpi eq, %select_n3A_135, %eq3A_136 : i32
        %select_n3A_138 = arith.constant 511 : i32
        %select_n3A_139 = arith.select %eq3A_137, %select_n3A_138, %select_n3A_135 : i32
        %add3A_140 = arith.addi %select_n3A_139, %mul3A_6 : i32
        %add3A_141 = arith.constant 1 : i32
        %add3A_142 = arith.addi %scan3A_126, %add3A_141 : i32
        %select_n3A_143 = arith.constant true
        %select_n3A_144 = arith.select %select_n3A_143, %add3A_142, %scan3A_126 : i32
        %eq3A_145 = arith.constant 512 : i32
        %eq3A_146 = arith.cmpi eq, %select_n3A_144, %eq3A_145 : i32
        %select_n3A_147 = arith.constant 0 : i32
        %select_n3A_148 = arith.select %eq3A_146, %select_n3A_147, %select_n3A_144 : i32
        %add3A_149 = arith.addi %select_n3A_148, %mul3A_6 : i32
        %add3A_150 = arith.constant 1 : i32
        %add3A_151 = arith.addi %select_n3A_148, %add3A_150 : i32
        %select_n3A_152 = arith.constant true
        %select_n3A_153 = arith.select %select_n3A_152, %add3A_151, %select_n3A_148 : i32
        %eq3A_154 = arith.constant 512 : i32
        %eq3A_155 = arith.cmpi eq, %select_n3A_153, %eq3A_154 : i32
        %select_n3A_156 = arith.constant 0 : i32
        %select_n3A_157 = arith.select %eq3A_155, %select_n3A_156, %select_n3A_153 : i32
        %add3A_158 = arith.addi %select_n3A_157, %mul3A_6 : i32
        %ne3A = arith.cmpi ne, %add3A_131, %add3A_149 : i32
        %or3A = arith.constant false
        %or3A_159 = arith.ori %or3A, %ne3A : i1
        %or3A_160 = arith.constant false
        %or3A_161 = arith.ori %or3A_159, %or3A_160 : i1
        %ge3A = arith.constant 511 : i32
        %ge3A_162 = arith.cmpi sge, %scan3A_121, %ge3A : i32
        %not3A = arith.constant true
        %not3A_163 = arith.xori %ge3A_162, %not3A : i1
        %and3A = arith.andi %or3A_161, %not3A_163 : i1
        %convert_element_type3A = arith.extui %and3A : i1 to i32
        %cond3A = arith.constant 0 : i32
        %cond3A_164 = arith.cmpi ne, %convert_element_type3A, %cond3A : i32
        scf.if %cond3A_164 {
          "tpu.trace_start"() <{level = 10 : i32, message = "ep_copy_in"}> : () -> ()
          %rem3A_679 = arith.constant 2 : i32
          %rem3A_680 = arith.remui %scan3A_122, %rem3A_679 : i32
          %mul3A_681 = arith.constant 1 : i32
          %mul3A_682 = arith.muli %mul3A_681, %add3A_149 : i32
          %dma_start3A_683 = arith.constant 0 : i32
          %dma_start3A_684 = arith.constant 0 : i32
          %dma_start3A_685 = tpu.memref_slice %run_scoped3A[%rem3A_680, %dma_start3A_683, %dma_start3A_684] : memref<2x1x208xi32, #tpu.memory_space<vmem>> -> memref<1x1x208xi32, #tpu.memory_space<vmem>>
          %dma_start3A_686 = tpu.memref_squeeze %dma_start3A_685 : memref<1x1x208xi32, #tpu.memory_space<vmem>> -> memref<1x208xi32, #tpu.memory_space<vmem>>
          %dma_start3A_687 = arith.constant 0 : i32
          %dma_start3A_688 = tpu.memref_slice %arg3[%mul3A_682, %dma_start3A_687] : memref<16384x208xi32, #tpu.memory_space<hbm>> -> memref<1x208xi32, #tpu.memory_space<hbm>>
          %dma_start3A_689 = tpu.memref_slice %run_scoped3A_7[%rem3A_680] : memref<2x!tpu.dma_semaphore, #tpu.memory_space<semaphore_mem>> -> memref<1x!tpu.dma_semaphore, #tpu.memory_space<semaphore_mem>>
          %dma_start3A_690 = tpu.memref_squeeze %dma_start3A_689 : memref<1x!tpu.dma_semaphore, #tpu.memory_space<semaphore_mem>> -> memref<!tpu.dma_semaphore, #tpu.memory_space<semaphore_mem>>
          %dma_start3A_691 = arith.constant 0 : i32
          %dma_start3A_692 = arith.constant 0 : i32
          %dma_start3A_693 = tpu.memref_slice %run_scoped3A[%rem3A_680, %dma_start3A_691, %dma_start3A_692] : memref<2x1x208xi32, #tpu.memory_space<vmem>> -> memref<1x1x208xi32, #tpu.memory_space<vmem>>
          %dma_start3A_694 = tpu.memref_squeeze %dma_start3A_693 : memref<1x1x208xi32, #tpu.memory_space<vmem>> -> memref<1x208xi32, #tpu.memory_space<vmem>>
          %dma_start3A_695 = arith.constant 0 : i32
          %dma_start3A_696 = tpu.memref_slice %arg3[%mul3A_682, %dma_start3A_695] : memref<16384x208xi32, #tpu.memory_space<hbm>> -> memref<1x208xi32, #tpu.memory_space<hbm>>
          tpu.enqueue_dma source(%dma_start3A_696 : memref<1x208xi32, #tpu.memory_space<hbm>>) target(%dma_start3A_694 : memref<1x208xi32, #tpu.memory_space<vmem>>) target_semaphore(%dma_start3A_690 : memref<!tpu.dma_semaphore, #tpu.memory_space<semaphore_mem>>)
          "tpu.trace_stop"() : () -> ()
        } else {
        }
        %and3A_165 = arith.constant true
        %and3A_166 = arith.andi %and3A, %and3A_165 : i1
        %add3A_167 = arith.constant 1 : i32
        %add3A_168 = arith.addi %scan3A_122, %add3A_167 : i32
        %select_n3A_169 = arith.select %and3A_166, %add3A_168, %scan3A_122 : i32
        %ne3A_170 = arith.cmpi ne, %add3A_131, %add3A_149 : i32
        %or3A_171 = arith.constant false
        %or3A_172 = arith.ori %or3A_171, %ne3A_170 : i1
        %or3A_173 = arith.constant false
        %or3A_174 = arith.ori %or3A_172, %or3A_173 : i1
        %ge3A_175 = arith.constant 511 : i32
        %ge3A_176 = arith.cmpi sge, %scan3A_121, %ge3A_175 : i32
        %not3A_177 = arith.constant true
        %not3A_178 = arith.xori %ge3A_176, %not3A_177 : i1
        %and3A_179 = arith.andi %or3A_174, %not3A_178 : i1
        %ne3A_180 = arith.cmpi ne, %add3A_131, %add3A_140 : i32
        %or3A_181 = arith.constant false
        %or3A_182 = arith.ori %or3A_181, %ne3A_180 : i1
        %or3A_183 = arith.constant false
        %or3A_184 = arith.ori %or3A_182, %or3A_183 : i1
        %or3A_185 = arith.ori %or3A_184, %eq3A_128 : i1
        %convert_element_type3A_186 = arith.extui %or3A_185 : i1 to i32
        %cond3A_187 = arith.constant 0 : i32
        %cond3A_188 = arith.cmpi ne, %convert_element_type3A_186, %cond3A_187 : i32
        scf.if %cond3A_188 {
          "tpu.trace_start"() <{level = 10 : i32, message = "ep_wait_in"}> : () -> ()
          %mul3A_679 = arith.constant 1 : i32
          %mul3A_680 = arith.muli %mul3A_679, %add3A_131 : i32
          %rem3A_681 = arith.constant 2 : i32
          %rem3A_682 = arith.remui %scan3A_123, %rem3A_681 : i32
          %dma_wait3A_683 = arith.constant 0 : i32
          %dma_wait3A_684 = arith.constant 0 : i32
          %dma_wait3A_685 = tpu.memref_slice %run_scoped3A[%rem3A_682, %dma_wait3A_683, %dma_wait3A_684] : memref<2x1x208xi32, #tpu.memory_space<vmem>> -> memref<1x1x208xi32, #tpu.memory_space<vmem>>
          %dma_wait3A_686 = tpu.memref_squeeze %dma_wait3A_685 : memref<1x1x208xi32, #tpu.memory_space<vmem>> -> memref<1x208xi32, #tpu.memory_space<vmem>>
          %dma_wait3A_687 = arith.constant 0 : i32
          %dma_wait3A_688 = tpu.memref_slice %arg3[%mul3A_680, %dma_wait3A_687] : memref<16384x208xi32, #tpu.memory_space<hbm>> -> memref<1x208xi32, #tpu.memory_space<hbm>>
          %dma_wait3A_689 = tpu.memref_slice %run_scoped3A_7[%rem3A_682] : memref<2x!tpu.dma_semaphore, #tpu.memory_space<semaphore_mem>> -> memref<1x!tpu.dma_semaphore, #tpu.memory_space<semaphore_mem>>
          %dma_wait3A_690 = tpu.memref_squeeze %dma_wait3A_689 : memref<1x!tpu.dma_semaphore, #tpu.memory_space<semaphore_mem>> -> memref<!tpu.dma_semaphore, #tpu.memory_space<semaphore_mem>>
          %dma_wait3A_691 = arith.constant 0 : i32
          %dma_wait3A_692 = arith.constant 0 : i32
          %dma_wait3A_693 = tpu.memref_slice %run_scoped3A[%rem3A_682, %dma_wait3A_691, %dma_wait3A_692] : memref<2x1x208xi32, #tpu.memory_space<vmem>> -> memref<1x1x208xi32, #tpu.memory_space<vmem>>
          %dma_wait3A_694 = tpu.memref_squeeze %dma_wait3A_693 : memref<1x1x208xi32, #tpu.memory_space<vmem>> -> memref<1x208xi32, #tpu.memory_space<vmem>>
          %dma_wait3A_695 = arith.constant 0 : i32
          %dma_wait3A_696 = tpu.memref_slice %arg3[%mul3A_680, %dma_wait3A_695] : memref<16384x208xi32, #tpu.memory_space<hbm>> -> memref<1x208xi32, #tpu.memory_space<hbm>>
          tpu.wait_dma2 semaphore(%dma_wait3A_690 : memref<!tpu.dma_semaphore, #tpu.memory_space<semaphore_mem>>) src(%dma_wait3A_696 : memref<1x208xi32, #tpu.memory_space<hbm>>) dst(%dma_wait3A_694 : memref<1x208xi32, #tpu.memory_space<vmem>>)
          "tpu.trace_stop"() : () -> ()
        } else {
        }
        %ne3A_189 = arith.cmpi ne, %add3A_131, %add3A_140 : i32
        %or3A_190 = arith.constant false
        %or3A_191 = arith.ori %or3A_190, %ne3A_189 : i1
        %or3A_192 = arith.constant false
        %or3A_193 = arith.ori %or3A_191, %or3A_192 : i1
        %or3A_194 = arith.ori %or3A_193, %eq3A_128 : i1
        %convert_element_type3A_195 = arith.extui %or3A_194 : i1 to i32
        %cond3A_196 = arith.constant 0 : i32
        %cond3A_197 = arith.cmpi ne, %convert_element_type3A_195, %cond3A_196 : i32
        scf.if %cond3A_197 {
        } else {
        }
        %rem3A_198 = arith.constant 2 : i32
        %rem3A_199 = arith.remui %scan3A_123, %rem3A_198 : i32
        %rem3A_200 = arith.constant 2 : i32
        %rem3A_201 = arith.remui %scan3A_124, %rem3A_200 : i32
        %parallel_loop3A = arith.constant 0 : i32
        %parallel_loop3A_202 = arith.constant 12 : i32
        %parallel_loop3A_203 = arith.constant 1 : i32
        "tpu.trace_start"() <{level = 10 : i32, message = "ep_run_kernel"}> : () -> ()
        scf.for %parallel_loop3A_679 = %parallel_loop3A to %parallel_loop3A_202 step %parallel_loop3A_203  : i32 {
          %parallel_loop3A_680 = arith.constant 16 : i32
          %parallel_loop3A_681 = arith.muli %parallel_loop3A_679, %parallel_loop3A_680 : i32
          %parallel_loop3A_682 = arith.constant 0 : i32
          %parallel_loop3A_683 = arith.constant 0 : i32
          %parallel_loop3A_684 = arith.constant 0 : i32
          %parallel_loop3A_685 = tpu.memref_slice %run_scoped3A[%rem3A_199, %parallel_loop3A_683, %parallel_loop3A_684] : memref<2x1x208xi32, #tpu.memory_space<vmem>> -> memref<1x1x208xi32, #tpu.memory_space<vmem>>
          %parallel_loop3A_686 = tpu.memref_squeeze %parallel_loop3A_685 : memref<1x1x208xi32, #tpu.memory_space<vmem>> -> memref<1x208xi32, #tpu.memory_space<vmem>>
          %parallel_loop3A_687 = arith.index_cast %parallel_loop3A_682 : i32 to index
          %parallel_loop3A_688 = arith.index_cast %parallel_loop3A_681 : i32 to index
          %parallel_loop3A_689 = tpu.vector_load %parallel_loop3A_686[%parallel_loop3A_687, %parallel_loop3A_688] {strides = array<i32>} : memref<1x208xi32, #tpu.memory_space<vmem>>, vector<16xi32>,
          %parallel_loop3A_690 = vector.extract_strided_slice %parallel_loop3A_689 {offsets = [0], sizes = [1], strides = [1]} : vector<16xi32> to vector<1xi32>
          %parallel_loop3A_691 = vector.extract %parallel_loop3A_690[0] : i32 from vector<1xi32>
          %parallel_loop3A_692 = arith.constant 16 : i32
          %parallel_loop3A_693 = arith.muli %parallel_loop3A_679, %parallel_loop3A_692 : i32
          %parallel_loop3A_694 = arith.constant 0 : i32
          %parallel_loop3A_695 = arith.addi %parallel_loop3A_693, %parallel_loop3A_694 : i32
          %parallel_loop3A_696 = arith.constant 64 : i32
          %parallel_loop3A_697 = arith.muli %parallel_loop3A_695, %parallel_loop3A_696 : i32
          %parallel_loop3A_698 = arith.constant 0 : i32
          %parallel_loop3A_699 = arith.addi %parallel_loop3A_697, %parallel_loop3A_698 : i32
          %parallel_loop3A_700 = arith.index_cast %parallel_loop3A_699 : i32 to index
          %parallel_loop3A_701 = tpu.vector_load %arg5[%parallel_loop3A_700] {strides = array<i32>} : memref<12800xf32, #tpu.memory_space<vmem>>, vector<16xf32>,
          %parallel_loop3A_702 = arith.constant 0 : i32
          %parallel_loop3A_703 = arith.addi %parallel_loop3A_691, %parallel_loop3A_702 : i32
          %parallel_loop3A_704 = arith.constant 0 : i32
          %parallel_loop3A_705 = arith.constant 0 : i32
          %parallel_loop3A_706 = arith.constant 0 : i32
          %parallel_loop3A_707 = tpu.memref_slice %run_scoped3A_8[%rem3A_201, %parallel_loop3A_705, %parallel_loop3A_706] : memref<2x1x12800xf32, #tpu.memory_space<vmem>> -> memref<1x1x12800xf32, #tpu.memory_space<vmem>>
          %parallel_loop3A_708 = tpu.memref_squeeze %parallel_loop3A_707 : memref<1x1x12800xf32, #tpu.memory_space<vmem>> -> memref<1x12800xf32, #tpu.memory_space<vmem>>
          %parallel_loop3A_709 = arith.index_cast %parallel_loop3A_704 : i32 to index
          %parallel_loop3A_710 = arith.index_cast %parallel_loop3A_703 : i32 to index
          %parallel_loop3A_711 = tpu.vector_load %parallel_loop3A_708[%parallel_loop3A_709, %parallel_loop3A_710] {strides = array<i32>} : memref<1x12800xf32, #tpu.memory_space<vmem>>, vector<16xf32>,
          tpu.vector_store %parallel_loop3A_708[%parallel_loop3A_709, %parallel_loop3A_710], %parallel_loop3A_701 {strides = array<i32>} : memref<1x12800xf32, #tpu.memory_space<vmem>>, vector<16xf32>,
          %parallel_loop3A_712 = arith.constant 16 : i32
          %parallel_loop3A_713 = arith.addi %parallel_loop3A_697, %parallel_loop3A_712 : i32
          %parallel_loop3A_714 = arith.index_cast %parallel_loop3A_713 : i32 to index
          %parallel_loop3A_715 = tpu.vector_load %arg5[%parallel_loop3A_714] {strides = array<i32>} : memref<12800xf32, #tpu.memory_space<vmem>>, vector<16xf32>,
          %parallel_loop3A_716 = arith.constant 16 : i32
          %parallel_loop3A_717 = arith.addi %parallel_loop3A_691, %parallel_loop3A_716 : i32
          %parallel_loop3A_718 = arith.constant 0 : i32
          %parallel_loop3A_719 = arith.constant 0 : i32
          %parallel_loop3A_720 = arith.constant 0 : i32
          %parallel_loop3A_721 = tpu.memref_slice %run_scoped3A_8[%rem3A_201, %parallel_loop3A_719, %parallel_loop3A_720] : memref<2x1x12800xf32, #tpu.memory_space<vmem>> -> memref<1x1x12800xf32, #tpu.memory_space<vmem>>
          %parallel_loop3A_722 = tpu.memref_squeeze %parallel_loop3A_721 : memref<1x1x12800xf32, #tpu.memory_space<vmem>> -> memref<1x12800xf32, #tpu.memory_space<vmem>>
          %parallel_loop3A_723 = arith.index_cast %parallel_loop3A_718 : i32 to index
          %parallel_loop3A_724 = arith.index_cast %parallel_loop3A_717 : i32 to index
          %parallel_loop3A_725 = tpu.vector_load %parallel_loop3A_722[%parallel_loop3A_723, %parallel_loop3A_724] {strides = array<i32>} : memref<1x12800xf32, #tpu.memory_space<vmem>>, vector<16xf32>,
          tpu.vector_store %parallel_loop3A_722[%parallel_loop3A_723, %parallel_loop3A_724], %parallel_loop3A_715 {strides = array<i32>} : memref<1x12800xf32, #tpu.memory_space<vmem>>, vector<16xf32>,
          %parallel_loop3A_726 = arith.constant 32 : i32
          %parallel_loop3A_727 = arith.addi %parallel_loop3A_697, %parallel_loop3A_726 : i32
          %parallel_loop3A_728 = arith.index_cast %parallel_loop3A_727 : i32 to index
          %parallel_loop3A_729 = tpu.vector_load %arg5[%parallel_loop3A_728] {strides = array<i32>} : memref<12800xf32, #tpu.memory_space<vmem>>, vector<16xf32>,
          %parallel_loop3A_730 = arith.constant 32 : i32
          %parallel_loop3A_731 = arith.addi %parallel_loop3A_691, %parallel_loop3A_730 : i32
          %parallel_loop3A_732 = arith.constant 0 : i32
          %parallel_loop3A_733 = arith.constant 0 : i32
          %parallel_loop3A_734 = arith.constant 0 : i32
          %parallel_loop3A_735 = tpu.memref_slice %run_scoped3A_8[%rem3A_201, %parallel_loop3A_733, %parallel_loop3A_734] : memref<2x1x12800xf32, #tpu.memory_space<vmem>> -> memref<1x1x12800xf32, #tpu.memory_space<vmem>>
          %parallel_loop3A_736 = tpu.memref_squeeze %parallel_loop3A_735 : memref<1x1x12800xf32, #tpu.memory_space<vmem>> -> memref<1x12800xf32, #tpu.memory_space<vmem>>
          %parallel_loop3A_737 = arith.index_cast %parallel_loop3A_732 : i32 to index
          %parallel_loop3A_738 = arith.index_cast %parallel_loop3A_731 : i32 to index
          %parallel_loop3A_739 = tpu.vector_load %parallel_loop3A_736[%parallel_loop3A_737, %parallel_loop3A_738] {strides = array<i32>} : memref<1x12800xf32, #tpu.memory_space<vmem>>, vector<16xf32>,
          tpu.vector_store %parallel_loop3A_736[%parallel_loop3A_737, %parallel_loop3A_738], %parallel_loop3A_729 {strides = array<i32>} : memref<1x12800xf32, #tpu.memory_space<vmem>>, vector<16xf32>,
          %parallel_loop3A_740 = arith.constant 48 : i32
          %parallel_loop3A_741 = arith.addi %parallel_loop3A_697, %parallel_loop3A_740 : i32
          %parallel_loop3A_742 = arith.index_cast %parallel_loop3A_741 : i32 to index
          %parallel_loop3A_743 = tpu.vector_load %arg5[%parallel_loop3A_742] {strides = array<i32>} : memref<12800xf32, #tpu.memory_space<vmem>>, vector<16xf32>,
          %parallel_loop3A_744 = arith.constant 48 : i32
          %parallel_loop3A_745 = arith.addi %parallel_loop3A_691, %parallel_loop3A_744 : i32
          %parallel_loop3A_746 = arith.constant 0 : i32
          %parallel_loop3A_747 = arith.constant 0 : i32
          %parallel_loop3A_748 = arith.constant 0 : i32
          %parallel_loop3A_749 = tpu.memref_slice %run_scoped3A_8[%rem3A_201, %parallel_loop3A_747, %parallel_loop3A_748] : memref<2x1x12800xf32, #tpu.memory_space<vmem>> -> memref<1x1x12800xf32, #tpu.memory_space<vmem>>
          %parallel_loop3A_750 = tpu.memref_squeeze %parallel_loop3A_749 : memref<1x1x12800xf32, #tpu.memory_space<vmem>> -> memref<1x12800xf32, #tpu.memory_space<vmem>>
          %parallel_loop3A_751 = arith.index_cast %parallel_loop3A_746 : i32 to index
          %parallel_loop3A_752 = arith.index_cast %parallel_loop3A_745 : i32 to index
          %parallel_loop3A_753 = tpu.vector_load %parallel_loop3A_750[%parallel_loop3A_751, %parallel_loop3A_752] {strides = array<i32>} : memref<1x12800xf32, #tpu.memory_space<vmem>>, vector<16xf32>,
          tpu.vector_store %parallel_loop3A_750[%parallel_loop3A_751, %parallel_loop3A_752], %parallel_loop3A_743 {strides = array<i32>} : memref<1x12800xf32, #tpu.memory_space<vmem>>, vector<16xf32>,
          %parallel_loop3A_754 = vector.extract_strided_slice %parallel_loop3A_689 {offsets = [1], sizes = [1], strides = [1]} : vector<16xi32> to vector<1xi32>
          %parallel_loop3A_755 = vector.extract %parallel_loop3A_754[0] : i32 from vector<1xi32>
          %parallel_loop3A_756 = arith.constant 16 : i32
          %parallel_loop3A_757 = arith.muli %parallel_loop3A_679, %parallel_loop3A_756 : i32
          %parallel_loop3A_758 = arith.constant 1 : i32
          %parallel_loop3A_759 = arith.addi %parallel_loop3A_757, %parallel_loop3A_758 : i32
          %parallel_loop3A_760 = arith.constant 64 : i32
          %parallel_loop3A_761 = arith.muli %parallel_loop3A_759, %parallel_loop3A_760 : i32
          %parallel_loop3A_762 = arith.constant 0 : i32
          %parallel_loop3A_763 = arith.addi %parallel_loop3A_761, %parallel_loop3A_762 : i32
          %parallel_loop3A_764 = arith.index_cast %parallel_loop3A_763 : i32 to index
          %parallel_loop3A_765 = tpu.vector_load %arg5[%parallel_loop3A_764] {strides = array<i32>} : memref<12800xf32, #tpu.memory_space<vmem>>, vector<16xf32>,
          %parallel_loop3A_766 = arith.constant 0 : i32
          %parallel_loop3A_767 = arith.addi %parallel_loop3A_755, %parallel_loop3A_766 : i32
          %parallel_loop3A_768 = arith.constant 0 : i32
          %parallel_loop3A_769 = arith.constant 0 : i32
          %parallel_loop3A_770 = arith.constant 0 : i32
          %parallel_loop3A_771 = tpu.memref_slice %run_scoped3A_8[%rem3A_201, %parallel_loop3A_769, %parallel_loop3A_770] : memref<2x1x12800xf32, #tpu.memory_space<vmem>> -> memref<1x1x12800xf32, #tpu.memory_space<vmem>>
          %parallel_loop3A_772 = tpu.memref_squeeze %parallel_loop3A_771 : memref<1x1x12800xf32, #tpu.memory_space<vmem>> -> memref<1x12800xf32, #tpu.memory_space<vmem>>
          %parallel_loop3A_773 = arith.index_cast %parallel_loop3A_768 : i32 to index
          %parallel_loop3A_774 = arith.index_cast %parallel_loop3A_767 : i32 to index
          %parallel_loop3A_775 = tpu.vector_load %parallel_loop3A_772[%parallel_loop3A_773, %parallel_loop3A_774] {strides = array<i32>} : memref<1x12800xf32, #tpu.memory_space<vmem>>, vector<16xf32>,
          tpu.vector_store %parallel_loop3A_772[%parallel_loop3A_773, %parallel_loop3A_774], %parallel_loop3A_765 {strides = array<i32>} : memref<1x12800xf32, #tpu.memory_space<vmem>>, vector<16xf32>,
          %parallel_loop3A_776 = arith.constant 16 : i32
          %parallel_loop3A_777 = arith.addi %parallel_loop3A_761, %parallel_loop3A_776 : i32
          %parallel_loop3A_778 = arith.index_cast %parallel_loop3A_777 : i32 to index
          %parallel_loop3A_779 = tpu.vector_load %arg5[%parallel_loop3A_778] {strides = array<i32>} : memref<12800xf32, #tpu.memory_space<vmem>>, vector<16xf32>,
          %parallel_loop3A_780 = arith.constant 16 : i32
          %parallel_loop3A_781 = arith.addi %parallel_loop3A_755, %parallel_loop3A_780 : i32
          %parallel_loop3A_782 = arith.constant 0 : i32
          %parallel_loop3A_783 = arith.constant 0 : i32
          %parallel_loop3A_784 = arith.constant 0 : i32
          %parallel_loop3A_785 = tpu.memref_slice %run_scoped3A_8[%rem3A_201, %parallel_loop3A_783, %parallel_loop3A_784] : memref<2x1x12800xf32, #tpu.memory_space<vmem>> -> memref<1x1x12800xf32, #tpu.memory_space<vmem>>
          %parallel_loop3A_786 = tpu.memref_squeeze %parallel_loop3A_785 : memref<1x1x12800xf32, #tpu.memory_space<vmem>> -> memref<1x12800xf32, #tpu.memory_space<vmem>>
          %parallel_loop3A_787 = arith.index_cast %parallel_loop3A_782 : i32 to index
          %parallel_loop3A_788 = arith.index_cast %parallel_loop3A_781 : i32 to index
          %parallel_loop3A_789 = tpu.vector_load %parallel_loop3A_786[%parallel_loop3A_787, %parallel_loop3A_788] {strides = array<i32>} : memref<1x12800xf32, #tpu.memory_space<vmem>>, vector<16xf32>,
          tpu.vector_store %parallel_loop3A_786[%parallel_loop3A_787, %parallel_loop3A_788], %parallel_loop3A_779 {strides = array<i32>} : memref<1x12800xf32, #tpu.memory_space<vmem>>, vector<16xf32>,
          %parallel_loop3A_790 = arith.constant 32 : i32
          %parallel_loop3A_791 = arith.addi %parallel_loop3A_761, %parallel_loop3A_790 : i32
          %parallel_loop3A_792 = arith.index_cast %parallel_loop3A_791 : i32 to index
          %parallel_loop3A_793 = tpu.vector_load %arg5[%parallel_loop3A_792] {strides = array<i32>} : memref<12800xf32, #tpu.memory_space<vmem>>, vector<16xf32>,
          %parallel_loop3A_794 = arith.constant 32 : i32
          %parallel_loop3A_795 = arith.addi %parallel_loop3A_755, %parallel_loop3A_794 : i32
          %parallel_loop3A_796 = arith.constant 0 : i32
          %parallel_loop3A_797 = arith.constant 0 : i32
          %parallel_loop3A_798 = arith.constant 0 : i32
          %parallel_loop3A_799 = tpu.memref_slice %run_scoped3A_8[%rem3A_201, %parallel_loop3A_797, %parallel_loop3A_798] : memref<2x1x12800xf32, #tpu.memory_space<vmem>> -> memref<1x1x12800xf32, #tpu.memory_space<vmem>>
          %parallel_loop3A_800 = tpu.memref_squeeze %parallel_loop3A_799 : memref<1x1x12800xf32, #tpu.memory_space<vmem>> -> memref<1x12800xf32, #tpu.memory_space<vmem>>
          %parallel_loop3A_801 = arith.index_cast %parallel_loop3A_796 : i32 to index
          %parallel_loop3A_802 = arith.index_cast %parallel_loop3A_795 : i32 to index
          %parallel_loop3A_803 = tpu.vector_load %parallel_loop3A_800[%parallel_loop3A_801, %parallel_loop3A_802] {strides = array<i32>} : memref<1x12800xf32, #tpu.memory_space<vmem>>, vector<16xf32>,
          tpu.vector_store %parallel_loop3A_800[%parallel_loop3A_801, %parallel_loop3A_802], %parallel_loop3A_793 {strides = array<i32>} : memref<1x12800xf32, #tpu.memory_space<vmem>>, vector<16xf32>,
          %parallel_loop3A_804 = arith.constant 48 : i32
          %parallel_loop3A_805 = arith.addi %parallel_loop3A_761, %parallel_loop3A_804 : i32
          %parallel_loop3A_806 = arith.index_cast %parallel_loop3A_805 : i32 to index
          %parallel_loop3A_807 = tpu.vector_load %arg5[%parallel_loop3A_806] {strides = array<i32>} : memref<12800xf32, #tpu.memory_space<vmem>>, vector<16xf32>,
          %parallel_loop3A_808 = arith.constant 48 : i32
          %parallel_loop3A_809 = arith.addi %parallel_loop3A_755, %parallel_loop3A_808 : i32
          %parallel_loop3A_810 = arith.constant 0 : i32
          %parallel_loop3A_811 = arith.constant 0 : i32
          %parallel_loop3A_812 = arith.constant 0 : i32
          %parallel_loop3A_813 = tpu.memref_slice %run_scoped3A_8[%rem3A_201, %parallel_loop3A_811, %parallel_loop3A_812] : memref<2x1x12800xf32, #tpu.memory_space<vmem>> -> memref<1x1x12800xf32, #tpu.memory_space<vmem>>
          %parallel_loop3A_814 = tpu.memref_squeeze %parallel_loop3A_813 : memref<1x1x12800xf32, #tpu.memory_space<vmem>> -> memref<1x12800xf32, #tpu.memory_space<vmem>>
          %parallel_loop3A_815 = arith.index_cast %parallel_loop3A_810 : i32 to index
          %parallel_loop3A_816 = arith.index_cast %parallel_loop3A_809 : i32 to index
          %parallel_loop3A_817 = tpu.vector_load %parallel_loop3A_814[%parallel_loop3A_815, %parallel_loop3A_816] {strides = array<i32>} : memref<1x12800xf32, #tpu.memory_space<vmem>>, vector<16xf32>,
          tpu.vector_store %parallel_loop3A_814[%parallel_loop3A_815, %parallel_loop3A_816], %parallel_loop3A_807 {strides = array<i32>} : memref<1x12800xf32, #tpu.memory_space<vmem>>, vector<16xf32>,
          %parallel_loop3A_818 = vector.extract_strided_slice %parallel_loop3A_689 {offsets = [2], sizes = [1], strides = [1]} : vector<16xi32> to vector<1xi32>
          %parallel_loop3A_819 = vector.extract %parallel_loop3A_818[0] : i32 from vector<1xi32>
          %parallel_loop3A_820 = arith.constant 16 : i32
          %parallel_loop3A_821 = arith.muli %parallel_loop3A_679, %parallel_loop3A_820 : i32
          %parallel_loop3A_822 = arith.constant 2 : i32
          %parallel_loop3A_823 = arith.addi %parallel_loop3A_821, %parallel_loop3A_822 : i32
          %parallel_loop3A_824 = arith.constant 64 : i32
          %parallel_loop3A_825 = arith.muli %parallel_loop3A_823, %parallel_loop3A_824 : i32
          %parallel_loop3A_826 = arith.constant 0 : i32
          %parallel_loop3A_827 = arith.addi %parallel_loop3A_825, %parallel_loop3A_826 : i32
          %parallel_loop3A_828 = arith.index_cast %parallel_loop3A_827 : i32 to index
          %parallel_loop3A_829 = tpu.vector_load %arg5[%parallel_loop3A_828] {strides = array<i32>} : memref<12800xf32, #tpu.memory_space<vmem>>, vector<16xf32>,
          %parallel_loop3A_830 = arith.constant 0 : i32
          %parallel_loop3A_831 = arith.addi %parallel_loop3A_819, %parallel_loop3A_830 : i32
          %parallel_loop3A_832 = arith.constant 0 : i32
          %parallel_loop3A_833 = arith.constant 0 : i32
          %parallel_loop3A_834 = arith.constant 0 : i32
          %parallel_loop3A_835 = tpu.memref_slice %run_scoped3A_8[%rem3A_201, %parallel_loop3A_833, %parallel_loop3A_834] : memref<2x1x12800xf32, #tpu.memory_space<vmem>> -> memref<1x1x12800xf32, #tpu.memory_space<vmem>>
          %parallel_loop3A_836 = tpu.memref_squeeze %parallel_loop3A_835 : memref<1x1x12800xf32, #tpu.memory_space<vmem>> -> memref<1x12800xf32, #tpu.memory_space<vmem>>
          %parallel_loop3A_837 = arith.index_cast %parallel_loop3A_832 : i32 to index
          %parallel_loop3A_838 = arith.index_cast %parallel_loop3A_831 : i32 to index
          %parallel_loop3A_839 = tpu.vector_load %parallel_loop3A_836[%parallel_loop3A_837, %parallel_loop3A_838] {strides = array<i32>} : memref<1x12800xf32, #tpu.memory_space<vmem>>, vector<16xf32>,
          tpu.vector_store %parallel_loop3A_836[%parallel_loop3A_837, %parallel_loop3A_838], %parallel_loop3A_829 {strides = array<i32>} : memref<1x12800xf32, #tpu.memory_space<vmem>>, vector<16xf32>,
          %parallel_loop3A_840 = arith.constant 16 : i32
          %parallel_loop3A_841 = arith.addi %parallel_loop3A_825, %parallel_loop3A_840 : i32
          %parallel_loop3A_842 = arith.index_cast %parallel_loop3A_841 : i32 to index
          %parallel_loop3A_843 = tpu.vector_load %arg5[%parallel_loop3A_842] {strides = array<i32>} : memref<12800xf32, #tpu.memory_space<vmem>>, vector<16xf32>,
          %parallel_loop3A_844 = arith.constant 16 : i32
          %parallel_loop3A_845 = arith.addi %parallel_loop3A_819, %parallel_loop3A_844 : i32
          %parallel_loop3A_846 = arith.constant 0 : i32
          %parallel_loop3A_847 = arith.constant 0 : i32
          %parallel_loop3A_848 = arith.constant 0 : i32
          %parallel_loop3A_849 = tpu.memref_slice %run_scoped3A_8[%rem3A_201, %parallel_loop3A_847, %parallel_loop3A_848] : memref<2x1x12800xf32, #tpu.memory_space<vmem>> -> memref<1x1x12800xf32, #tpu.memory_space<vmem>>
          %parallel_loop3A_850 = tpu.memref_squeeze %parallel_loop3A_849 : memref<1x1x12800xf32, #tpu.memory_space<vmem>> -> memref<1x12800xf32, #tpu.memory_space<vmem>>
          %parallel_loop3A_851 = arith.index_cast %parallel_loop3A_846 : i32 to index
          %parallel_loop3A_852 = arith.index_cast %parallel_loop3A_845 : i32 to index
          %parallel_loop3A_853 = tpu.vector_load %parallel_loop3A_850[%parallel_loop3A_851, %parallel_loop3A_852] {strides = array<i32>} : memref<1x12800xf32, #tpu.memory_space<vmem>>, vector<16xf32>,
          tpu.vector_store %parallel_loop3A_850[%parallel_loop3A_851, %parallel_loop3A_852], %parallel_loop3A_843 {strides = array<i32>} : memref<1x12800xf32, #tpu.memory_space<vmem>>, vector<16xf32>,
          %parallel_loop3A_854 = arith.constant 32 : i32
          %parallel_loop3A_855 = arith.addi %parallel_loop3A_825, %parallel_loop3A_854 : i32
          %parallel_loop3A_856 = arith.index_cast %parallel_loop3A_855 : i32 to index
          %parallel_loop3A_857 = tpu.vector_load %arg5[%parallel_loop3A_856] {strides = array<i32>} : memref<12800xf32, #tpu.memory_space<vmem>>, vector<16xf32>,
          %parallel_loop3A_858 = arith.constant 32 : i32
          %parallel_loop3A_859 = arith.addi %parallel_loop3A_819, %parallel_loop3A_858 : i32
          %parallel_loop3A_860 = arith.constant 0 : i32
          %parallel_loop3A_861 = arith.constant 0 : i32
          %parallel_loop3A_862 = arith.constant 0 : i32
          %parallel_loop3A_863 = tpu.memref_slice %run_scoped3A_8[%rem3A_201, %parallel_loop3A_861, %parallel_loop3A_862] : memref<2x1x12800xf32, #tpu.memory_space<vmem>> -> memref<1x1x12800xf32, #tpu.memory_space<vmem>>
          %parallel_loop3A_864 = tpu.memref_squeeze %parallel_loop3A_863 : memref<1x1x12800xf32, #tpu.memory_space<vmem>> -> memref<1x12800xf32, #tpu.memory_space<vmem>>
          %parallel_loop3A_865 = arith.index_cast %parallel_loop3A_860 : i32 to index
          %parallel_loop3A_866 = arith.index_cast %parallel_loop3A_859 : i32 to index
          %parallel_loop3A_867 = tpu.vector_load %parallel_loop3A_864[%parallel_loop3A_865, %parallel_loop3A_866] {strides = array<i32>} : memref<1x12800xf32, #tpu.memory_space<vmem>>, vector<16xf32>,
          tpu.vector_store %parallel_loop3A_864[%parallel_loop3A_865, %parallel_loop3A_866], %parallel_loop3A_857 {strides = array<i32>} : memref<1x12800xf32, #tpu.memory_space<vmem>>, vector<16xf32>,
          %parallel_loop3A_868 = arith.constant 48 : i32
          %parallel_loop3A_869 = arith.addi %parallel_loop3A_825, %parallel_loop3A_868 : i32
          %parallel_loop3A_870 = arith.index_cast %parallel_loop3A_869 : i32 to index
          %parallel_loop3A_871 = tpu.vector_load %arg5[%parallel_loop3A_870] {strides = array<i32>} : memref<12800xf32, #tpu.memory_space<vmem>>, vector<16xf32>,
          %parallel_loop3A_872 = arith.constant 48 : i32
          %parallel_loop3A_873 = arith.addi %parallel_loop3A_819, %parallel_loop3A_872 : i32
          %parallel_loop3A_874 = arith.constant 0 : i32
          %parallel_loop3A_875 = arith.constant 0 : i32
          %parallel_loop3A_876 = arith.constant 0 : i32
          %parallel_loop3A_877 = tpu.memref_slice %run_scoped3A_8[%rem3A_201, %parallel_loop3A_875, %parallel_loop3A_876] : memref<2x1x12800xf32, #tpu.memory_space<vmem>> -> memref<1x1x12800xf32, #tpu.memory_space<vmem>>
          %parallel_loop3A_878 = tpu.memref_squeeze %parallel_loop3A_877 : memref<1x1x12800xf32, #tpu.memory_space<vmem>> -> memref<1x12800xf32, #tpu.memory_space<vmem>>
          %parallel_loop3A_879 = arith.index_cast %parallel_loop3A_874 : i32 to index
          %parallel_loop3A_880 = arith.index_cast %parallel_loop3A_873 : i32 to index
          %parallel_loop3A_881 = tpu.vector_load %parallel_loop3A_878[%parallel_loop3A_879, %parallel_loop3A_880] {strides = array<i32>} : memref<1x12800xf32, #tpu.memory_space<vmem>>, vector<16xf32>,
          tpu.vector_store %parallel_loop3A_878[%parallel_loop3A_879, %parallel_loop3A_880], %parallel_loop3A_871 {strides = array<i32>} : memref<1x12800xf32, #tpu.memory_space<vmem>>, vector<16xf32>,
          %parallel_loop3A_882 = vector.extract_strided_slice %parallel_loop3A_689 {offsets = [3], sizes = [1], strides = [1]} : vector<16xi32> to vector<1xi32>
          %parallel_loop3A_883 = vector.extract %parallel_loop3A_882[0] : i32 from vector<1xi32>
          %parallel_loop3A_884 = arith.constant 16 : i32
          %parallel_loop3A_885 = arith.muli %parallel_loop3A_679, %parallel_loop3A_884 : i32
          %parallel_loop3A_886 = arith.constant 3 : i32
          %parallel_loop3A_887 = arith.addi %parallel_loop3A_885, %parallel_loop3A_886 : i32
          %parallel_loop3A_888 = arith.constant 64 : i32
          %parallel_loop3A_889 = arith.muli %parallel_loop3A_887, %parallel_loop3A_888 : i32
          %parallel_loop3A_890 = arith.constant 0 : i32
          %parallel_loop3A_891 = arith.addi %parallel_loop3A_889, %parallel_loop3A_890 : i32
          %parallel_loop3A_892 = arith.index_cast %parallel_loop3A_891 : i32 to index
          %parallel_loop3A_893 = tpu.vector_load %arg5[%parallel_loop3A_892] {strides = array<i32>} : memref<12800xf32, #tpu.memory_space<vmem>>, vector<16xf32>,
          %parallel_loop3A_894 = arith.constant 0 : i32
          %parallel_loop3A_895 = arith.addi %parallel_loop3A_883, %parallel_loop3A_894 : i32
          %parallel_loop3A_896 = arith.constant 0 : i32
          %parallel_loop3A_897 = arith.constant 0 : i32
          %parallel_loop3A_898 = arith.constant 0 : i32
          %parallel_loop3A_899 = tpu.memref_slice %run_scoped3A_8[%rem3A_201, %parallel_loop3A_897, %parallel_loop3A_898] : memref<2x1x12800xf32, #tpu.memory_space<vmem>> -> memref<1x1x12800xf32, #tpu.memory_space<vmem>>
          %parallel_loop3A_900 = tpu.memref_squeeze %parallel_loop3A_899 : memref<1x1x12800xf32, #tpu.memory_space<vmem>> -> memref<1x12800xf32, #tpu.memory_space<vmem>>
          %parallel_loop3A_901 = arith.index_cast %parallel_loop3A_896 : i32 to index
          %parallel_loop3A_902 = arith.index_cast %parallel_loop3A_895 : i32 to index
          %parallel_loop3A_903 = tpu.vector_load %parallel_loop3A_900[%parallel_loop3A_901, %parallel_loop3A_902] {strides = array<i32>} : memref<1x12800xf32, #tpu.memory_space<vmem>>, vector<16xf32>,
          tpu.vector_store %parallel_loop3A_900[%parallel_loop3A_901, %parallel_loop3A_902], %parallel_loop3A_893 {strides = array<i32>} : memref<1x12800xf32, #tpu.memory_space<vmem>>, vector<16xf32>,
          %parallel_loop3A_904 = arith.constant 16 : i32
          %parallel_loop3A_905 = arith.addi %parallel_loop3A_889, %parallel_loop3A_904 : i32
          %parallel_loop3A_906 = arith.index_cast %parallel_loop3A_905 : i32 to index
          %parallel_loop3A_907 = tpu.vector_load %arg5[%parallel_loop3A_906] {strides = array<i32>} : memref<12800xf32, #tpu.memory_space<vmem>>, vector<16xf32>,
          %parallel_loop3A_908 = arith.constant 16 : i32
          %parallel_loop3A_909 = arith.addi %parallel_loop3A_883, %parallel_loop3A_908 : i32
          %parallel_loop3A_910 = arith.constant 0 : i32
          %parallel_loop3A_911 = arith.constant 0 : i32
          %parallel_loop3A_912 = arith.constant 0 : i32
          %parallel_loop3A_913 = tpu.memref_slice %run_scoped3A_8[%rem3A_201, %parallel_loop3A_911, %parallel_loop3A_912] : memref<2x1x12800xf32, #tpu.memory_space<vmem>> -> memref<1x1x12800xf32, #tpu.memory_space<vmem>>
          %parallel_loop3A_914 = tpu.memref_squeeze %parallel_loop3A_913 : memref<1x1x12800xf32, #tpu.memory_space<vmem>> -> memref<1x12800xf32, #tpu.memory_space<vmem>>
          %parallel_loop3A_915 = arith.index_cast %parallel_loop3A_910 : i32 to index
          %parallel_loop3A_916 = arith.index_cast %parallel_loop3A_909 : i32 to index
          %parallel_loop3A_917 = tpu.vector_load %parallel_loop3A_914[%parallel_loop3A_915, %parallel_loop3A_916] {strides = array<i32>} : memref<1x12800xf32, #tpu.memory_space<vmem>>, vector<16xf32>,
          tpu.vector_store %parallel_loop3A_914[%parallel_loop3A_915, %parallel_loop3A_916], %parallel_loop3A_907 {strides = array<i32>} : memref<1x12800xf32, #tpu.memory_space<vmem>>, vector<16xf32>,
          %parallel_loop3A_918 = arith.constant 32 : i32
          %parallel_loop3A_919 = arith.addi %parallel_loop3A_889, %parallel_loop3A_918 : i32
          %parallel_loop3A_920 = arith.index_cast %parallel_loop3A_919 : i32 to index
          %parallel_loop3A_921 = tpu.vector_load %arg5[%parallel_loop3A_920] {strides = array<i32>} : memref<12800xf32, #tpu.memory_space<vmem>>, vector<16xf32>,
          %parallel_loop3A_922 = arith.constant 32 : i32
          %parallel_loop3A_923 = arith.addi %parallel_loop3A_883, %parallel_loop3A_922 : i32
          %parallel_loop3A_924 = arith.constant 0 : i32
          %parallel_loop3A_925 = arith.constant 0 : i32
          %parallel_loop3A_926 = arith.constant 0 : i32
          %parallel_loop3A_927 = tpu.memref_slice %run_scoped3A_8[%rem3A_201, %parallel_loop3A_925, %parallel_loop3A_926] : memref<2x1x12800xf32, #tpu.memory_space<vmem>> -> memref<1x1x12800xf32, #tpu.memory_space<vmem>>
          %parallel_loop3A_928 = tpu.memref_squeeze %parallel_loop3A_927 : memref<1x1x12800xf32, #tpu.memory_space<vmem>> -> memref<1x12800xf32, #tpu.memory_space<vmem>>
          %parallel_loop3A_929 = arith.index_cast %parallel_loop3A_924 : i32 to index
          %parallel_loop3A_930 = arith.index_cast %parallel_loop3A_923 : i32 to index
          %parallel_loop3A_931 = tpu.vector_load %parallel_loop3A_928[%parallel_loop3A_929, %parallel_loop3A_930] {strides = array<i32>} : memref<1x12800xf32, #tpu.memory_space<vmem>>, vector<16xf32>,
          tpu.vector_store %parallel_loop3A_928[%parallel_loop3A_929, %parallel_loop3A_930], %parallel_loop3A_921 {strides = array<i32>} : memref<1x12800xf32, #tpu.memory_space<vmem>>, vector<16xf32>,
          %parallel_loop3A_932 = arith.constant 48 : i32
          %parallel_loop3A_933 = arith.addi %parallel_loop3A_889, %parallel_loop3A_932 : i32
          %parallel_loop3A_934 = arith.index_cast %parallel_loop3A_933 : i32 to index
          %parallel_loop3A_935 = tpu.vector_load %arg5[%parallel_loop3A_934] {strides = array<i32>} : memref<12800xf32, #tpu.memory_space<vmem>>, vector<16xf32>,
          %parallel_loop3A_936 = arith.constant 48 : i32
          %parallel_loop3A_937 = arith.addi %parallel_loop3A_883, %parallel_loop3A_936 : i32
          %parallel_loop3A_938 = arith.constant 0 : i32
          %parallel_loop3A_939 = arith.constant 0 : i32
          %parallel_loop3A_940 = arith.constant 0 : i32
          %parallel_loop3A_941 = tpu.memref_slice %run_scoped3A_8[%rem3A_201, %parallel_loop3A_939, %parallel_loop3A_940] : memref<2x1x12800xf32, #tpu.memory_space<vmem>> -> memref<1x1x12800xf32, #tpu.memory_space<vmem>>
          %parallel_loop3A_942 = tpu.memref_squeeze %parallel_loop3A_941 : memref<1x1x12800xf32, #tpu.memory_space<vmem>> -> memref<1x12800xf32, #tpu.memory_space<vmem>>
          %parallel_loop3A_943 = arith.index_cast %parallel_loop3A_938 : i32 to index
          %parallel_loop3A_944 = arith.index_cast %parallel_loop3A_937 : i32 to index
          %parallel_loop3A_945 = tpu.vector_load %parallel_loop3A_942[%parallel_loop3A_943, %parallel_loop3A_944] {strides = array<i32>} : memref<1x12800xf32, #tpu.memory_space<vmem>>, vector<16xf32>,
          tpu.vector_store %parallel_loop3A_942[%parallel_loop3A_943, %parallel_loop3A_944], %parallel_loop3A_935 {strides = array<i32>} : memref<1x12800xf32, #tpu.memory_space<vmem>>, vector<16xf32>,
          %parallel_loop3A_946 = vector.extract_strided_slice %parallel_loop3A_689 {offsets = [4], sizes = [1], strides = [1]} : vector<16xi32> to vector<1xi32>
          %parallel_loop3A_947 = vector.extract %parallel_loop3A_946[0] : i32 from vector<1xi32>
          %parallel_loop3A_948 = arith.constant 16 : i32
          %parallel_loop3A_949 = arith.muli %parallel_loop3A_679, %parallel_loop3A_948 : i32
          %parallel_loop3A_950 = arith.constant 4 : i32
          %parallel_loop3A_951 = arith.addi %parallel_loop3A_949, %parallel_loop3A_950 : i32
          %parallel_loop3A_952 = arith.constant 64 : i32
          %parallel_loop3A_953 = arith.muli %parallel_loop3A_951, %parallel_loop3A_952 : i32
          %parallel_loop3A_954 = arith.constant 0 : i32
          %parallel_loop3A_955 = arith.addi %parallel_loop3A_953, %parallel_loop3A_954 : i32
          %parallel_loop3A_956 = arith.index_cast %parallel_loop3A_955 : i32 to index
          %parallel_loop3A_957 = tpu.vector_load %arg5[%parallel_loop3A_956] {strides = array<i32>} : memref<12800xf32, #tpu.memory_space<vmem>>, vector<16xf32>,
          %parallel_loop3A_958 = arith.constant 0 : i32
          %parallel_loop3A_959 = arith.addi %parallel_loop3A_947, %parallel_loop3A_958 : i32
          %parallel_loop3A_960 = arith.constant 0 : i32
          %parallel_loop3A_961 = arith.constant 0 : i32
          %parallel_loop3A_962 = arith.constant 0 : i32
          %parallel_loop3A_963 = tpu.memref_slice %run_scoped3A_8[%rem3A_201, %parallel_loop3A_961, %parallel_loop3A_962] : memref<2x1x12800xf32, #tpu.memory_space<vmem>> -> memref<1x1x12800xf32, #tpu.memory_space<vmem>>
          %parallel_loop3A_964 = tpu.memref_squeeze %parallel_loop3A_963 : memref<1x1x12800xf32, #tpu.memory_space<vmem>> -> memref<1x12800xf32, #tpu.memory_space<vmem>>
          %parallel_loop3A_965 = arith.index_cast %parallel_loop3A_960 : i32 to index
          %parallel_loop3A_966 = arith.index_cast %parallel_loop3A_959 : i32 to index
          %parallel_loop3A_967 = tpu.vector_load %parallel_loop3A_964[%parallel_loop3A_965, %parallel_loop3A_966] {strides = array<i32>} : memref<1x12800xf32, #tpu.memory_space<vmem>>, vector<16xf32>,
          tpu.vector_store %parallel_loop3A_964[%parallel_loop3A_965, %parallel_loop3A_966], %parallel_loop3A_957 {strides = array<i32>} : memref<1x12800xf32, #tpu.memory_space<vmem>>, vector<16xf32>,
          %parallel_loop3A_968 = arith.constant 16 : i32
          %parallel_loop3A_969 = arith.addi %parallel_loop3A_953, %parallel_loop3A_968 : i32
          %parallel_loop3A_970 = arith.index_cast %parallel_loop3A_969 : i32 to index
          %parallel_loop3A_971 = tpu.vector_load %arg5[%parallel_loop3A_970] {strides = array<i32>} : memref<12800xf32, #tpu.memory_space<vmem>>, vector<16xf32>,
          %parallel_loop3A_972 = arith.constant 16 : i32
          %parallel_loop3A_973 = arith.addi %parallel_loop3A_947, %parallel_loop3A_972 : i32
          %parallel_loop3A_974 = arith.constant 0 : i32
          %parallel_loop3A_975 = arith.constant 0 : i32
          %parallel_loop3A_976 = arith.constant 0 : i32
          %parallel_loop3A_977 = tpu.memref_slice %run_scoped3A_8[%rem3A_201, %parallel_loop3A_975, %parallel_loop3A_976] : memref<2x1x12800xf32, #tpu.memory_space<vmem>> -> memref<1x1x12800xf32, #tpu.memory_space<vmem>>
          %parallel_loop3A_978 = tpu.memref_squeeze %parallel_loop3A_977 : memref<1x1x12800xf32, #tpu.memory_space<vmem>> -> memref<1x12800xf32, #tpu.memory_space<vmem>>
          %parallel_loop3A_979 = arith.index_cast %parallel_loop3A_974 : i32 to index
          %parallel_loop3A_980 = arith.index_cast %parallel_loop3A_973 : i32 to index
          %parallel_loop3A_981 = tpu.vector_load %parallel_loop3A_978[%parallel_loop3A_979, %parallel_loop3A_980] {strides = array<i32>} : memref<1x12800xf32, #tpu.memory_space<vmem>>, vector<16xf32>,
          tpu.vector_store %parallel_loop3A_978[%parallel_loop3A_979, %parallel_loop3A_980], %parallel_loop3A_971 {strides = array<i32>} : memref<1x12800xf32, #tpu.memory_space<vmem>>, vector<16xf32>,
          %parallel_loop3A_982 = arith.constant 32 : i32
          %parallel_loop3A_983 = arith.addi %parallel_loop3A_953, %parallel_loop3A_982 : i32
          %parallel_loop3A_984 = arith.index_cast %parallel_loop3A_983 : i32 to index
          %parallel_loop3A_985 = tpu.vector_load %arg5[%parallel_loop3A_984] {strides = array<i32>} : memref<12800xf32, #tpu.memory_space<vmem>>, vector<16xf32>,
          %parallel_loop3A_986 = arith.constant 32 : i32
          %parallel_loop3A_987 = arith.addi %parallel_loop3A_947, %parallel_loop3A_986 : i32
          %parallel_loop3A_988 = arith.constant 0 : i32
          %parallel_loop3A_989 = arith.constant 0 : i32
          %parallel_loop3A_990 = arith.constant 0 : i32
          %parallel_loop3A_991 = tpu.memref_slice %run_scoped3A_8[%rem3A_201, %parallel_loop3A_989, %parallel_loop3A_990] : memref<2x1x12800xf32, #tpu.memory_space<vmem>> -> memref<1x1x12800xf32, #tpu.memory_space<vmem>>
          %parallel_loop3A_992 = tpu.memref_squeeze %parallel_loop3A_991 : memref<1x1x12800xf32, #tpu.memory_space<vmem>> -> memref<1x12800xf32, #tpu.memory_space<vmem>>
          %parallel_loop3A_993 = arith.index_cast %parallel_loop3A_988 : i32 to index
          %parallel_loop3A_994 = arith.index_cast %parallel_loop3A_987 : i32 to index
          %parallel_loop3A_995 = tpu.vector_load %parallel_loop3A_992[%parallel_loop3A_993, %parallel_loop3A_994] {strides = array<i32>} : memref<1x12800xf32, #tpu.memory_space<vmem>>, vector<16xf32>,
          tpu.vector_store %parallel_loop3A_992[%parallel_loop3A_993, %parallel_loop3A_994], %parallel_loop3A_985 {strides = array<i32>} : memref<1x12800xf32, #tpu.memory_space<vmem>>, vector<16xf32>,
          %parallel_loop3A_996 = arith.constant 48 : i32
          %parallel_loop3A_997 = arith.addi %parallel_loop3A_953, %parallel_loop3A_996 : i32
          %parallel_loop3A_998 = arith.index_cast %parallel_loop3A_997 : i32 to index
          %parallel_loop3A_999 = tpu.vector_load %arg5[%parallel_loop3A_998] {strides = array<i32>} : memref<12800xf32, #tpu.memory_space<vmem>>, vector<16xf32>,
          %parallel_loop3A_1000 = arith.constant 48 : i32
          %parallel_loop3A_1001 = arith.addi %parallel_loop3A_947, %parallel_loop3A_1000 : i32
          %parallel_loop3A_1002 = arith.constant 0 : i32
          %parallel_loop3A_1003 = arith.constant 0 : i32
          %parallel_loop3A_1004 = arith.constant 0 : i32
          %parallel_loop3A_1005 = tpu.memref_slice %run_scoped3A_8[%rem3A_201, %parallel_loop3A_1003, %parallel_loop3A_1004] : memref<2x1x12800xf32, #tpu.memory_space<vmem>> -> memref<1x1x12800xf32, #tpu.memory_space<vmem>>
          %parallel_loop3A_1006 = tpu.memref_squeeze %parallel_loop3A_1005 : memref<1x1x12800xf32, #tpu.memory_space<vmem>> -> memref<1x12800xf32, #tpu.memory_space<vmem>>
          %parallel_loop3A_1007 = arith.index_cast %parallel_loop3A_1002 : i32 to index
          %parallel_loop3A_1008 = arith.index_cast %parallel_loop3A_1001 : i32 to index
          %parallel_loop3A_1009 = tpu.vector_load %parallel_loop3A_1006[%parallel_loop3A_1007, %parallel_loop3A_1008] {strides = array<i32>} : memref<1x12800xf32, #tpu.memory_space<vmem>>, vector<16xf32>,
          tpu.vector_store %parallel_loop3A_1006[%parallel_loop3A_1007, %parallel_loop3A_1008], %parallel_loop3A_999 {strides = array<i32>} : memref<1x12800xf32, #tpu.memory_space<vmem>>, vector<16xf32>,
          %parallel_loop3A_1010 = vector.extract_strided_slice %parallel_loop3A_689 {offsets = [5], sizes = [1], strides = [1]} : vector<16xi32> to vector<1xi32>
          %parallel_loop3A_1011 = vector.extract %parallel_loop3A_1010[0] : i32 from vector<1xi32>
          %parallel_loop3A_1012 = arith.constant 16 : i32
          %parallel_loop3A_1013 = arith.muli %parallel_loop3A_679, %parallel_loop3A_1012 : i32
          %parallel_loop3A_1014 = arith.constant 5 : i32
          %parallel_loop3A_1015 = arith.addi %parallel_loop3A_1013, %parallel_loop3A_1014 : i32
          %parallel_loop3A_1016 = arith.constant 64 : i32
          %parallel_loop3A_1017 = arith.muli %parallel_loop3A_1015, %parallel_loop3A_1016 : i32
          %parallel_loop3A_1018 = arith.constant 0 : i32
          %parallel_loop3A_1019 = arith.addi %parallel_loop3A_1017, %parallel_loop3A_1018 : i32
          %parallel_loop3A_1020 = arith.index_cast %parallel_loop3A_1019 : i32 to index
          %parallel_loop3A_1021 = tpu.vector_load %arg5[%parallel_loop3A_1020] {strides = array<i32>} : memref<12800xf32, #tpu.memory_space<vmem>>, vector<16xf32>,
          %parallel_loop3A_1022 = arith.constant 0 : i32
          %parallel_loop3A_1023 = arith.addi %parallel_loop3A_1011, %parallel_loop3A_1022 : i32
          %parallel_loop3A_1024 = arith.constant 0 : i32
          %parallel_loop3A_1025 = arith.constant 0 : i32
          %parallel_loop3A_1026 = arith.constant 0 : i32
          %parallel_loop3A_1027 = tpu.memref_slice %run_scoped3A_8[%rem3A_201, %parallel_loop3A_1025, %parallel_loop3A_1026] : memref<2x1x12800xf32, #tpu.memory_space<vmem>> -> memref<1x1x12800xf32, #tpu.memory_space<vmem>>
          %parallel_loop3A_1028 = tpu.memref_squeeze %parallel_loop3A_1027 : memref<1x1x12800xf32, #tpu.memory_space<vmem>> -> memref<1x12800xf32, #tpu.memory_space<vmem>>
          %parallel_loop3A_1029 = arith.index_cast %parallel_loop3A_1024 : i32 to index
          %parallel_loop3A_1030 = arith.index_cast %parallel_loop3A_1023 : i32 to index
          %parallel_loop3A_1031 = tpu.vector_load %parallel_loop3A_1028[%parallel_loop3A_1029, %parallel_loop3A_1030] {strides = array<i32>} : memref<1x12800xf32, #tpu.memory_space<vmem>>, vector<16xf32>,
          tpu.vector_store %parallel_loop3A_1028[%parallel_loop3A_1029, %parallel_loop3A_1030], %parallel_loop3A_1021 {strides = array<i32>} : memref<1x12800xf32, #tpu.memory_space<vmem>>, vector<16xf32>,
          %parallel_loop3A_1032 = arith.constant 16 : i32
          %parallel_loop3A_1033 = arith.addi %parallel_loop3A_1017, %parallel_loop3A_1032 : i32
          %parallel_loop3A_1034 = arith.index_cast %parallel_loop3A_1033 : i32 to index
          %parallel_loop3A_1035 = tpu.vector_load %arg5[%parallel_loop3A_1034] {strides = array<i32>} : memref<12800xf32, #tpu.memory_space<vmem>>, vector<16xf32>,
          %parallel_loop3A_1036 = arith.constant 16 : i32
          %parallel_loop3A_1037 = arith.addi %parallel_loop3A_1011, %parallel_loop3A_1036 : i32
          %parallel_loop3A_1038 = arith.constant 0 : i32
          %parallel_loop3A_1039 = arith.constant 0 : i32
          %parallel_loop3A_1040 = arith.constant 0 : i32
          %parallel_loop3A_1041 = tpu.memref_slice %run_scoped3A_8[%rem3A_201, %parallel_loop3A_1039, %parallel_loop3A_1040] : memref<2x1x12800xf32, #tpu.memory_space<vmem>> -> memref<1x1x12800xf32, #tpu.memory_space<vmem>>
          %parallel_loop3A_1042 = tpu.memref_squeeze %parallel_loop3A_1041 : memref<1x1x12800xf32, #tpu.memory_space<vmem>> -> memref<1x12800xf32, #tpu.memory_space<vmem>>
          %parallel_loop3A_1043 = arith.index_cast %parallel_loop3A_1038 : i32 to index
          %parallel_loop3A_1044 = arith.index_cast %parallel_loop3A_1037 : i32 to index
          %parallel_loop3A_1045 = tpu.vector_load %parallel_loop3A_1042[%parallel_loop3A_1043, %parallel_loop3A_1044] {strides = array<i32>} : memref<1x12800xf32, #tpu.memory_space<vmem>>, vector<16xf32>,
          tpu.vector_store %parallel_loop3A_1042[%parallel_loop3A_1043, %parallel_loop3A_1044], %parallel_loop3A_1035 {strides = array<i32>} : memref<1x12800xf32, #tpu.memory_space<vmem>>, vector<16xf32>,
          %parallel_loop3A_1046 = arith.constant 32 : i32
          %parallel_loop3A_1047 = arith.addi %parallel_loop3A_1017, %parallel_loop3A_1046 : i32
          %parallel_loop3A_1048 = arith.index_cast %parallel_loop3A_1047 : i32 to index
          %parallel_loop3A_1049 = tpu.vector_load %arg5[%parallel_loop3A_1048] {strides = array<i32>} : memref<12800xf32, #tpu.memory_space<vmem>>, vector<16xf32>,
          %parallel_loop3A_1050 = arith.constant 32 : i32
          %parallel_loop3A_1051 = arith.addi %parallel_loop3A_1011, %parallel_loop3A_1050 : i32
          %parallel_loop3A_1052 = arith.constant 0 : i32
          %parallel_loop3A_1053 = arith.constant 0 : i32
          %parallel_loop3A_1054 = arith.constant 0 : i32
          %parallel_loop3A_1055 = tpu.memref_slice %run_scoped3A_8[%rem3A_201, %parallel_loop3A_1053, %parallel_loop3A_1054] : memref<2x1x12800xf32, #tpu.memory_space<vmem>> -> memref<1x1x12800xf32, #tpu.memory_space<vmem>>
          %parallel_loop3A_1056 = tpu.memref_squeeze %parallel_loop3A_1055 : memref<1x1x12800xf32, #tpu.memory_space<vmem>> -> memref<1x12800xf32, #tpu.memory_space<vmem>>
          %parallel_loop3A_1057 = arith.index_cast %parallel_loop3A_1052 : i32 to index
          %parallel_loop3A_1058 = arith.index_cast %parallel_loop3A_1051 : i32 to index
          %parallel_loop3A_1059 = tpu.vector_load %parallel_loop3A_1056[%parallel_loop3A_1057, %parallel_loop3A_1058] {strides = array<i32>} : memref<1x12800xf32, #tpu.memory_space<vmem>>, vector<16xf32>,
          tpu.vector_store %parallel_loop3A_1056[%parallel_loop3A_1057, %parallel_loop3A_1058], %parallel_loop3A_1049 {strides = array<i32>} : memref<1x12800xf32, #tpu.memory_space<vmem>>, vector<16xf32>,
          %parallel_loop3A_1060 = arith.constant 48 : i32
          %parallel_loop3A_1061 = arith.addi %parallel_loop3A_1017, %parallel_loop3A_1060 : i32
          %parallel_loop3A_1062 = arith.index_cast %parallel_loop3A_1061 : i32 to index
          %parallel_loop3A_1063 = tpu.vector_load %arg5[%parallel_loop3A_1062] {strides = array<i32>} : memref<12800xf32, #tpu.memory_space<vmem>>, vector<16xf32>,
          %parallel_loop3A_1064 = arith.constant 48 : i32
          %parallel_loop3A_1065 = arith.addi %parallel_loop3A_1011, %parallel_loop3A_1064 : i32
          %parallel_loop3A_1066 = arith.constant 0 : i32
          %parallel_loop3A_1067 = arith.constant 0 : i32
          %parallel_loop3A_1068 = arith.constant 0 : i32
          %parallel_loop3A_1069 = tpu.memref_slice %run_scoped3A_8[%rem3A_201, %parallel_loop3A_1067, %parallel_loop3A_1068] : memref<2x1x12800xf32, #tpu.memory_space<vmem>> -> memref<1x1x12800xf32, #tpu.memory_space<vmem>>
          %parallel_loop3A_1070 = tpu.memref_squeeze %parallel_loop3A_1069 : memref<1x1x12800xf32, #tpu.memory_space<vmem>> -> memref<1x12800xf32, #tpu.memory_space<vmem>>
          %parallel_loop3A_1071 = arith.index_cast %parallel_loop3A_1066 : i32 to index
          %parallel_loop3A_1072 = arith.index_cast %parallel_loop3A_1065 : i32 to index
          %parallel_loop3A_1073 = tpu.vector_load %parallel_loop3A_1070[%parallel_loop3A_1071, %parallel_loop3A_1072] {strides = array<i32>} : memref<1x12800xf32, #tpu.memory_space<vmem>>, vector<16xf32>,
          tpu.vector_store %parallel_loop3A_1070[%parallel_loop3A_1071, %parallel_loop3A_1072], %parallel_loop3A_1063 {strides = array<i32>} : memref<1x12800xf32, #tpu.memory_space<vmem>>, vector<16xf32>,
          %parallel_loop3A_1074 = vector.extract_strided_slice %parallel_loop3A_689 {offsets = [6], sizes = [1], strides = [1]} : vector<16xi32> to vector<1xi32>
          %parallel_loop3A_1075 = vector.extract %parallel_loop3A_1074[0] : i32 from vector<1xi32>
          %parallel_loop3A_1076 = arith.constant 16 : i32
          %parallel_loop3A_1077 = arith.muli %parallel_loop3A_679, %parallel_loop3A_1076 : i32
          %parallel_loop3A_1078 = arith.constant 6 : i32
          %parallel_loop3A_1079 = arith.addi %parallel_loop3A_1077, %parallel_loop3A_1078 : i32
          %parallel_loop3A_1080 = arith.constant 64 : i32
          %parallel_loop3A_1081 = arith.muli %parallel_loop3A_1079, %parallel_loop3A_1080 : i32
          %parallel_loop3A_1082 = arith.constant 0 : i32
          %parallel_loop3A_1083 = arith.addi %parallel_loop3A_1081, %parallel_loop3A_1082 : i32
          %parallel_loop3A_1084 = arith.index_cast %parallel_loop3A_1083 : i32 to index
          %parallel_loop3A_1085 = tpu.vector_load %arg5[%parallel_loop3A_1084] {strides = array<i32>} : memref<12800xf32, #tpu.memory_space<vmem>>, vector<16xf32>,
          %parallel_loop3A_1086 = arith.constant 0 : i32
          %parallel_loop3A_1087 = arith.addi %parallel_loop3A_1075, %parallel_loop3A_1086 : i32
          %parallel_loop3A_1088 = arith.constant 0 : i32
          %parallel_loop3A_1089 = arith.constant 0 : i32
          %parallel_loop3A_1090 = arith.constant 0 : i32
          %parallel_loop3A_1091 = tpu.memref_slice %run_scoped3A_8[%rem3A_201, %parallel_loop3A_1089, %parallel_loop3A_1090] : memref<2x1x12800xf32, #tpu.memory_space<vmem>> -> memref<1x1x12800xf32, #tpu.memory_space<vmem>>
          %parallel_loop3A_1092 = tpu.memref_squeeze %parallel_loop3A_1091 : memref<1x1x12800xf32, #tpu.memory_space<vmem>> -> memref<1x12800xf32, #tpu.memory_space<vmem>>
          %parallel_loop3A_1093 = arith.index_cast %parallel_loop3A_1088 : i32 to index
          %parallel_loop3A_1094 = arith.index_cast %parallel_loop3A_1087 : i32 to index
          %parallel_loop3A_1095 = tpu.vector_load %parallel_loop3A_1092[%parallel_loop3A_1093, %parallel_loop3A_1094] {strides = array<i32>} : memref<1x12800xf32, #tpu.memory_space<vmem>>, vector<16xf32>,
          tpu.vector_store %parallel_loop3A_1092[%parallel_loop3A_1093, %parallel_loop3A_1094], %parallel_loop3A_1085 {strides = array<i32>} : memref<1x12800xf32, #tpu.memory_space<vmem>>, vector<16xf32>,
          %parallel_loop3A_1096 = arith.constant 16 : i32
          %parallel_loop3A_1097 = arith.addi %parallel_loop3A_1081, %parallel_loop3A_1096 : i32
          %parallel_loop3A_1098 = arith.index_cast %parallel_loop3A_1097 : i32 to index
          %parallel_loop3A_1099 = tpu.vector_load %arg5[%parallel_loop3A_1098] {strides = array<i32>} : memref<12800xf32, #tpu.memory_space<vmem>>, vector<16xf32>,
          %parallel_loop3A_1100 = arith.constant 16 : i32
          %parallel_loop3A_1101 = arith.addi %parallel_loop3A_1075, %parallel_loop3A_1100 : i32
          %parallel_loop3A_1102 = arith.constant 0 : i32
          %parallel_loop3A_1103 = arith.constant 0 : i32
          %parallel_loop3A_1104 = arith.constant 0 : i32
          %parallel_loop3A_1105 = tpu.memref_slice %run_scoped3A_8[%rem3A_201, %parallel_loop3A_1103, %parallel_loop3A_1104] : memref<2x1x12800xf32, #tpu.memory_space<vmem>> -> memref<1x1x12800xf32, #tpu.memory_space<vmem>>
          %parallel_loop3A_1106 = tpu.memref_squeeze %parallel_loop3A_1105 : memref<1x1x12800xf32, #tpu.memory_space<vmem>> -> memref<1x12800xf32, #tpu.memory_space<vmem>>
          %parallel_loop3A_1107 = arith.index_cast %parallel_loop3A_1102 : i32 to index
          %parallel_loop3A_1108 = arith.index_cast %parallel_loop3A_1101 : i32 to index
          %parallel_loop3A_1109 = tpu.vector_load %parallel_loop3A_1106[%parallel_loop3A_1107, %parallel_loop3A_1108] {strides = array<i32>} : memref<1x12800xf32, #tpu.memory_space<vmem>>, vector<16xf32>,
          tpu.vector_store %parallel_loop3A_1106[%parallel_loop3A_1107, %parallel_loop3A_1108], %parallel_loop3A_1099 {strides = array<i32>} : memref<1x12800xf32, #tpu.memory_space<vmem>>, vector<16xf32>,
          %parallel_loop3A_1110 = arith.constant 32 : i32
          %parallel_loop3A_1111 = arith.addi %parallel_loop3A_1081, %parallel_loop3A_1110 : i32
          %parallel_loop3A_1112 = arith.index_cast %parallel_loop3A_1111 : i32 to index
          %parallel_loop3A_1113 = tpu.vector_load %arg5[%parallel_loop3A_1112] {strides = array<i32>} : memref<12800xf32, #tpu.memory_space<vmem>>, vector<16xf32>,
          %parallel_loop3A_1114 = arith.constant 32 : i32
          %parallel_loop3A_1115 = arith.addi %parallel_loop3A_1075, %parallel_loop3A_1114 : i32
          %parallel_loop3A_1116 = arith.constant 0 : i32
          %parallel_loop3A_1117 = arith.constant 0 : i32
          %parallel_loop3A_1118 = arith.constant 0 : i32
          %parallel_loop3A_1119 = tpu.memref_slice %run_scoped3A_8[%rem3A_201, %parallel_loop3A_1117, %parallel_loop3A_1118] : memref<2x1x12800xf32, #tpu.memory_space<vmem>> -> memref<1x1x12800xf32, #tpu.memory_space<vmem>>
          %parallel_loop3A_1120 = tpu.memref_squeeze %parallel_loop3A_1119 : memref<1x1x12800xf32, #tpu.memory_space<vmem>> -> memref<1x12800xf32, #tpu.memory_space<vmem>>
          %parallel_loop3A_1121 = arith.index_cast %parallel_loop3A_1116 : i32 to index
          %parallel_loop3A_1122 = arith.index_cast %parallel_loop3A_1115 : i32 to index
          %parallel_loop3A_1123 = tpu.vector_load %parallel_loop3A_1120[%parallel_loop3A_1121, %parallel_loop3A_1122] {strides = array<i32>} : memref<1x12800xf32, #tpu.memory_space<vmem>>, vector<16xf32>,
          tpu.vector_store %parallel_loop3A_1120[%parallel_loop3A_1121, %parallel_loop3A_1122], %parallel_loop3A_1113 {strides = array<i32>} : memref<1x12800xf32, #tpu.memory_space<vmem>>, vector<16xf32>,
          %parallel_loop3A_1124 = arith.constant 48 : i32
          %parallel_loop3A_1125 = arith.addi %parallel_loop3A_1081, %parallel_loop3A_1124 : i32
          %parallel_loop3A_1126 = arith.index_cast %parallel_loop3A_1125 : i32 to index
          %parallel_loop3A_1127 = tpu.vector_load %arg5[%parallel_loop3A_1126] {strides = array<i32>} : memref<12800xf32, #tpu.memory_space<vmem>>, vector<16xf32>,
          %parallel_loop3A_1128 = arith.constant 48 : i32
          %parallel_loop3A_1129 = arith.addi %parallel_loop3A_1075, %parallel_loop3A_1128 : i32
          %parallel_loop3A_1130 = arith.constant 0 : i32
          %parallel_loop3A_1131 = arith.constant 0 : i32
          %parallel_loop3A_1132 = arith.constant 0 : i32
          %parallel_loop3A_1133 = tpu.memref_slice %run_scoped3A_8[%rem3A_201, %parallel_loop3A_1131, %parallel_loop3A_1132] : memref<2x1x12800xf32, #tpu.memory_space<vmem>> -> memref<1x1x12800xf32, #tpu.memory_space<vmem>>
          %parallel_loop3A_1134 = tpu.memref_squeeze %parallel_loop3A_1133 : memref<1x1x12800xf32, #tpu.memory_space<vmem>> -> memref<1x12800xf32, #tpu.memory_space<vmem>>
          %parallel_loop3A_1135 = arith.index_cast %parallel_loop3A_1130 : i32 to index
          %parallel_loop3A_1136 = arith.index_cast %parallel_loop3A_1129 : i32 to index
          %parallel_loop3A_1137 = tpu.vector_load %parallel_loop3A_1134[%parallel_loop3A_1135, %parallel_loop3A_1136] {strides = array<i32>} : memref<1x12800xf32, #tpu.memory_space<vmem>>, vector<16xf32>,
          tpu.vector_store %parallel_loop3A_1134[%parallel_loop3A_1135, %parallel_loop3A_1136], %parallel_loop3A_1127 {strides = array<i32>} : memref<1x12800xf32, #tpu.memory_space<vmem>>, vector<16xf32>,
          %parallel_loop3A_1138 = vector.extract_strided_slice %parallel_loop3A_689 {offsets = [7], sizes = [1], strides = [1]} : vector<16xi32> to vector<1xi32>
          %parallel_loop3A_1139 = vector.extract %parallel_loop3A_1138[0] : i32 from vector<1xi32>
          %parallel_loop3A_1140 = arith.constant 16 : i32
          %parallel_loop3A_1141 = arith.muli %parallel_loop3A_679, %parallel_loop3A_1140 : i32
          %parallel_loop3A_1142 = arith.constant 7 : i32
          %parallel_loop3A_1143 = arith.addi %parallel_loop3A_1141, %parallel_loop3A_1142 : i32
          %parallel_loop3A_1144 = arith.constant 64 : i32
          %parallel_loop3A_1145 = arith.muli %parallel_loop3A_1143, %parallel_loop3A_1144 : i32
          %parallel_loop3A_1146 = arith.constant 0 : i32
          %parallel_loop3A_1147 = arith.addi %parallel_loop3A_1145, %parallel_loop3A_1146 : i32
          %parallel_loop3A_1148 = arith.index_cast %parallel_loop3A_1147 : i32 to index
          %parallel_loop3A_1149 = tpu.vector_load %arg5[%parallel_loop3A_1148] {strides = array<i32>} : memref<12800xf32, #tpu.memory_space<vmem>>, vector<16xf32>,
          %parallel_loop3A_1150 = arith.constant 0 : i32
          %parallel_loop3A_1151 = arith.addi %parallel_loop3A_1139, %parallel_loop3A_1150 : i32
          %parallel_loop3A_1152 = arith.constant 0 : i32
          %parallel_loop3A_1153 = arith.constant 0 : i32
          %parallel_loop3A_1154 = arith.constant 0 : i32
          %parallel_loop3A_1155 = tpu.memref_slice %run_scoped3A_8[%rem3A_201, %parallel_loop3A_1153, %parallel_loop3A_1154] : memref<2x1x12800xf32, #tpu.memory_space<vmem>> -> memref<1x1x12800xf32, #tpu.memory_space<vmem>>
          %parallel_loop3A_1156 = tpu.memref_squeeze %parallel_loop3A_1155 : memref<1x1x12800xf32, #tpu.memory_space<vmem>> -> memref<1x12800xf32, #tpu.memory_space<vmem>>
          %parallel_loop3A_1157 = arith.index_cast %parallel_loop3A_1152 : i32 to index
          %parallel_loop3A_1158 = arith.index_cast %parallel_loop3A_1151 : i32 to index
          %parallel_loop3A_1159 = tpu.vector_load %parallel_loop3A_1156[%parallel_loop3A_1157, %parallel_loop3A_1158] {strides = array<i32>} : memref<1x12800xf32, #tpu.memory_space<vmem>>, vector<16xf32>,
          tpu.vector_store %parallel_loop3A_1156[%parallel_loop3A_1157, %parallel_loop3A_1158], %parallel_loop3A_1149 {strides = array<i32>} : memref<1x12800xf32, #tpu.memory_space<vmem>>, vector<16xf32>,
          %parallel_loop3A_1160 = arith.constant 16 : i32
          %parallel_loop3A_1161 = arith.addi %parallel_loop3A_1145, %parallel_loop3A_1160 : i32
          %parallel_loop3A_1162 = arith.index_cast %parallel_loop3A_1161 : i32 to index
          %parallel_loop3A_1163 = tpu.vector_load %arg5[%parallel_loop3A_1162] {strides = array<i32>} : memref<12800xf32, #tpu.memory_space<vmem>>, vector<16xf32>,
          %parallel_loop3A_1164 = arith.constant 16 : i32
          %parallel_loop3A_1165 = arith.addi %parallel_loop3A_1139, %parallel_loop3A_1164 : i32
          %parallel_loop3A_1166 = arith.constant 0 : i32
          %parallel_loop3A_1167 = arith.constant 0 : i32
          %parallel_loop3A_1168 = arith.constant 0 : i32
          %parallel_loop3A_1169 = tpu.memref_slice %run_scoped3A_8[%rem3A_201, %parallel_loop3A_1167, %parallel_loop3A_1168] : memref<2x1x12800xf32, #tpu.memory_space<vmem>> -> memref<1x1x12800xf32, #tpu.memory_space<vmem>>
          %parallel_loop3A_1170 = tpu.memref_squeeze %parallel_loop3A_1169 : memref<1x1x12800xf32, #tpu.memory_space<vmem>> -> memref<1x12800xf32, #tpu.memory_space<vmem>>
          %parallel_loop3A_1171 = arith.index_cast %parallel_loop3A_1166 : i32 to index
          %parallel_loop3A_1172 = arith.index_cast %parallel_loop3A_1165 : i32 to index
          %parallel_loop3A_1173 = tpu.vector_load %parallel_loop3A_1170[%parallel_loop3A_1171, %parallel_loop3A_1172] {strides = array<i32>} : memref<1x12800xf32, #tpu.memory_space<vmem>>, vector<16xf32>,
          tpu.vector_store %parallel_loop3A_1170[%parallel_loop3A_1171, %parallel_loop3A_1172], %parallel_loop3A_1163 {strides = array<i32>} : memref<1x12800xf32, #tpu.memory_space<vmem>>, vector<16xf32>,
          %parallel_loop3A_1174 = arith.constant 32 : i32
          %parallel_loop3A_1175 = arith.addi %parallel_loop3A_1145, %parallel_loop3A_1174 : i32
          %parallel_loop3A_1176 = arith.index_cast %parallel_loop3A_1175 : i32 to index
          %parallel_loop3A_1177 = tpu.vector_load %arg5[%parallel_loop3A_1176] {strides = array<i32>} : memref<12800xf32, #tpu.memory_space<vmem>>, vector<16xf32>,
          %parallel_loop3A_1178 = arith.constant 32 : i32
          %parallel_loop3A_1179 = arith.addi %parallel_loop3A_1139, %parallel_loop3A_1178 : i32
          %parallel_loop3A_1180 = arith.constant 0 : i32
          %parallel_loop3A_1181 = arith.constant 0 : i32
          %parallel_loop3A_1182 = arith.constant 0 : i32
          %parallel_loop3A_1183 = tpu.memref_slice %run_scoped3A_8[%rem3A_201, %parallel_loop3A_1181, %parallel_loop3A_1182] : memref<2x1x12800xf32, #tpu.memory_space<vmem>> -> memref<1x1x12800xf32, #tpu.memory_space<vmem>>
          %parallel_loop3A_1184 = tpu.memref_squeeze %parallel_loop3A_1183 : memref<1x1x12800xf32, #tpu.memory_space<vmem>> -> memref<1x12800xf32, #tpu.memory_space<vmem>>
          %parallel_loop3A_1185 = arith.index_cast %parallel_loop3A_1180 : i32 to index
          %parallel_loop3A_1186 = arith.index_cast %parallel_loop3A_1179 : i32 to index
          %parallel_loop3A_1187 = tpu.vector_load %parallel_loop3A_1184[%parallel_loop3A_1185, %parallel_loop3A_1186] {strides = array<i32>} : memref<1x12800xf32, #tpu.memory_space<vmem>>, vector<16xf32>,
          tpu.vector_store %parallel_loop3A_1184[%parallel_loop3A_1185, %parallel_loop3A_1186], %parallel_loop3A_1177 {strides = array<i32>} : memref<1x12800xf32, #tpu.memory_space<vmem>>, vector<16xf32>,
          %parallel_loop3A_1188 = arith.constant 48 : i32
          %parallel_loop3A_1189 = arith.addi %parallel_loop3A_1145, %parallel_loop3A_1188 : i32
          %parallel_loop3A_1190 = arith.index_cast %parallel_loop3A_1189 : i32 to index
          %parallel_loop3A_1191 = tpu.vector_load %arg5[%parallel_loop3A_1190] {strides = array<i32>} : memref<12800xf32, #tpu.memory_space<vmem>>, vector<16xf32>,
          %parallel_loop3A_1192 = arith.constant 48 : i32
          %parallel_loop3A_1193 = arith.addi %parallel_loop3A_1139, %parallel_loop3A_1192 : i32
          %parallel_loop3A_1194 = arith.constant 0 : i32
          %parallel_loop3A_1195 = arith.constant 0 : i32
          %parallel_loop3A_1196 = arith.constant 0 : i32
          %parallel_loop3A_1197 = tpu.memref_slice %run_scoped3A_8[%rem3A_201, %parallel_loop3A_1195, %parallel_loop3A_1196] : memref<2x1x12800xf32, #tpu.memory_space<vmem>> -> memref<1x1x12800xf32, #tpu.memory_space<vmem>>
          %parallel_loop3A_1198 = tpu.memref_squeeze %parallel_loop3A_1197 : memref<1x1x12800xf32, #tpu.memory_space<vmem>> -> memref<1x12800xf32, #tpu.memory_space<vmem>>
          %parallel_loop3A_1199 = arith.index_cast %parallel_loop3A_1194 : i32 to index
          %parallel_loop3A_1200 = arith.index_cast %parallel_loop3A_1193 : i32 to index
          %parallel_loop3A_1201 = tpu.vector_load %parallel_loop3A_1198[%parallel_loop3A_1199, %parallel_loop3A_1200] {strides = array<i32>} : memref<1x12800xf32, #tpu.memory_space<vmem>>, vector<16xf32>,
          tpu.vector_store %parallel_loop3A_1198[%parallel_loop3A_1199, %parallel_loop3A_1200], %parallel_loop3A_1191 {strides = array<i32>} : memref<1x12800xf32, #tpu.memory_space<vmem>>, vector<16xf32>,
          %parallel_loop3A_1202 = vector.extract_strided_slice %parallel_loop3A_689 {offsets = [8], sizes = [1], strides = [1]} : vector<16xi32> to vector<1xi32>
          %parallel_loop3A_1203 = vector.extract %parallel_loop3A_1202[0] : i32 from vector<1xi32>
          %parallel_loop3A_1204 = arith.constant 16 : i32
          %parallel_loop3A_1205 = arith.muli %parallel_loop3A_679, %parallel_loop3A_1204 : i32
          %parallel_loop3A_1206 = arith.constant 8 : i32
          %parallel_loop3A_1207 = arith.addi %parallel_loop3A_1205, %parallel_loop3A_1206 : i32
          %parallel_loop3A_1208 = arith.constant 64 : i32
          %parallel_loop3A_1209 = arith.muli %parallel_loop3A_1207, %parallel_loop3A_1208 : i32
          %parallel_loop3A_1210 = arith.constant 0 : i32
          %parallel_loop3A_1211 = arith.addi %parallel_loop3A_1209, %parallel_loop3A_1210 : i32
          %parallel_loop3A_1212 = arith.index_cast %parallel_loop3A_1211 : i32 to index
          %parallel_loop3A_1213 = tpu.vector_load %arg5[%parallel_loop3A_1212] {strides = array<i32>} : memref<12800xf32, #tpu.memory_space<vmem>>, vector<16xf32>,
          %parallel_loop3A_1214 = arith.constant 0 : i32
          %parallel_loop3A_1215 = arith.addi %parallel_loop3A_1203, %parallel_loop3A_1214 : i32
          %parallel_loop3A_1216 = arith.constant 0 : i32
          %parallel_loop3A_1217 = arith.constant 0 : i32
          %parallel_loop3A_1218 = arith.constant 0 : i32
          %parallel_loop3A_1219 = tpu.memref_slice %run_scoped3A_8[%rem3A_201, %parallel_loop3A_1217, %parallel_loop3A_1218] : memref<2x1x12800xf32, #tpu.memory_space<vmem>> -> memref<1x1x12800xf32, #tpu.memory_space<vmem>>
          %parallel_loop3A_1220 = tpu.memref_squeeze %parallel_loop3A_1219 : memref<1x1x12800xf32, #tpu.memory_space<vmem>> -> memref<1x12800xf32, #tpu.memory_space<vmem>>
          %parallel_loop3A_1221 = arith.index_cast %parallel_loop3A_1216 : i32 to index
          %parallel_loop3A_1222 = arith.index_cast %parallel_loop3A_1215 : i32 to index
          %parallel_loop3A_1223 = tpu.vector_load %parallel_loop3A_1220[%parallel_loop3A_1221, %parallel_loop3A_1222] {strides = array<i32>} : memref<1x12800xf32, #tpu.memory_space<vmem>>, vector<16xf32>,
          tpu.vector_store %parallel_loop3A_1220[%parallel_loop3A_1221, %parallel_loop3A_1222], %parallel_loop3A_1213 {strides = array<i32>} : memref<1x12800xf32, #tpu.memory_space<vmem>>, vector<16xf32>,
          %parallel_loop3A_1224 = arith.constant 16 : i32
          %parallel_loop3A_1225 = arith.addi %parallel_loop3A_1209, %parallel_loop3A_1224 : i32
          %parallel_loop3A_1226 = arith.index_cast %parallel_loop3A_1225 : i32 to index
          %parallel_loop3A_1227 = tpu.vector_load %arg5[%parallel_loop3A_1226] {strides = array<i32>} : memref<12800xf32, #tpu.memory_space<vmem>>, vector<16xf32>,
          %parallel_loop3A_1228 = arith.constant 16 : i32
          %parallel_loop3A_1229 = arith.addi %parallel_loop3A_1203, %parallel_loop3A_1228 : i32
          %parallel_loop3A_1230 = arith.constant 0 : i32
          %parallel_loop3A_1231 = arith.constant 0 : i32
          %parallel_loop3A_1232 = arith.constant 0 : i32
          %parallel_loop3A_1233 = tpu.memref_slice %run_scoped3A_8[%rem3A_201, %parallel_loop3A_1231, %parallel_loop3A_1232] : memref<2x1x12800xf32, #tpu.memory_space<vmem>> -> memref<1x1x12800xf32, #tpu.memory_space<vmem>>
          %parallel_loop3A_1234 = tpu.memref_squeeze %parallel_loop3A_1233 : memref<1x1x12800xf32, #tpu.memory_space<vmem>> -> memref<1x12800xf32, #tpu.memory_space<vmem>>
          %parallel_loop3A_1235 = arith.index_cast %parallel_loop3A_1230 : i32 to index
          %parallel_loop3A_1236 = arith.index_cast %parallel_loop3A_1229 : i32 to index
          %parallel_loop3A_1237 = tpu.vector_load %parallel_loop3A_1234[%parallel_loop3A_1235, %parallel_loop3A_1236] {strides = array<i32>} : memref<1x12800xf32, #tpu.memory_space<vmem>>, vector<16xf32>,
          tpu.vector_store %parallel_loop3A_1234[%parallel_loop3A_1235, %parallel_loop3A_1236], %parallel_loop3A_1227 {strides = array<i32>} : memref<1x12800xf32, #tpu.memory_space<vmem>>, vector<16xf32>,
          %parallel_loop3A_1238 = arith.constant 32 : i32
          %parallel_loop3A_1239 = arith.addi %parallel_loop3A_1209, %parallel_loop3A_1238 : i32
          %parallel_loop3A_1240 = arith.index_cast %parallel_loop3A_1239 : i32 to index
          %parallel_loop3A_1241 = tpu.vector_load %arg5[%parallel_loop3A_1240] {strides = array<i32>} : memref<12800xf32, #tpu.memory_space<vmem>>, vector<16xf32>,
          %parallel_loop3A_1242 = arith.constant 32 : i32
          %parallel_loop3A_1243 = arith.addi %parallel_loop3A_1203, %parallel_loop3A_1242 : i32
          %parallel_loop3A_1244 = arith.constant 0 : i32
          %parallel_loop3A_1245 = arith.constant 0 : i32
          %parallel_loop3A_1246 = arith.constant 0 : i32
          %parallel_loop3A_1247 = tpu.memref_slice %run_scoped3A_8[%rem3A_201, %parallel_loop3A_1245, %parallel_loop3A_1246] : memref<2x1x12800xf32, #tpu.memory_space<vmem>> -> memref<1x1x12800xf32, #tpu.memory_space<vmem>>
          %parallel_loop3A_1248 = tpu.memref_squeeze %parallel_loop3A_1247 : memref<1x1x12800xf32, #tpu.memory_space<vmem>> -> memref<1x12800xf32, #tpu.memory_space<vmem>>
          %parallel_loop3A_1249 = arith.index_cast %parallel_loop3A_1244 : i32 to index
          %parallel_loop3A_1250 = arith.index_cast %parallel_loop3A_1243 : i32 to index
          %parallel_loop3A_1251 = tpu.vector_load %parallel_loop3A_1248[%parallel_loop3A_1249, %parallel_loop3A_1250] {strides = array<i32>} : memref<1x12800xf32, #tpu.memory_space<vmem>>, vector<16xf32>,
          tpu.vector_store %parallel_loop3A_1248[%parallel_loop3A_1249, %parallel_loop3A_1250], %parallel_loop3A_1241 {strides = array<i32>} : memref<1x12800xf32, #tpu.memory_space<vmem>>, vector<16xf32>,
          %parallel_loop3A_1252 = arith.constant 48 : i32
          %parallel_loop3A_1253 = arith.addi %parallel_loop3A_1209, %parallel_loop3A_1252 : i32
          %parallel_loop3A_1254 = arith.index_cast %parallel_loop3A_1253 : i32 to index
          %parallel_loop3A_1255 = tpu.vector_load %arg5[%parallel_loop3A_1254] {strides = array<i32>} : memref<12800xf32, #tpu.memory_space<vmem>>, vector<16xf32>,
          %parallel_loop3A_1256 = arith.constant 48 : i32
          %parallel_loop3A_1257 = arith.addi %parallel_loop3A_1203, %parallel_loop3A_1256 : i32
          %parallel_loop3A_1258 = arith.constant 0 : i32
          %parallel_loop3A_1259 = arith.constant 0 : i32
          %parallel_loop3A_1260 = arith.constant 0 : i32
          %parallel_loop3A_1261 = tpu.memref_slice %run_scoped3A_8[%rem3A_201, %parallel_loop3A_1259, %parallel_loop3A_1260] : memref<2x1x12800xf32, #tpu.memory_space<vmem>> -> memref<1x1x12800xf32, #tpu.memory_space<vmem>>
          %parallel_loop3A_1262 = tpu.memref_squeeze %parallel_loop3A_1261 : memref<1x1x12800xf32, #tpu.memory_space<vmem>> -> memref<1x12800xf32, #tpu.memory_space<vmem>>
          %parallel_loop3A_1263 = arith.index_cast %parallel_loop3A_1258 : i32 to index
          %parallel_loop3A_1264 = arith.index_cast %parallel_loop3A_1257 : i32 to index
          %parallel_loop3A_1265 = tpu.vector_load %parallel_loop3A_1262[%parallel_loop3A_1263, %parallel_loop3A_1264] {strides = array<i32>} : memref<1x12800xf32, #tpu.memory_space<vmem>>, vector<16xf32>,
          tpu.vector_store %parallel_loop3A_1262[%parallel_loop3A_1263, %parallel_loop3A_1264], %parallel_loop3A_1255 {strides = array<i32>} : memref<1x12800xf32, #tpu.memory_space<vmem>>, vector<16xf32>,
          %parallel_loop3A_1266 = vector.extract_strided_slice %parallel_loop3A_689 {offsets = [9], sizes = [1], strides = [1]} : vector<16xi32> to vector<1xi32>
          %parallel_loop3A_1267 = vector.extract %parallel_loop3A_1266[0] : i32 from vector<1xi32>
          %parallel_loop3A_1268 = arith.constant 16 : i32
          %parallel_loop3A_1269 = arith.muli %parallel_loop3A_679, %parallel_loop3A_1268 : i32
          %parallel_loop3A_1270 = arith.constant 9 : i32
          %parallel_loop3A_1271 = arith.addi %parallel_loop3A_1269, %parallel_loop3A_1270 : i32
          %parallel_loop3A_1272 = arith.constant 64 : i32
          %parallel_loop3A_1273 = arith.muli %parallel_loop3A_1271, %parallel_loop3A_1272 : i32
          %parallel_loop3A_1274 = arith.constant 0 : i32
          %parallel_loop3A_1275 = arith.addi %parallel_loop3A_1273, %parallel_loop3A_1274 : i32
          %parallel_loop3A_1276 = arith.index_cast %parallel_loop3A_1275 : i32 to index
          %parallel_loop3A_1277 = tpu.vector_load %arg5[%parallel_loop3A_1276] {strides = array<i32>} : memref<12800xf32, #tpu.memory_space<vmem>>, vector<16xf32>,
          %parallel_loop3A_1278 = arith.constant 0 : i32
          %parallel_loop3A_1279 = arith.addi %parallel_loop3A_1267, %parallel_loop3A_1278 : i32
          %parallel_loop3A_1280 = arith.constant 0 : i32
          %parallel_loop3A_1281 = arith.constant 0 : i32
          %parallel_loop3A_1282 = arith.constant 0 : i32
          %parallel_loop3A_1283 = tpu.memref_slice %run_scoped3A_8[%rem3A_201, %parallel_loop3A_1281, %parallel_loop3A_1282] : memref<2x1x12800xf32, #tpu.memory_space<vmem>> -> memref<1x1x12800xf32, #tpu.memory_space<vmem>>
          %parallel_loop3A_1284 = tpu.memref_squeeze %parallel_loop3A_1283 : memref<1x1x12800xf32, #tpu.memory_space<vmem>> -> memref<1x12800xf32, #tpu.memory_space<vmem>>
          %parallel_loop3A_1285 = arith.index_cast %parallel_loop3A_1280 : i32 to index
          %parallel_loop3A_1286 = arith.index_cast %parallel_loop3A_1279 : i32 to index
          %parallel_loop3A_1287 = tpu.vector_load %parallel_loop3A_1284[%parallel_loop3A_1285, %parallel_loop3A_1286] {strides = array<i32>} : memref<1x12800xf32, #tpu.memory_space<vmem>>, vector<16xf32>,
          tpu.vector_store %parallel_loop3A_1284[%parallel_loop3A_1285, %parallel_loop3A_1286], %parallel_loop3A_1277 {strides = array<i32>} : memref<1x12800xf32, #tpu.memory_space<vmem>>, vector<16xf32>,
          %parallel_loop3A_1288 = arith.constant 16 : i32
          %parallel_loop3A_1289 = arith.addi %parallel_loop3A_1273, %parallel_loop3A_1288 : i32
          %parallel_loop3A_1290 = arith.index_cast %parallel_loop3A_1289 : i32 to index
          %parallel_loop3A_1291 = tpu.vector_load %arg5[%parallel_loop3A_1290] {strides = array<i32>} : memref<12800xf32, #tpu.memory_space<vmem>>, vector<16xf32>,
          %parallel_loop3A_1292 = arith.constant 16 : i32
          %parallel_loop3A_1293 = arith.addi %parallel_loop3A_1267, %parallel_loop3A_1292 : i32
          %parallel_loop3A_1294 = arith.constant 0 : i32
          %parallel_loop3A_1295 = arith.constant 0 : i32
          %parallel_loop3A_1296 = arith.constant 0 : i32
          %parallel_loop3A_1297 = tpu.memref_slice %run_scoped3A_8[%rem3A_201, %parallel_loop3A_1295, %parallel_loop3A_1296] : memref<2x1x12800xf32, #tpu.memory_space<vmem>> -> memref<1x1x12800xf32, #tpu.memory_space<vmem>>
          %parallel_loop3A_1298 = tpu.memref_squeeze %parallel_loop3A_1297 : memref<1x1x12800xf32, #tpu.memory_space<vmem>> -> memref<1x12800xf32, #tpu.memory_space<vmem>>
          %parallel_loop3A_1299 = arith.index_cast %parallel_loop3A_1294 : i32 to index
          %parallel_loop3A_1300 = arith.index_cast %parallel_loop3A_1293 : i32 to index
          %parallel_loop3A_1301 = tpu.vector_load %parallel_loop3A_1298[%parallel_loop3A_1299, %parallel_loop3A_1300] {strides = array<i32>} : memref<1x12800xf32, #tpu.memory_space<vmem>>, vector<16xf32>,
          tpu.vector_store %parallel_loop3A_1298[%parallel_loop3A_1299, %parallel_loop3A_1300], %parallel_loop3A_1291 {strides = array<i32>} : memref<1x12800xf32, #tpu.memory_space<vmem>>, vector<16xf32>,
          %parallel_loop3A_1302 = arith.constant 32 : i32
          %parallel_loop3A_1303 = arith.addi %parallel_loop3A_1273, %parallel_loop3A_1302 : i32
          %parallel_loop3A_1304 = arith.index_cast %parallel_loop3A_1303 : i32 to index
          %parallel_loop3A_1305 = tpu.vector_load %arg5[%parallel_loop3A_1304] {strides = array<i32>} : memref<12800xf32, #tpu.memory_space<vmem>>, vector<16xf32>,
          %parallel_loop3A_1306 = arith.constant 32 : i32
          %parallel_loop3A_1307 = arith.addi %parallel_loop3A_1267, %parallel_loop3A_1306 : i32
          %parallel_loop3A_1308 = arith.constant 0 : i32
          %parallel_loop3A_1309 = arith.constant 0 : i32
          %parallel_loop3A_1310 = arith.constant 0 : i32
          %parallel_loop3A_1311 = tpu.memref_slice %run_scoped3A_8[%rem3A_201, %parallel_loop3A_1309, %parallel_loop3A_1310] : memref<2x1x12800xf32, #tpu.memory_space<vmem>> -> memref<1x1x12800xf32, #tpu.memory_space<vmem>>
          %parallel_loop3A_1312 = tpu.memref_squeeze %parallel_loop3A_1311 : memref<1x1x12800xf32, #tpu.memory_space<vmem>> -> memref<1x12800xf32, #tpu.memory_space<vmem>>
          %parallel_loop3A_1313 = arith.index_cast %parallel_loop3A_1308 : i32 to index
          %parallel_loop3A_1314 = arith.index_cast %parallel_loop3A_1307 : i32 to index
          %parallel_loop3A_1315 = tpu.vector_load %parallel_loop3A_1312[%parallel_loop3A_1313, %parallel_loop3A_1314] {strides = array<i32>} : memref<1x12800xf32, #tpu.memory_space<vmem>>, vector<16xf32>,
          tpu.vector_store %parallel_loop3A_1312[%parallel_loop3A_1313, %parallel_loop3A_1314], %parallel_loop3A_1305 {strides = array<i32>} : memref<1x12800xf32, #tpu.memory_space<vmem>>, vector<16xf32>,
          %parallel_loop3A_1316 = arith.constant 48 : i32
          %parallel_loop3A_1317 = arith.addi %parallel_loop3A_1273, %parallel_loop3A_1316 : i32
          %parallel_loop3A_1318 = arith.index_cast %parallel_loop3A_1317 : i32 to index
          %parallel_loop3A_1319 = tpu.vector_load %arg5[%parallel_loop3A_1318] {strides = array<i32>} : memref<12800xf32, #tpu.memory_space<vmem>>, vector<16xf32>,
          %parallel_loop3A_1320 = arith.constant 48 : i32
          %parallel_loop3A_1321 = arith.addi %parallel_loop3A_1267, %parallel_loop3A_1320 : i32
          %parallel_loop3A_1322 = arith.constant 0 : i32
          %parallel_loop3A_1323 = arith.constant 0 : i32
          %parallel_loop3A_1324 = arith.constant 0 : i32
          %parallel_loop3A_1325 = tpu.memref_slice %run_scoped3A_8[%rem3A_201, %parallel_loop3A_1323, %parallel_loop3A_1324] : memref<2x1x12800xf32, #tpu.memory_space<vmem>> -> memref<1x1x12800xf32, #tpu.memory_space<vmem>>
          %parallel_loop3A_1326 = tpu.memref_squeeze %parallel_loop3A_1325 : memref<1x1x12800xf32, #tpu.memory_space<vmem>> -> memref<1x12800xf32, #tpu.memory_space<vmem>>
          %parallel_loop3A_1327 = arith.index_cast %parallel_loop3A_1322 : i32 to index
          %parallel_loop3A_1328 = arith.index_cast %parallel_loop3A_1321 : i32 to index
          %parallel_loop3A_1329 = tpu.vector_load %parallel_loop3A_1326[%parallel_loop3A_1327, %parallel_loop3A_1328] {strides = array<i32>} : memref<1x12800xf32, #tpu.memory_space<vmem>>, vector<16xf32>,
          tpu.vector_store %parallel_loop3A_1326[%parallel_loop3A_1327, %parallel_loop3A_1328], %parallel_loop3A_1319 {strides = array<i32>} : memref<1x12800xf32, #tpu.memory_space<vmem>>, vector<16xf32>,
          %parallel_loop3A_1330 = vector.extract_strided_slice %parallel_loop3A_689 {offsets = [10], sizes = [1], strides = [1]} : vector<16xi32> to vector<1xi32>
          %parallel_loop3A_1331 = vector.extract %parallel_loop3A_1330[0] : i32 from vector<1xi32>
          %parallel_loop3A_1332 = arith.constant 16 : i32
          %parallel_loop3A_1333 = arith.muli %parallel_loop3A_679, %parallel_loop3A_1332 : i32
          %parallel_loop3A_1334 = arith.constant 10 : i32
          %parallel_loop3A_1335 = arith.addi %parallel_loop3A_1333, %parallel_loop3A_1334 : i32
          %parallel_loop3A_1336 = arith.constant 64 : i32
          %parallel_loop3A_1337 = arith.muli %parallel_loop3A_1335, %parallel_loop3A_1336 : i32
          %parallel_loop3A_1338 = arith.constant 0 : i32
          %parallel_loop3A_1339 = arith.addi %parallel_loop3A_1337, %parallel_loop3A_1338 : i32
          %parallel_loop3A_1340 = arith.index_cast %parallel_loop3A_1339 : i32 to index
          %parallel_loop3A_1341 = tpu.vector_load %arg5[%parallel_loop3A_1340] {strides = array<i32>} : memref<12800xf32, #tpu.memory_space<vmem>>, vector<16xf32>,
          %parallel_loop3A_1342 = arith.constant 0 : i32
          %parallel_loop3A_1343 = arith.addi %parallel_loop3A_1331, %parallel_loop3A_1342 : i32
          %parallel_loop3A_1344 = arith.constant 0 : i32
          %parallel_loop3A_1345 = arith.constant 0 : i32
          %parallel_loop3A_1346 = arith.constant 0 : i32
          %parallel_loop3A_1347 = tpu.memref_slice %run_scoped3A_8[%rem3A_201, %parallel_loop3A_1345, %parallel_loop3A_1346] : memref<2x1x12800xf32, #tpu.memory_space<vmem>> -> memref<1x1x12800xf32, #tpu.memory_space<vmem>>
          %parallel_loop3A_1348 = tpu.memref_squeeze %parallel_loop3A_1347 : memref<1x1x12800xf32, #tpu.memory_space<vmem>> -> memref<1x12800xf32, #tpu.memory_space<vmem>>
          %parallel_loop3A_1349 = arith.index_cast %parallel_loop3A_1344 : i32 to index
          %parallel_loop3A_1350 = arith.index_cast %parallel_loop3A_1343 : i32 to index
          %parallel_loop3A_1351 = tpu.vector_load %parallel_loop3A_1348[%parallel_loop3A_1349, %parallel_loop3A_1350] {strides = array<i32>} : memref<1x12800xf32, #tpu.memory_space<vmem>>, vector<16xf32>,
          tpu.vector_store %parallel_loop3A_1348[%parallel_loop3A_1349, %parallel_loop3A_1350], %parallel_loop3A_1341 {strides = array<i32>} : memref<1x12800xf32, #tpu.memory_space<vmem>>, vector<16xf32>,
          %parallel_loop3A_1352 = arith.constant 16 : i32
          %parallel_loop3A_1353 = arith.addi %parallel_loop3A_1337, %parallel_loop3A_1352 : i32
          %parallel_loop3A_1354 = arith.index_cast %parallel_loop3A_1353 : i32 to index
          %parallel_loop3A_1355 = tpu.vector_load %arg5[%parallel_loop3A_1354] {strides = array<i32>} : memref<12800xf32, #tpu.memory_space<vmem>>, vector<16xf32>,
          %parallel_loop3A_1356 = arith.constant 16 : i32
          %parallel_loop3A_1357 = arith.addi %parallel_loop3A_1331, %parallel_loop3A_1356 : i32
          %parallel_loop3A_1358 = arith.constant 0 : i32
          %parallel_loop3A_1359 = arith.constant 0 : i32
          %parallel_loop3A_1360 = arith.constant 0 : i32
          %parallel_loop3A_1361 = tpu.memref_slice %run_scoped3A_8[%rem3A_201, %parallel_loop3A_1359, %parallel_loop3A_1360] : memref<2x1x12800xf32, #tpu.memory_space<vmem>> -> memref<1x1x12800xf32, #tpu.memory_space<vmem>>
          %parallel_loop3A_1362 = tpu.memref_squeeze %parallel_loop3A_1361 : memref<1x1x12800xf32, #tpu.memory_space<vmem>> -> memref<1x12800xf32, #tpu.memory_space<vmem>>
          %parallel_loop3A_1363 = arith.index_cast %parallel_loop3A_1358 : i32 to index
          %parallel_loop3A_1364 = arith.index_cast %parallel_loop3A_1357 : i32 to index
          %parallel_loop3A_1365 = tpu.vector_load %parallel_loop3A_1362[%parallel_loop3A_1363, %parallel_loop3A_1364] {strides = array<i32>} : memref<1x12800xf32, #tpu.memory_space<vmem>>, vector<16xf32>,
          tpu.vector_store %parallel_loop3A_1362[%parallel_loop3A_1363, %parallel_loop3A_1364], %parallel_loop3A_1355 {strides = array<i32>} : memref<1x12800xf32, #tpu.memory_space<vmem>>, vector<16xf32>,
          %parallel_loop3A_1366 = arith.constant 32 : i32
          %parallel_loop3A_1367 = arith.addi %parallel_loop3A_1337, %parallel_loop3A_1366 : i32
          %parallel_loop3A_1368 = arith.index_cast %parallel_loop3A_1367 : i32 to index
          %parallel_loop3A_1369 = tpu.vector_load %arg5[%parallel_loop3A_1368] {strides = array<i32>} : memref<12800xf32, #tpu.memory_space<vmem>>, vector<16xf32>,
          %parallel_loop3A_1370 = arith.constant 32 : i32
          %parallel_loop3A_1371 = arith.addi %parallel_loop3A_1331, %parallel_loop3A_1370 : i32
          %parallel_loop3A_1372 = arith.constant 0 : i32
          %parallel_loop3A_1373 = arith.constant 0 : i32
          %parallel_loop3A_1374 = arith.constant 0 : i32
          %parallel_loop3A_1375 = tpu.memref_slice %run_scoped3A_8[%rem3A_201, %parallel_loop3A_1373, %parallel_loop3A_1374] : memref<2x1x12800xf32, #tpu.memory_space<vmem>> -> memref<1x1x12800xf32, #tpu.memory_space<vmem>>
          %parallel_loop3A_1376 = tpu.memref_squeeze %parallel_loop3A_1375 : memref<1x1x12800xf32, #tpu.memory_space<vmem>> -> memref<1x12800xf32, #tpu.memory_space<vmem>>
          %parallel_loop3A_1377 = arith.index_cast %parallel_loop3A_1372 : i32 to index
          %parallel_loop3A_1378 = arith.index_cast %parallel_loop3A_1371 : i32 to index
          %parallel_loop3A_1379 = tpu.vector_load %parallel_loop3A_1376[%parallel_loop3A_1377, %parallel_loop3A_1378] {strides = array<i32>} : memref<1x12800xf32, #tpu.memory_space<vmem>>, vector<16xf32>,
          tpu.vector_store %parallel_loop3A_1376[%parallel_loop3A_1377, %parallel_loop3A_1378], %parallel_loop3A_1369 {strides = array<i32>} : memref<1x12800xf32, #tpu.memory_space<vmem>>, vector<16xf32>,
          %parallel_loop3A_1380 = arith.constant 48 : i32
          %parallel_loop3A_1381 = arith.addi %parallel_loop3A_1337, %parallel_loop3A_1380 : i32
          %parallel_loop3A_1382 = arith.index_cast %parallel_loop3A_1381 : i32 to index
          %parallel_loop3A_1383 = tpu.vector_load %arg5[%parallel_loop3A_1382] {strides = array<i32>} : memref<12800xf32, #tpu.memory_space<vmem>>, vector<16xf32>,
          %parallel_loop3A_1384 = arith.constant 48 : i32
          %parallel_loop3A_1385 = arith.addi %parallel_loop3A_1331, %parallel_loop3A_1384 : i32
          %parallel_loop3A_1386 = arith.constant 0 : i32
          %parallel_loop3A_1387 = arith.constant 0 : i32
          %parallel_loop3A_1388 = arith.constant 0 : i32
          %parallel_loop3A_1389 = tpu.memref_slice %run_scoped3A_8[%rem3A_201, %parallel_loop3A_1387, %parallel_loop3A_1388] : memref<2x1x12800xf32, #tpu.memory_space<vmem>> -> memref<1x1x12800xf32, #tpu.memory_space<vmem>>
          %parallel_loop3A_1390 = tpu.memref_squeeze %parallel_loop3A_1389 : memref<1x1x12800xf32, #tpu.memory_space<vmem>> -> memref<1x12800xf32, #tpu.memory_space<vmem>>
          %parallel_loop3A_1391 = arith.index_cast %parallel_loop3A_1386 : i32 to index
          %parallel_loop3A_1392 = arith.index_cast %parallel_loop3A_1385 : i32 to index
          %parallel_loop3A_1393 = tpu.vector_load %parallel_loop3A_1390[%parallel_loop3A_1391, %parallel_loop3A_1392] {strides = array<i32>} : memref<1x12800xf32, #tpu.memory_space<vmem>>, vector<16xf32>,
          tpu.vector_store %parallel_loop3A_1390[%parallel_loop3A_1391, %parallel_loop3A_1392], %parallel_loop3A_1383 {strides = array<i32>} : memref<1x12800xf32, #tpu.memory_space<vmem>>, vector<16xf32>,
          %parallel_loop3A_1394 = vector.extract_strided_slice %parallel_loop3A_689 {offsets = [11], sizes = [1], strides = [1]} : vector<16xi32> to vector<1xi32>
          %parallel_loop3A_1395 = vector.extract %parallel_loop3A_1394[0] : i32 from vector<1xi32>
          %parallel_loop3A_1396 = arith.constant 16 : i32
          %parallel_loop3A_1397 = arith.muli %parallel_loop3A_679, %parallel_loop3A_1396 : i32
          %parallel_loop3A_1398 = arith.constant 11 : i32
          %parallel_loop3A_1399 = arith.addi %parallel_loop3A_1397, %parallel_loop3A_1398 : i32
          %parallel_loop3A_1400 = arith.constant 64 : i32
          %parallel_loop3A_1401 = arith.muli %parallel_loop3A_1399, %parallel_loop3A_1400 : i32
          %parallel_loop3A_1402 = arith.constant 0 : i32
          %parallel_loop3A_1403 = arith.addi %parallel_loop3A_1401, %parallel_loop3A_1402 : i32
          %parallel_loop3A_1404 = arith.index_cast %parallel_loop3A_1403 : i32 to index
          %parallel_loop3A_1405 = tpu.vector_load %arg5[%parallel_loop3A_1404] {strides = array<i32>} : memref<12800xf32, #tpu.memory_space<vmem>>, vector<16xf32>,
          %parallel_loop3A_1406 = arith.constant 0 : i32
          %parallel_loop3A_1407 = arith.addi %parallel_loop3A_1395, %parallel_loop3A_1406 : i32
          %parallel_loop3A_1408 = arith.constant 0 : i32
          %parallel_loop3A_1409 = arith.constant 0 : i32
          %parallel_loop3A_1410 = arith.constant 0 : i32
          %parallel_loop3A_1411 = tpu.memref_slice %run_scoped3A_8[%rem3A_201, %parallel_loop3A_1409, %parallel_loop3A_1410] : memref<2x1x12800xf32, #tpu.memory_space<vmem>> -> memref<1x1x12800xf32, #tpu.memory_space<vmem>>
          %parallel_loop3A_1412 = tpu.memref_squeeze %parallel_loop3A_1411 : memref<1x1x12800xf32, #tpu.memory_space<vmem>> -> memref<1x12800xf32, #tpu.memory_space<vmem>>
          %parallel_loop3A_1413 = arith.index_cast %parallel_loop3A_1408 : i32 to index
          %parallel_loop3A_1414 = arith.index_cast %parallel_loop3A_1407 : i32 to index
          %parallel_loop3A_1415 = tpu.vector_load %parallel_loop3A_1412[%parallel_loop3A_1413, %parallel_loop3A_1414] {strides = array<i32>} : memref<1x12800xf32, #tpu.memory_space<vmem>>, vector<16xf32>,
          tpu.vector_store %parallel_loop3A_1412[%parallel_loop3A_1413, %parallel_loop3A_1414], %parallel_loop3A_1405 {strides = array<i32>} : memref<1x12800xf32, #tpu.memory_space<vmem>>, vector<16xf32>,
          %parallel_loop3A_1416 = arith.constant 16 : i32
          %parallel_loop3A_1417 = arith.addi %parallel_loop3A_1401, %parallel_loop3A_1416 : i32
          %parallel_loop3A_1418 = arith.index_cast %parallel_loop3A_1417 : i32 to index
          %parallel_loop3A_1419 = tpu.vector_load %arg5[%parallel_loop3A_1418] {strides = array<i32>} : memref<12800xf32, #tpu.memory_space<vmem>>, vector<16xf32>,
          %parallel_loop3A_1420 = arith.constant 16 : i32
          %parallel_loop3A_1421 = arith.addi %parallel_loop3A_1395, %parallel_loop3A_1420 : i32
          %parallel_loop3A_1422 = arith.constant 0 : i32
          %parallel_loop3A_1423 = arith.constant 0 : i32
          %parallel_loop3A_1424 = arith.constant 0 : i32
          %parallel_loop3A_1425 = tpu.memref_slice %run_scoped3A_8[%rem3A_201, %parallel_loop3A_1423, %parallel_loop3A_1424] : memref<2x1x12800xf32, #tpu.memory_space<vmem>> -> memref<1x1x12800xf32, #tpu.memory_space<vmem>>
          %parallel_loop3A_1426 = tpu.memref_squeeze %parallel_loop3A_1425 : memref<1x1x12800xf32, #tpu.memory_space<vmem>> -> memref<1x12800xf32, #tpu.memory_space<vmem>>
          %parallel_loop3A_1427 = arith.index_cast %parallel_loop3A_1422 : i32 to index
          %parallel_loop3A_1428 = arith.index_cast %parallel_loop3A_1421 : i32 to index
          %parallel_loop3A_1429 = tpu.vector_load %parallel_loop3A_1426[%parallel_loop3A_1427, %parallel_loop3A_1428] {strides = array<i32>} : memref<1x12800xf32, #tpu.memory_space<vmem>>, vector<16xf32>,
          tpu.vector_store %parallel_loop3A_1426[%parallel_loop3A_1427, %parallel_loop3A_1428], %parallel_loop3A_1419 {strides = array<i32>} : memref<1x12800xf32, #tpu.memory_space<vmem>>, vector<16xf32>,
          %parallel_loop3A_1430 = arith.constant 32 : i32
          %parallel_loop3A_1431 = arith.addi %parallel_loop3A_1401, %parallel_loop3A_1430 : i32
          %parallel_loop3A_1432 = arith.index_cast %parallel_loop3A_1431 : i32 to index
          %parallel_loop3A_1433 = tpu.vector_load %arg5[%parallel_loop3A_1432] {strides = array<i32>} : memref<12800xf32, #tpu.memory_space<vmem>>, vector<16xf32>,
          %parallel_loop3A_1434 = arith.constant 32 : i32
          %parallel_loop3A_1435 = arith.addi %parallel_loop3A_1395, %parallel_loop3A_1434 : i32
          %parallel_loop3A_1436 = arith.constant 0 : i32
          %parallel_loop3A_1437 = arith.constant 0 : i32
          %parallel_loop3A_1438 = arith.constant 0 : i32
          %parallel_loop3A_1439 = tpu.memref_slice %run_scoped3A_8[%rem3A_201, %parallel_loop3A_1437, %parallel_loop3A_1438] : memref<2x1x12800xf32, #tpu.memory_space<vmem>> -> memref<1x1x12800xf32, #tpu.memory_space<vmem>>
          %parallel_loop3A_1440 = tpu.memref_squeeze %parallel_loop3A_1439 : memref<1x1x12800xf32, #tpu.memory_space<vmem>> -> memref<1x12800xf32, #tpu.memory_space<vmem>>
          %parallel_loop3A_1441 = arith.index_cast %parallel_loop3A_1436 : i32 to index
          %parallel_loop3A_1442 = arith.index_cast %parallel_loop3A_1435 : i32 to index
          %parallel_loop3A_1443 = tpu.vector_load %parallel_loop3A_1440[%parallel_loop3A_1441, %parallel_loop3A_1442] {strides = array<i32>} : memref<1x12800xf32, #tpu.memory_space<vmem>>, vector<16xf32>,
          tpu.vector_store %parallel_loop3A_1440[%parallel_loop3A_1441, %parallel_loop3A_1442], %parallel_loop3A_1433 {strides = array<i32>} : memref<1x12800xf32, #tpu.memory_space<vmem>>, vector<16xf32>,
          %parallel_loop3A_1444 = arith.constant 48 : i32
          %parallel_loop3A_1445 = arith.addi %parallel_loop3A_1401, %parallel_loop3A_1444 : i32
          %parallel_loop3A_1446 = arith.index_cast %parallel_loop3A_1445 : i32 to index
          %parallel_loop3A_1447 = tpu.vector_load %arg5[%parallel_loop3A_1446] {strides = array<i32>} : memref<12800xf32, #tpu.memory_space<vmem>>, vector<16xf32>,
          %parallel_loop3A_1448 = arith.constant 48 : i32
          %parallel_loop3A_1449 = arith.addi %parallel_loop3A_1395, %parallel_loop3A_1448 : i32
          %parallel_loop3A_1450 = arith.constant 0 : i32
          %parallel_loop3A_1451 = arith.constant 0 : i32
          %parallel_loop3A_1452 = arith.constant 0 : i32
          %parallel_loop3A_1453 = tpu.memref_slice %run_scoped3A_8[%rem3A_201, %parallel_loop3A_1451, %parallel_loop3A_1452] : memref<2x1x12800xf32, #tpu.memory_space<vmem>> -> memref<1x1x12800xf32, #tpu.memory_space<vmem>>
          %parallel_loop3A_1454 = tpu.memref_squeeze %parallel_loop3A_1453 : memref<1x1x12800xf32, #tpu.memory_space<vmem>> -> memref<1x12800xf32, #tpu.memory_space<vmem>>
          %parallel_loop3A_1455 = arith.index_cast %parallel_loop3A_1450 : i32 to index
          %parallel_loop3A_1456 = arith.index_cast %parallel_loop3A_1449 : i32 to index
          %parallel_loop3A_1457 = tpu.vector_load %parallel_loop3A_1454[%parallel_loop3A_1455, %parallel_loop3A_1456] {strides = array<i32>} : memref<1x12800xf32, #tpu.memory_space<vmem>>, vector<16xf32>,
          tpu.vector_store %parallel_loop3A_1454[%parallel_loop3A_1455, %parallel_loop3A_1456], %parallel_loop3A_1447 {strides = array<i32>} : memref<1x12800xf32, #tpu.memory_space<vmem>>, vector<16xf32>,
          %parallel_loop3A_1458 = vector.extract_strided_slice %parallel_loop3A_689 {offsets = [12], sizes = [1], strides = [1]} : vector<16xi32> to vector<1xi32>
          %parallel_loop3A_1459 = vector.extract %parallel_loop3A_1458[0] : i32 from vector<1xi32>
          %parallel_loop3A_1460 = arith.constant 16 : i32
          %parallel_loop3A_1461 = arith.muli %parallel_loop3A_679, %parallel_loop3A_1460 : i32
          %parallel_loop3A_1462 = arith.constant 12 : i32
          %parallel_loop3A_1463 = arith.addi %parallel_loop3A_1461, %parallel_loop3A_1462 : i32
          %parallel_loop3A_1464 = arith.constant 64 : i32
          %parallel_loop3A_1465 = arith.muli %parallel_loop3A_1463, %parallel_loop3A_1464 : i32
          %parallel_loop3A_1466 = arith.constant 0 : i32
          %parallel_loop3A_1467 = arith.addi %parallel_loop3A_1465, %parallel_loop3A_1466 : i32
          %parallel_loop3A_1468 = arith.index_cast %parallel_loop3A_1467 : i32 to index
          %parallel_loop3A_1469 = tpu.vector_load %arg5[%parallel_loop3A_1468] {strides = array<i32>} : memref<12800xf32, #tpu.memory_space<vmem>>, vector<16xf32>,
          %parallel_loop3A_1470 = arith.constant 0 : i32
          %parallel_loop3A_1471 = arith.addi %parallel_loop3A_1459, %parallel_loop3A_1470 : i32
          %parallel_loop3A_1472 = arith.constant 0 : i32
          %parallel_loop3A_1473 = arith.constant 0 : i32
          %parallel_loop3A_1474 = arith.constant 0 : i32
          %parallel_loop3A_1475 = tpu.memref_slice %run_scoped3A_8[%rem3A_201, %parallel_loop3A_1473, %parallel_loop3A_1474] : memref<2x1x12800xf32, #tpu.memory_space<vmem>> -> memref<1x1x12800xf32, #tpu.memory_space<vmem>>
          %parallel_loop3A_1476 = tpu.memref_squeeze %parallel_loop3A_1475 : memref<1x1x12800xf32, #tpu.memory_space<vmem>> -> memref<1x12800xf32, #tpu.memory_space<vmem>>
          %parallel_loop3A_1477 = arith.index_cast %parallel_loop3A_1472 : i32 to index
          %parallel_loop3A_1478 = arith.index_cast %parallel_loop3A_1471 : i32 to index
          %parallel_loop3A_1479 = tpu.vector_load %parallel_loop3A_1476[%parallel_loop3A_1477, %parallel_loop3A_1478] {strides = array<i32>} : memref<1x12800xf32, #tpu.memory_space<vmem>>, vector<16xf32>,
          tpu.vector_store %parallel_loop3A_1476[%parallel_loop3A_1477, %parallel_loop3A_1478], %parallel_loop3A_1469 {strides = array<i32>} : memref<1x12800xf32, #tpu.memory_space<vmem>>, vector<16xf32>,
          %parallel_loop3A_1480 = arith.constant 16 : i32
          %parallel_loop3A_1481 = arith.addi %parallel_loop3A_1465, %parallel_loop3A_1480 : i32
          %parallel_loop3A_1482 = arith.index_cast %parallel_loop3A_1481 : i32 to index
          %parallel_loop3A_1483 = tpu.vector_load %arg5[%parallel_loop3A_1482] {strides = array<i32>} : memref<12800xf32, #tpu.memory_space<vmem>>, vector<16xf32>,
          %parallel_loop3A_1484 = arith.constant 16 : i32
          %parallel_loop3A_1485 = arith.addi %parallel_loop3A_1459, %parallel_loop3A_1484 : i32
          %parallel_loop3A_1486 = arith.constant 0 : i32
          %parallel_loop3A_1487 = arith.constant 0 : i32
          %parallel_loop3A_1488 = arith.constant 0 : i32
          %parallel_loop3A_1489 = tpu.memref_slice %run_scoped3A_8[%rem3A_201, %parallel_loop3A_1487, %parallel_loop3A_1488] : memref<2x1x12800xf32, #tpu.memory_space<vmem>> -> memref<1x1x12800xf32, #tpu.memory_space<vmem>>
          %parallel_loop3A_1490 = tpu.memref_squeeze %parallel_loop3A_1489 : memref<1x1x12800xf32, #tpu.memory_space<vmem>> -> memref<1x12800xf32, #tpu.memory_space<vmem>>
          %parallel_loop3A_1491 = arith.index_cast %parallel_loop3A_1486 : i32 to index
          %parallel_loop3A_1492 = arith.index_cast %parallel_loop3A_1485 : i32 to index
          %parallel_loop3A_1493 = tpu.vector_load %parallel_loop3A_1490[%parallel_loop3A_1491, %parallel_loop3A_1492] {strides = array<i32>} : memref<1x12800xf32, #tpu.memory_space<vmem>>, vector<16xf32>,
          tpu.vector_store %parallel_loop3A_1490[%parallel_loop3A_1491, %parallel_loop3A_1492], %parallel_loop3A_1483 {strides = array<i32>} : memref<1x12800xf32, #tpu.memory_space<vmem>>, vector<16xf32>,
          %parallel_loop3A_1494 = arith.constant 32 : i32
          %parallel_loop3A_1495 = arith.addi %parallel_loop3A_1465, %parallel_loop3A_1494 : i32
          %parallel_loop3A_1496 = arith.index_cast %parallel_loop3A_1495 : i32 to index
          %parallel_loop3A_1497 = tpu.vector_load %arg5[%parallel_loop3A_1496] {strides = array<i32>} : memref<12800xf32, #tpu.memory_space<vmem>>, vector<16xf32>,
          %parallel_loop3A_1498 = arith.constant 32 : i32
          %parallel_loop3A_1499 = arith.addi %parallel_loop3A_1459, %parallel_loop3A_1498 : i32
          %parallel_loop3A_1500 = arith.constant 0 : i32
          %parallel_loop3A_1501 = arith.constant 0 : i32
          %parallel_loop3A_1502 = arith.constant 0 : i32
          %parallel_loop3A_1503 = tpu.memref_slice %run_scoped3A_8[%rem3A_201, %parallel_loop3A_1501, %parallel_loop3A_1502] : memref<2x1x12800xf32, #tpu.memory_space<vmem>> -> memref<1x1x12800xf32, #tpu.memory_space<vmem>>
          %parallel_loop3A_1504 = tpu.memref_squeeze %parallel_loop3A_1503 : memref<1x1x12800xf32, #tpu.memory_space<vmem>> -> memref<1x12800xf32, #tpu.memory_space<vmem>>
          %parallel_loop3A_1505 = arith.index_cast %parallel_loop3A_1500 : i32 to index
          %parallel_loop3A_1506 = arith.index_cast %parallel_loop3A_1499 : i32 to index
          %parallel_loop3A_1507 = tpu.vector_load %parallel_loop3A_1504[%parallel_loop3A_1505, %parallel_loop3A_1506] {strides = array<i32>} : memref<1x12800xf32, #tpu.memory_space<vmem>>, vector<16xf32>,
          tpu.vector_store %parallel_loop3A_1504[%parallel_loop3A_1505, %parallel_loop3A_1506], %parallel_loop3A_1497 {strides = array<i32>} : memref<1x12800xf32, #tpu.memory_space<vmem>>, vector<16xf32>,
          %parallel_loop3A_1508 = arith.constant 48 : i32
          %parallel_loop3A_1509 = arith.addi %parallel_loop3A_1465, %parallel_loop3A_1508 : i32
          %parallel_loop3A_1510 = arith.index_cast %parallel_loop3A_1509 : i32 to index
          %parallel_loop3A_1511 = tpu.vector_load %arg5[%parallel_loop3A_1510] {strides = array<i32>} : memref<12800xf32, #tpu.memory_space<vmem>>, vector<16xf32>,
          %parallel_loop3A_1512 = arith.constant 48 : i32
          %parallel_loop3A_1513 = arith.addi %parallel_loop3A_1459, %parallel_loop3A_1512 : i32
          %parallel_loop3A_1514 = arith.constant 0 : i32
          %parallel_loop3A_1515 = arith.constant 0 : i32
          %parallel_loop3A_1516 = arith.constant 0 : i32
          %parallel_loop3A_1517 = tpu.memref_slice %run_scoped3A_8[%rem3A_201, %parallel_loop3A_1515, %parallel_loop3A_1516] : memref<2x1x12800xf32, #tpu.memory_space<vmem>> -> memref<1x1x12800xf32, #tpu.memory_space<vmem>>
          %parallel_loop3A_1518 = tpu.memref_squeeze %parallel_loop3A_1517 : memref<1x1x12800xf32, #tpu.memory_space<vmem>> -> memref<1x12800xf32, #tpu.memory_space<vmem>>
          %parallel_loop3A_1519 = arith.index_cast %parallel_loop3A_1514 : i32 to index
          %parallel_loop3A_1520 = arith.index_cast %parallel_loop3A_1513 : i32 to index
          %parallel_loop3A_1521 = tpu.vector_load %parallel_loop3A_1518[%parallel_loop3A_1519, %parallel_loop3A_1520] {strides = array<i32>} : memref<1x12800xf32, #tpu.memory_space<vmem>>, vector<16xf32>,
          tpu.vector_store %parallel_loop3A_1518[%parallel_loop3A_1519, %parallel_loop3A_1520], %parallel_loop3A_1511 {strides = array<i32>} : memref<1x12800xf32, #tpu.memory_space<vmem>>, vector<16xf32>,
          %parallel_loop3A_1522 = vector.extract_strided_slice %parallel_loop3A_689 {offsets = [13], sizes = [1], strides = [1]} : vector<16xi32> to vector<1xi32>
          %parallel_loop3A_1523 = vector.extract %parallel_loop3A_1522[0] : i32 from vector<1xi32>
          %parallel_loop3A_1524 = arith.constant 16 : i32
          %parallel_loop3A_1525 = arith.muli %parallel_loop3A_679, %parallel_loop3A_1524 : i32
          %parallel_loop3A_1526 = arith.constant 13 : i32
          %parallel_loop3A_1527 = arith.addi %parallel_loop3A_1525, %parallel_loop3A_1526 : i32
          %parallel_loop3A_1528 = arith.constant 64 : i32
          %parallel_loop3A_1529 = arith.muli %parallel_loop3A_1527, %parallel_loop3A_1528 : i32
          %parallel_loop3A_1530 = arith.constant 0 : i32
          %parallel_loop3A_1531 = arith.addi %parallel_loop3A_1529, %parallel_loop3A_1530 : i32
          %parallel_loop3A_1532 = arith.index_cast %parallel_loop3A_1531 : i32 to index
          %parallel_loop3A_1533 = tpu.vector_load %arg5[%parallel_loop3A_1532] {strides = array<i32>} : memref<12800xf32, #tpu.memory_space<vmem>>, vector<16xf32>,
          %parallel_loop3A_1534 = arith.constant 0 : i32
          %parallel_loop3A_1535 = arith.addi %parallel_loop3A_1523, %parallel_loop3A_1534 : i32
          %parallel_loop3A_1536 = arith.constant 0 : i32
          %parallel_loop3A_1537 = arith.constant 0 : i32
          %parallel_loop3A_1538 = arith.constant 0 : i32
          %parallel_loop3A_1539 = tpu.memref_slice %run_scoped3A_8[%rem3A_201, %parallel_loop3A_1537, %parallel_loop3A_1538] : memref<2x1x12800xf32, #tpu.memory_space<vmem>> -> memref<1x1x12800xf32, #tpu.memory_space<vmem>>
          %parallel_loop3A_1540 = tpu.memref_squeeze %parallel_loop3A_1539 : memref<1x1x12800xf32, #tpu.memory_space<vmem>> -> memref<1x12800xf32, #tpu.memory_space<vmem>>
          %parallel_loop3A_1541 = arith.index_cast %parallel_loop3A_1536 : i32 to index
          %parallel_loop3A_1542 = arith.index_cast %parallel_loop3A_1535 : i32 to index
          %parallel_loop3A_1543 = tpu.vector_load %parallel_loop3A_1540[%parallel_loop3A_1541, %parallel_loop3A_1542] {strides = array<i32>} : memref<1x12800xf32, #tpu.memory_space<vmem>>, vector<16xf32>,
          tpu.vector_store %parallel_loop3A_1540[%parallel_loop3A_1541, %parallel_loop3A_1542], %parallel_loop3A_1533 {strides = array<i32>} : memref<1x12800xf32, #tpu.memory_space<vmem>>, vector<16xf32>,
          %parallel_loop3A_1544 = arith.constant 16 : i32
          %parallel_loop3A_1545 = arith.addi %parallel_loop3A_1529, %parallel_loop3A_1544 : i32
          %parallel_loop3A_1546 = arith.index_cast %parallel_loop3A_1545 : i32 to index
          %parallel_loop3A_1547 = tpu.vector_load %arg5[%parallel_loop3A_1546] {strides = array<i32>} : memref<12800xf32, #tpu.memory_space<vmem>>, vector<16xf32>,
          %parallel_loop3A_1548 = arith.constant 16 : i32
          %parallel_loop3A_1549 = arith.addi %parallel_loop3A_1523, %parallel_loop3A_1548 : i32
          %parallel_loop3A_1550 = arith.constant 0 : i32
          %parallel_loop3A_1551 = arith.constant 0 : i32
          %parallel_loop3A_1552 = arith.constant 0 : i32
          %parallel_loop3A_1553 = tpu.memref_slice %run_scoped3A_8[%rem3A_201, %parallel_loop3A_1551, %parallel_loop3A_1552] : memref<2x1x12800xf32, #tpu.memory_space<vmem>> -> memref<1x1x12800xf32, #tpu.memory_space<vmem>>
          %parallel_loop3A_1554 = tpu.memref_squeeze %parallel_loop3A_1553 : memref<1x1x12800xf32, #tpu.memory_space<vmem>> -> memref<1x12800xf32, #tpu.memory_space<vmem>>
          %parallel_loop3A_1555 = arith.index_cast %parallel_loop3A_1550 : i32 to index
          %parallel_loop3A_1556 = arith.index_cast %parallel_loop3A_1549 : i32 to index
          %parallel_loop3A_1557 = tpu.vector_load %parallel_loop3A_1554[%parallel_loop3A_1555, %parallel_loop3A_1556] {strides = array<i32>} : memref<1x12800xf32, #tpu.memory_space<vmem>>, vector<16xf32>,
          tpu.vector_store %parallel_loop3A_1554[%parallel_loop3A_1555, %parallel_loop3A_1556], %parallel_loop3A_1547 {strides = array<i32>} : memref<1x12800xf32, #tpu.memory_space<vmem>>, vector<16xf32>,
          %parallel_loop3A_1558 = arith.constant 32 : i32
          %parallel_loop3A_1559 = arith.addi %parallel_loop3A_1529, %parallel_loop3A_1558 : i32
          %parallel_loop3A_1560 = arith.index_cast %parallel_loop3A_1559 : i32 to index
          %parallel_loop3A_1561 = tpu.vector_load %arg5[%parallel_loop3A_1560] {strides = array<i32>} : memref<12800xf32, #tpu.memory_space<vmem>>, vector<16xf32>,
          %parallel_loop3A_1562 = arith.constant 32 : i32
          %parallel_loop3A_1563 = arith.addi %parallel_loop3A_1523, %parallel_loop3A_1562 : i32
          %parallel_loop3A_1564 = arith.constant 0 : i32
          %parallel_loop3A_1565 = arith.constant 0 : i32
          %parallel_loop3A_1566 = arith.constant 0 : i32
          %parallel_loop3A_1567 = tpu.memref_slice %run_scoped3A_8[%rem3A_201, %parallel_loop3A_1565, %parallel_loop3A_1566] : memref<2x1x12800xf32, #tpu.memory_space<vmem>> -> memref<1x1x12800xf32, #tpu.memory_space<vmem>>
          %parallel_loop3A_1568 = tpu.memref_squeeze %parallel_loop3A_1567 : memref<1x1x12800xf32, #tpu.memory_space<vmem>> -> memref<1x12800xf32, #tpu.memory_space<vmem>>
          %parallel_loop3A_1569 = arith.index_cast %parallel_loop3A_1564 : i32 to index
          %parallel_loop3A_1570 = arith.index_cast %parallel_loop3A_1563 : i32 to index
          %parallel_loop3A_1571 = tpu.vector_load %parallel_loop3A_1568[%parallel_loop3A_1569, %parallel_loop3A_1570] {strides = array<i32>} : memref<1x12800xf32, #tpu.memory_space<vmem>>, vector<16xf32>,
          tpu.vector_store %parallel_loop3A_1568[%parallel_loop3A_1569, %parallel_loop3A_1570], %parallel_loop3A_1561 {strides = array<i32>} : memref<1x12800xf32, #tpu.memory_space<vmem>>, vector<16xf32>,
          %parallel_loop3A_1572 = arith.constant 48 : i32
          %parallel_loop3A_1573 = arith.addi %parallel_loop3A_1529, %parallel_loop3A_1572 : i32
          %parallel_loop3A_1574 = arith.index_cast %parallel_loop3A_1573 : i32 to index
          %parallel_loop3A_1575 = tpu.vector_load %arg5[%parallel_loop3A_1574] {strides = array<i32>} : memref<12800xf32, #tpu.memory_space<vmem>>, vector<16xf32>,
          %parallel_loop3A_1576 = arith.constant 48 : i32
          %parallel_loop3A_1577 = arith.addi %parallel_loop3A_1523, %parallel_loop3A_1576 : i32
          %parallel_loop3A_1578 = arith.constant 0 : i32
          %parallel_loop3A_1579 = arith.constant 0 : i32
          %parallel_loop3A_1580 = arith.constant 0 : i32
          %parallel_loop3A_1581 = tpu.memref_slice %run_scoped3A_8[%rem3A_201, %parallel_loop3A_1579, %parallel_loop3A_1580] : memref<2x1x12800xf32, #tpu.memory_space<vmem>> -> memref<1x1x12800xf32, #tpu.memory_space<vmem>>
          %parallel_loop3A_1582 = tpu.memref_squeeze %parallel_loop3A_1581 : memref<1x1x12800xf32, #tpu.memory_space<vmem>> -> memref<1x12800xf32, #tpu.memory_space<vmem>>
          %parallel_loop3A_1583 = arith.index_cast %parallel_loop3A_1578 : i32 to index
          %parallel_loop3A_1584 = arith.index_cast %parallel_loop3A_1577 : i32 to index
          %parallel_loop3A_1585 = tpu.vector_load %parallel_loop3A_1582[%parallel_loop3A_1583, %parallel_loop3A_1584] {strides = array<i32>} : memref<1x12800xf32, #tpu.memory_space<vmem>>, vector<16xf32>,
          tpu.vector_store %parallel_loop3A_1582[%parallel_loop3A_1583, %parallel_loop3A_1584], %parallel_loop3A_1575 {strides = array<i32>} : memref<1x12800xf32, #tpu.memory_space<vmem>>, vector<16xf32>,
          %parallel_loop3A_1586 = vector.extract_strided_slice %parallel_loop3A_689 {offsets = [14], sizes = [1], strides = [1]} : vector<16xi32> to vector<1xi32>
          %parallel_loop3A_1587 = vector.extract %parallel_loop3A_1586[0] : i32 from vector<1xi32>
          %parallel_loop3A_1588 = arith.constant 16 : i32
          %parallel_loop3A_1589 = arith.muli %parallel_loop3A_679, %parallel_loop3A_1588 : i32
          %parallel_loop3A_1590 = arith.constant 14 : i32
          %parallel_loop3A_1591 = arith.addi %parallel_loop3A_1589, %parallel_loop3A_1590 : i32
          %parallel_loop3A_1592 = arith.constant 64 : i32
          %parallel_loop3A_1593 = arith.muli %parallel_loop3A_1591, %parallel_loop3A_1592 : i32
          %parallel_loop3A_1594 = arith.constant 0 : i32
          %parallel_loop3A_1595 = arith.addi %parallel_loop3A_1593, %parallel_loop3A_1594 : i32
          %parallel_loop3A_1596 = arith.index_cast %parallel_loop3A_1595 : i32 to index
          %parallel_loop3A_1597 = tpu.vector_load %arg5[%parallel_loop3A_1596] {strides = array<i32>} : memref<12800xf32, #tpu.memory_space<vmem>>, vector<16xf32>,
          %parallel_loop3A_1598 = arith.constant 0 : i32
          %parallel_loop3A_1599 = arith.addi %parallel_loop3A_1587, %parallel_loop3A_1598 : i32
          %parallel_loop3A_1600 = arith.constant 0 : i32
          %parallel_loop3A_1601 = arith.constant 0 : i32
          %parallel_loop3A_1602 = arith.constant 0 : i32
          %parallel_loop3A_1603 = tpu.memref_slice %run_scoped3A_8[%rem3A_201, %parallel_loop3A_1601, %parallel_loop3A_1602] : memref<2x1x12800xf32, #tpu.memory_space<vmem>> -> memref<1x1x12800xf32, #tpu.memory_space<vmem>>
          %parallel_loop3A_1604 = tpu.memref_squeeze %parallel_loop3A_1603 : memref<1x1x12800xf32, #tpu.memory_space<vmem>> -> memref<1x12800xf32, #tpu.memory_space<vmem>>
          %parallel_loop3A_1605 = arith.index_cast %parallel_loop3A_1600 : i32 to index
          %parallel_loop3A_1606 = arith.index_cast %parallel_loop3A_1599 : i32 to index
          %parallel_loop3A_1607 = tpu.vector_load %parallel_loop3A_1604[%parallel_loop3A_1605, %parallel_loop3A_1606] {strides = array<i32>} : memref<1x12800xf32, #tpu.memory_space<vmem>>, vector<16xf32>,
          tpu.vector_store %parallel_loop3A_1604[%parallel_loop3A_1605, %parallel_loop3A_1606], %parallel_loop3A_1597 {strides = array<i32>} : memref<1x12800xf32, #tpu.memory_space<vmem>>, vector<16xf32>,
          %parallel_loop3A_1608 = arith.constant 16 : i32
          %parallel_loop3A_1609 = arith.addi %parallel_loop3A_1593, %parallel_loop3A_1608 : i32
          %parallel_loop3A_1610 = arith.index_cast %parallel_loop3A_1609 : i32 to index
          %parallel_loop3A_1611 = tpu.vector_load %arg5[%parallel_loop3A_1610] {strides = array<i32>} : memref<12800xf32, #tpu.memory_space<vmem>>, vector<16xf32>,
          %parallel_loop3A_1612 = arith.constant 16 : i32
          %parallel_loop3A_1613 = arith.addi %parallel_loop3A_1587, %parallel_loop3A_1612 : i32
          %parallel_loop3A_1614 = arith.constant 0 : i32
          %parallel_loop3A_1615 = arith.constant 0 : i32
          %parallel_loop3A_1616 = arith.constant 0 : i32
          %parallel_loop3A_1617 = tpu.memref_slice %run_scoped3A_8[%rem3A_201, %parallel_loop3A_1615, %parallel_loop3A_1616] : memref<2x1x12800xf32, #tpu.memory_space<vmem>> -> memref<1x1x12800xf32, #tpu.memory_space<vmem>>
          %parallel_loop3A_1618 = tpu.memref_squeeze %parallel_loop3A_1617 : memref<1x1x12800xf32, #tpu.memory_space<vmem>> -> memref<1x12800xf32, #tpu.memory_space<vmem>>
          %parallel_loop3A_1619 = arith.index_cast %parallel_loop3A_1614 : i32 to index
          %parallel_loop3A_1620 = arith.index_cast %parallel_loop3A_1613 : i32 to index
          %parallel_loop3A_1621 = tpu.vector_load %parallel_loop3A_1618[%parallel_loop3A_1619, %parallel_loop3A_1620] {strides = array<i32>} : memref<1x12800xf32, #tpu.memory_space<vmem>>, vector<16xf32>,
          tpu.vector_store %parallel_loop3A_1618[%parallel_loop3A_1619, %parallel_loop3A_1620], %parallel_loop3A_1611 {strides = array<i32>} : memref<1x12800xf32, #tpu.memory_space<vmem>>, vector<16xf32>,
          %parallel_loop3A_1622 = arith.constant 32 : i32
          %parallel_loop3A_1623 = arith.addi %parallel_loop3A_1593, %parallel_loop3A_1622 : i32
          %parallel_loop3A_1624 = arith.index_cast %parallel_loop3A_1623 : i32 to index
          %parallel_loop3A_1625 = tpu.vector_load %arg5[%parallel_loop3A_1624] {strides = array<i32>} : memref<12800xf32, #tpu.memory_space<vmem>>, vector<16xf32>,
          %parallel_loop3A_1626 = arith.constant 32 : i32
          %parallel_loop3A_1627 = arith.addi %parallel_loop3A_1587, %parallel_loop3A_1626 : i32
          %parallel_loop3A_1628 = arith.constant 0 : i32
          %parallel_loop3A_1629 = arith.constant 0 : i32
          %parallel_loop3A_1630 = arith.constant 0 : i32
          %parallel_loop3A_1631 = tpu.memref_slice %run_scoped3A_8[%rem3A_201, %parallel_loop3A_1629, %parallel_loop3A_1630] : memref<2x1x12800xf32, #tpu.memory_space<vmem>> -> memref<1x1x12800xf32, #tpu.memory_space<vmem>>
          %parallel_loop3A_1632 = tpu.memref_squeeze %parallel_loop3A_1631 : memref<1x1x12800xf32, #tpu.memory_space<vmem>> -> memref<1x12800xf32, #tpu.memory_space<vmem>>
          %parallel_loop3A_1633 = arith.index_cast %parallel_loop3A_1628 : i32 to index
          %parallel_loop3A_1634 = arith.index_cast %parallel_loop3A_1627 : i32 to index
          %parallel_loop3A_1635 = tpu.vector_load %parallel_loop3A_1632[%parallel_loop3A_1633, %parallel_loop3A_1634] {strides = array<i32>} : memref<1x12800xf32, #tpu.memory_space<vmem>>, vector<16xf32>,
          tpu.vector_store %parallel_loop3A_1632[%parallel_loop3A_1633, %parallel_loop3A_1634], %parallel_loop3A_1625 {strides = array<i32>} : memref<1x12800xf32, #tpu.memory_space<vmem>>, vector<16xf32>,
          %parallel_loop3A_1636 = arith.constant 48 : i32
          %parallel_loop3A_1637 = arith.addi %parallel_loop3A_1593, %parallel_loop3A_1636 : i32
          %parallel_loop3A_1638 = arith.index_cast %parallel_loop3A_1637 : i32 to index
          %parallel_loop3A_1639 = tpu.vector_load %arg5[%parallel_loop3A_1638] {strides = array<i32>} : memref<12800xf32, #tpu.memory_space<vmem>>, vector<16xf32>,
          %parallel_loop3A_1640 = arith.constant 48 : i32
          %parallel_loop3A_1641 = arith.addi %parallel_loop3A_1587, %parallel_loop3A_1640 : i32
          %parallel_loop3A_1642 = arith.constant 0 : i32
          %parallel_loop3A_1643 = arith.constant 0 : i32
          %parallel_loop3A_1644 = arith.constant 0 : i32
          %parallel_loop3A_1645 = tpu.memref_slice %run_scoped3A_8[%rem3A_201, %parallel_loop3A_1643, %parallel_loop3A_1644] : memref<2x1x12800xf32, #tpu.memory_space<vmem>> -> memref<1x1x12800xf32, #tpu.memory_space<vmem>>
          %parallel_loop3A_1646 = tpu.memref_squeeze %parallel_loop3A_1645 : memref<1x1x12800xf32, #tpu.memory_space<vmem>> -> memref<1x12800xf32, #tpu.memory_space<vmem>>
          %parallel_loop3A_1647 = arith.index_cast %parallel_loop3A_1642 : i32 to index
          %parallel_loop3A_1648 = arith.index_cast %parallel_loop3A_1641 : i32 to index
          %parallel_loop3A_1649 = tpu.vector_load %parallel_loop3A_1646[%parallel_loop3A_1647, %parallel_loop3A_1648] {strides = array<i32>} : memref<1x12800xf32, #tpu.memory_space<vmem>>, vector<16xf32>,
          tpu.vector_store %parallel_loop3A_1646[%parallel_loop3A_1647, %parallel_loop3A_1648], %parallel_loop3A_1639 {strides = array<i32>} : memref<1x12800xf32, #tpu.memory_space<vmem>>, vector<16xf32>,
          %parallel_loop3A_1650 = vector.extract_strided_slice %parallel_loop3A_689 {offsets = [15], sizes = [1], strides = [1]} : vector<16xi32> to vector<1xi32>
          %parallel_loop3A_1651 = vector.extract %parallel_loop3A_1650[0] : i32 from vector<1xi32>
          %parallel_loop3A_1652 = arith.constant 16 : i32
          %parallel_loop3A_1653 = arith.muli %parallel_loop3A_679, %parallel_loop3A_1652 : i32
          %parallel_loop3A_1654 = arith.constant 15 : i32
          %parallel_loop3A_1655 = arith.addi %parallel_loop3A_1653, %parallel_loop3A_1654 : i32
          %parallel_loop3A_1656 = arith.constant 64 : i32
          %parallel_loop3A_1657 = arith.muli %parallel_loop3A_1655, %parallel_loop3A_1656 : i32
          %parallel_loop3A_1658 = arith.constant 0 : i32
          %parallel_loop3A_1659 = arith.addi %parallel_loop3A_1657, %parallel_loop3A_1658 : i32
          %parallel_loop3A_1660 = arith.index_cast %parallel_loop3A_1659 : i32 to index
          %parallel_loop3A_1661 = tpu.vector_load %arg5[%parallel_loop3A_1660] {strides = array<i32>} : memref<12800xf32, #tpu.memory_space<vmem>>, vector<16xf32>,
          %parallel_loop3A_1662 = arith.constant 0 : i32
          %parallel_loop3A_1663 = arith.addi %parallel_loop3A_1651, %parallel_loop3A_1662 : i32
          %parallel_loop3A_1664 = arith.constant 0 : i32
          %parallel_loop3A_1665 = arith.constant 0 : i32
          %parallel_loop3A_1666 = arith.constant 0 : i32
          %parallel_loop3A_1667 = tpu.memref_slice %run_scoped3A_8[%rem3A_201, %parallel_loop3A_1665, %parallel_loop3A_1666] : memref<2x1x12800xf32, #tpu.memory_space<vmem>> -> memref<1x1x12800xf32, #tpu.memory_space<vmem>>
          %parallel_loop3A_1668 = tpu.memref_squeeze %parallel_loop3A_1667 : memref<1x1x12800xf32, #tpu.memory_space<vmem>> -> memref<1x12800xf32, #tpu.memory_space<vmem>>
          %parallel_loop3A_1669 = arith.index_cast %parallel_loop3A_1664 : i32 to index
          %parallel_loop3A_1670 = arith.index_cast %parallel_loop3A_1663 : i32 to index
          %parallel_loop3A_1671 = tpu.vector_load %parallel_loop3A_1668[%parallel_loop3A_1669, %parallel_loop3A_1670] {strides = array<i32>} : memref<1x12800xf32, #tpu.memory_space<vmem>>, vector<16xf32>,
          tpu.vector_store %parallel_loop3A_1668[%parallel_loop3A_1669, %parallel_loop3A_1670], %parallel_loop3A_1661 {strides = array<i32>} : memref<1x12800xf32, #tpu.memory_space<vmem>>, vector<16xf32>,
          %parallel_loop3A_1672 = arith.constant 16 : i32
          %parallel_loop3A_1673 = arith.addi %parallel_loop3A_1657, %parallel_loop3A_1672 : i32
          %parallel_loop3A_1674 = arith.index_cast %parallel_loop3A_1673 : i32 to index
          %parallel_loop3A_1675 = tpu.vector_load %arg5[%parallel_loop3A_1674] {strides = array<i32>} : memref<12800xf32, #tpu.memory_space<vmem>>, vector<16xf32>,
          %parallel_loop3A_1676 = arith.constant 16 : i32
          %parallel_loop3A_1677 = arith.addi %parallel_loop3A_1651, %parallel_loop3A_1676 : i32
          %parallel_loop3A_1678 = arith.constant 0 : i32
          %parallel_loop3A_1679 = arith.constant 0 : i32
          %parallel_loop3A_1680 = arith.constant 0 : i32
          %parallel_loop3A_1681 = tpu.memref_slice %run_scoped3A_8[%rem3A_201, %parallel_loop3A_1679, %parallel_loop3A_1680] : memref<2x1x12800xf32, #tpu.memory_space<vmem>> -> memref<1x1x12800xf32, #tpu.memory_space<vmem>>
          %parallel_loop3A_1682 = tpu.memref_squeeze %parallel_loop3A_1681 : memref<1x1x12800xf32, #tpu.memory_space<vmem>> -> memref<1x12800xf32, #tpu.memory_space<vmem>>
          %parallel_loop3A_1683 = arith.index_cast %parallel_loop3A_1678 : i32 to index
          %parallel_loop3A_1684 = arith.index_cast %parallel_loop3A_1677 : i32 to index
          %parallel_loop3A_1685 = tpu.vector_load %parallel_loop3A_1682[%parallel_loop3A_1683, %parallel_loop3A_1684] {strides = array<i32>} : memref<1x12800xf32, #tpu.memory_space<vmem>>, vector<16xf32>,
          tpu.vector_store %parallel_loop3A_1682[%parallel_loop3A_1683, %parallel_loop3A_1684], %parallel_loop3A_1675 {strides = array<i32>} : memref<1x12800xf32, #tpu.memory_space<vmem>>, vector<16xf32>,
          %parallel_loop3A_1686 = arith.constant 32 : i32
          %parallel_loop3A_1687 = arith.addi %parallel_loop3A_1657, %parallel_loop3A_1686 : i32
          %parallel_loop3A_1688 = arith.index_cast %parallel_loop3A_1687 : i32 to index
          %parallel_loop3A_1689 = tpu.vector_load %arg5[%parallel_loop3A_1688] {strides = array<i32>} : memref<12800xf32, #tpu.memory_space<vmem>>, vector<16xf32>,
          %parallel_loop3A_1690 = arith.constant 32 : i32
          %parallel_loop3A_1691 = arith.addi %parallel_loop3A_1651, %parallel_loop3A_1690 : i32
          %parallel_loop3A_1692 = arith.constant 0 : i32
          %parallel_loop3A_1693 = arith.constant 0 : i32
          %parallel_loop3A_1694 = arith.constant 0 : i32
          %parallel_loop3A_1695 = tpu.memref_slice %run_scoped3A_8[%rem3A_201, %parallel_loop3A_1693, %parallel_loop3A_1694] : memref<2x1x12800xf32, #tpu.memory_space<vmem>> -> memref<1x1x12800xf32, #tpu.memory_space<vmem>>
          %parallel_loop3A_1696 = tpu.memref_squeeze %parallel_loop3A_1695 : memref<1x1x12800xf32, #tpu.memory_space<vmem>> -> memref<1x12800xf32, #tpu.memory_space<vmem>>
          %parallel_loop3A_1697 = arith.index_cast %parallel_loop3A_1692 : i32 to index
          %parallel_loop3A_1698 = arith.index_cast %parallel_loop3A_1691 : i32 to index
          %parallel_loop3A_1699 = tpu.vector_load %parallel_loop3A_1696[%parallel_loop3A_1697, %parallel_loop3A_1698] {strides = array<i32>} : memref<1x12800xf32, #tpu.memory_space<vmem>>, vector<16xf32>,
          tpu.vector_store %parallel_loop3A_1696[%parallel_loop3A_1697, %parallel_loop3A_1698], %parallel_loop3A_1689 {strides = array<i32>} : memref<1x12800xf32, #tpu.memory_space<vmem>>, vector<16xf32>,
          %parallel_loop3A_1700 = arith.constant 48 : i32
          %parallel_loop3A_1701 = arith.addi %parallel_loop3A_1657, %parallel_loop3A_1700 : i32
          %parallel_loop3A_1702 = arith.index_cast %parallel_loop3A_1701 : i32 to index
          %parallel_loop3A_1703 = tpu.vector_load %arg5[%parallel_loop3A_1702] {strides = array<i32>} : memref<12800xf32, #tpu.memory_space<vmem>>, vector<16xf32>,
          %parallel_loop3A_1704 = arith.constant 48 : i32
          %parallel_loop3A_1705 = arith.addi %parallel_loop3A_1651, %parallel_loop3A_1704 : i32
          %parallel_loop3A_1706 = arith.constant 0 : i32
          %parallel_loop3A_1707 = arith.constant 0 : i32
          %parallel_loop3A_1708 = arith.constant 0 : i32
          %parallel_loop3A_1709 = tpu.memref_slice %run_scoped3A_8[%rem3A_201, %parallel_loop3A_1707, %parallel_loop3A_1708] : memref<2x1x12800xf32, #tpu.memory_space<vmem>> -> memref<1x1x12800xf32, #tpu.memory_space<vmem>>
          %parallel_loop3A_1710 = tpu.memref_squeeze %parallel_loop3A_1709 : memref<1x1x12800xf32, #tpu.memory_space<vmem>> -> memref<1x12800xf32, #tpu.memory_space<vmem>>
          %parallel_loop3A_1711 = arith.index_cast %parallel_loop3A_1706 : i32 to index
          %parallel_loop3A_1712 = arith.index_cast %parallel_loop3A_1705 : i32 to index
          %parallel_loop3A_1713 = tpu.vector_load %parallel_loop3A_1710[%parallel_loop3A_1711, %parallel_loop3A_1712] {strides = array<i32>} : memref<1x12800xf32, #tpu.memory_space<vmem>>, vector<16xf32>,
          tpu.vector_store %parallel_loop3A_1710[%parallel_loop3A_1711, %parallel_loop3A_1712], %parallel_loop3A_1703 {strides = array<i32>} : memref<1x12800xf32, #tpu.memory_space<vmem>>, vector<16xf32>,
        } {sc.loop_unroll_factor = 2 : i64, sc.parallel_access}
        %get3A = arith.constant 0 : i32
        %get3A_204 = arith.constant 0 : i32
        %get3A_205 = arith.constant 0 : i32
        %get3A_206 = tpu.memref_slice %run_scoped3A[%rem3A_199, %get3A_204, %get3A_205] : memref<2x1x208xi32, #tpu.memory_space<vmem>> -> memref<1x1x208xi32, #tpu.memory_space<vmem>>
        %get3A_207 = tpu.memref_squeeze %get3A_206 : memref<1x1x208xi32, #tpu.memory_space<vmem>> -> memref<1x208xi32, #tpu.memory_space<vmem>>
        %get3A_208 = arith.index_cast %get3A : i32 to index
        %get3A_209 = arith.constant 192 : index
        %get3A_210 = tpu.vector_load %get3A_207[%get3A_208, %get3A_209] {strides = array<i32>} : memref<1x208xi32, #tpu.memory_space<vmem>>, vector<16xi32>,
        %slice3A = vector.extract_strided_slice %get3A_210 {offsets = [0], sizes = [1], strides = [1]} : vector<16xi32> to vector<1xi32>
        %squeeze3A = vector.extract %slice3A[0] : i32 from vector<1xi32>
        %get3A_211 = arith.constant 12288 : index
        %get3A_212 = tpu.vector_load %arg5[%get3A_211] {strides = array<i32>} : memref<12800xf32, #tpu.memory_space<vmem>>, vector<16xf32>,
        %add3A_213 = arith.constant 0 : i32
        %add3A_214 = arith.addi %squeeze3A, %add3A_213 : i32
        %swap3A = arith.constant 0 : i32
        %swap3A_215 = arith.constant 0 : i32
        %swap3A_216 = arith.constant 0 : i32
        %swap3A_217 = tpu.memref_slice %run_scoped3A_8[%rem3A_201, %swap3A_215, %swap3A_216] : memref<2x1x12800xf32, #tpu.memory_space<vmem>> -> memref<1x1x12800xf32, #tpu.memory_space<vmem>>
        %swap3A_218 = tpu.memref_squeeze %swap3A_217 : memref<1x1x12800xf32, #tpu.memory_space<vmem>> -> memref<1x12800xf32, #tpu.memory_space<vmem>>
        %swap3A_219 = arith.index_cast %swap3A : i32 to index
        %swap3A_220 = arith.index_cast %add3A_214 : i32 to index
        %swap3A_221 = tpu.vector_load %swap3A_218[%swap3A_219, %swap3A_220] {strides = array<i32>} : memref<1x12800xf32, #tpu.memory_space<vmem>>, vector<16xf32>,
        tpu.vector_store %swap3A_218[%swap3A_219, %swap3A_220], %get3A_212 {strides = array<i32>} : memref<1x12800xf32, #tpu.memory_space<vmem>>, vector<16xf32>,
        %get3A_222 = arith.constant 12304 : index
        %get3A_223 = tpu.vector_load %arg5[%get3A_222] {strides = array<i32>} : memref<12800xf32, #tpu.memory_space<vmem>>, vector<16xf32>,
        %add3A_224 = arith.constant 16 : i32
        %add3A_225 = arith.addi %squeeze3A, %add3A_224 : i32
        %swap3A_226 = arith.constant 0 : i32
        %swap3A_227 = arith.constant 0 : i32
        %swap3A_228 = arith.constant 0 : i32
        %swap3A_229 = tpu.memref_slice %run_scoped3A_8[%rem3A_201, %swap3A_227, %swap3A_228] : memref<2x1x12800xf32, #tpu.memory_space<vmem>> -> memref<1x1x12800xf32, #tpu.memory_space<vmem>>
        %swap3A_230 = tpu.memref_squeeze %swap3A_229 : memref<1x1x12800xf32, #tpu.memory_space<vmem>> -> memref<1x12800xf32, #tpu.memory_space<vmem>>
        %swap3A_231 = arith.index_cast %swap3A_226 : i32 to index
        %swap3A_232 = arith.index_cast %add3A_225 : i32 to index
        %swap3A_233 = tpu.vector_load %swap3A_230[%swap3A_231, %swap3A_232] {strides = array<i32>} : memref<1x12800xf32, #tpu.memory_space<vmem>>, vector<16xf32>,
        tpu.vector_store %swap3A_230[%swap3A_231, %swap3A_232], %get3A_223 {strides = array<i32>} : memref<1x12800xf32, #tpu.memory_space<vmem>>, vector<16xf32>,
        %get3A_234 = arith.constant 12320 : index
        %get3A_235 = tpu.vector_load %arg5[%get3A_234] {strides = array<i32>} : memref<12800xf32, #tpu.memory_space<vmem>>, vector<16xf32>,
        %add3A_236 = arith.constant 32 : i32
        %add3A_237 = arith.addi %squeeze3A, %add3A_236 : i32
        %swap3A_238 = arith.constant 0 : i32
        %swap3A_239 = arith.constant 0 : i32
        %swap3A_240 = arith.constant 0 : i32
        %swap3A_241 = tpu.memref_slice %run_scoped3A_8[%rem3A_201, %swap3A_239, %swap3A_240] : memref<2x1x12800xf32, #tpu.memory_space<vmem>> -> memref<1x1x12800xf32, #tpu.memory_space<vmem>>
        %swap3A_242 = tpu.memref_squeeze %swap3A_241 : memref<1x1x12800xf32, #tpu.memory_space<vmem>> -> memref<1x12800xf32, #tpu.memory_space<vmem>>
        %swap3A_243 = arith.index_cast %swap3A_238 : i32 to index
        %swap3A_244 = arith.index_cast %add3A_237 : i32 to index
        %swap3A_245 = tpu.vector_load %swap3A_242[%swap3A_243, %swap3A_244] {strides = array<i32>} : memref<1x12800xf32, #tpu.memory_space<vmem>>, vector<16xf32>,
        tpu.vector_store %swap3A_242[%swap3A_243, %swap3A_244], %get3A_235 {strides = array<i32>} : memref<1x12800xf32, #tpu.memory_space<vmem>>, vector<16xf32>,
        %get3A_246 = arith.constant 12336 : index
        %get3A_247 = tpu.vector_load %arg5[%get3A_246] {strides = array<i32>} : memref<12800xf32, #tpu.memory_space<vmem>>, vector<16xf32>,
        %add3A_248 = arith.constant 48 : i32
        %add3A_249 = arith.addi %squeeze3A, %add3A_248 : i32
        %swap3A_250 = arith.constant 0 : i32
        %swap3A_251 = arith.constant 0 : i32
        %swap3A_252 = arith.constant 0 : i32
        %swap3A_253 = tpu.memref_slice %run_scoped3A_8[%rem3A_201, %swap3A_251, %swap3A_252] : memref<2x1x12800xf32, #tpu.memory_space<vmem>> -> memref<1x1x12800xf32, #tpu.memory_space<vmem>>
        %swap3A_254 = tpu.memref_squeeze %swap3A_253 : memref<1x1x12800xf32, #tpu.memory_space<vmem>> -> memref<1x12800xf32, #tpu.memory_space<vmem>>
        %swap3A_255 = arith.index_cast %swap3A_250 : i32 to index
        %swap3A_256 = arith.index_cast %add3A_249 : i32 to index
        %swap3A_257 = tpu.vector_load %swap3A_254[%swap3A_255, %swap3A_256] {strides = array<i32>} : memref<1x12800xf32, #tpu.memory_space<vmem>>, vector<16xf32>,
        tpu.vector_store %swap3A_254[%swap3A_255, %swap3A_256], %get3A_247 {strides = array<i32>} : memref<1x12800xf32, #tpu.memory_space<vmem>>, vector<16xf32>,
        %slice3A_258 = vector.extract_strided_slice %get3A_210 {offsets = [1], sizes = [1], strides = [1]} : vector<16xi32> to vector<1xi32>
        %squeeze3A_259 = vector.extract %slice3A_258[0] : i32 from vector<1xi32>
        %get3A_260 = arith.constant 12352 : index
        %get3A_261 = tpu.vector_load %arg5[%get3A_260] {strides = array<i32>} : memref<12800xf32, #tpu.memory_space<vmem>>, vector<16xf32>,
        %add3A_262 = arith.constant 0 : i32
        %add3A_263 = arith.addi %squeeze3A_259, %add3A_262 : i32
        %swap3A_264 = arith.constant 0 : i32
        %swap3A_265 = arith.constant 0 : i32
        %swap3A_266 = arith.constant 0 : i32
        %swap3A_267 = tpu.memref_slice %run_scoped3A_8[%rem3A_201, %swap3A_265, %swap3A_266] : memref<2x1x12800xf32, #tpu.memory_space<vmem>> -> memref<1x1x12800xf32, #tpu.memory_space<vmem>>
        %swap3A_268 = tpu.memref_squeeze %swap3A_267 : memref<1x1x12800xf32, #tpu.memory_space<vmem>> -> memref<1x12800xf32, #tpu.memory_space<vmem>>
        %swap3A_269 = arith.index_cast %swap3A_264 : i32 to index
        %swap3A_270 = arith.index_cast %add3A_263 : i32 to index
        %swap3A_271 = tpu.vector_load %swap3A_268[%swap3A_269, %swap3A_270] {strides = array<i32>} : memref<1x12800xf32, #tpu.memory_space<vmem>>, vector<16xf32>,
        tpu.vector_store %swap3A_268[%swap3A_269, %swap3A_270], %get3A_261 {strides = array<i32>} : memref<1x12800xf32, #tpu.memory_space<vmem>>, vector<16xf32>,
        %get3A_272 = arith.constant 12368 : index
        %get3A_273 = tpu.vector_load %arg5[%get3A_272] {strides = array<i32>} : memref<12800xf32, #tpu.memory_space<vmem>>, vector<16xf32>,
        %add3A_274 = arith.constant 16 : i32
        %add3A_275 = arith.addi %squeeze3A_259, %add3A_274 : i32
        %swap3A_276 = arith.constant 0 : i32
        %swap3A_277 = arith.constant 0 : i32
        %swap3A_278 = arith.constant 0 : i32
        %swap3A_279 = tpu.memref_slice %run_scoped3A_8[%rem3A_201, %swap3A_277, %swap3A_278] : memref<2x1x12800xf32, #tpu.memory_space<vmem>> -> memref<1x1x12800xf32, #tpu.memory_space<vmem>>
        %swap3A_280 = tpu.memref_squeeze %swap3A_279 : memref<1x1x12800xf32, #tpu.memory_space<vmem>> -> memref<1x12800xf32, #tpu.memory_space<vmem>>
        %swap3A_281 = arith.index_cast %swap3A_276 : i32 to index
        %swap3A_282 = arith.index_cast %add3A_275 : i32 to index
        %swap3A_283 = tpu.vector_load %swap3A_280[%swap3A_281, %swap3A_282] {strides = array<i32>} : memref<1x12800xf32, #tpu.memory_space<vmem>>, vector<16xf32>,
        tpu.vector_store %swap3A_280[%swap3A_281, %swap3A_282], %get3A_273 {strides = array<i32>} : memref<1x12800xf32, #tpu.memory_space<vmem>>, vector<16xf32>,
        %get3A_284 = arith.constant 12384 : index
        %get3A_285 = tpu.vector_load %arg5[%get3A_284] {strides = array<i32>} : memref<12800xf32, #tpu.memory_space<vmem>>, vector<16xf32>,
        %add3A_286 = arith.constant 32 : i32
        %add3A_287 = arith.addi %squeeze3A_259, %add3A_286 : i32
        %swap3A_288 = arith.constant 0 : i32
        %swap3A_289 = arith.constant 0 : i32
        %swap3A_290 = arith.constant 0 : i32
        %swap3A_291 = tpu.memref_slice %run_scoped3A_8[%rem3A_201, %swap3A_289, %swap3A_290] : memref<2x1x12800xf32, #tpu.memory_space<vmem>> -> memref<1x1x12800xf32, #tpu.memory_space<vmem>>
        %swap3A_292 = tpu.memref_squeeze %swap3A_291 : memref<1x1x12800xf32, #tpu.memory_space<vmem>> -> memref<1x12800xf32, #tpu.memory_space<vmem>>
        %swap3A_293 = arith.index_cast %swap3A_288 : i32 to index
        %swap3A_294 = arith.index_cast %add3A_287 : i32 to index
        %swap3A_295 = tpu.vector_load %swap3A_292[%swap3A_293, %swap3A_294] {strides = array<i32>} : memref<1x12800xf32, #tpu.memory_space<vmem>>, vector<16xf32>,
        tpu.vector_store %swap3A_292[%swap3A_293, %swap3A_294], %get3A_285 {strides = array<i32>} : memref<1x12800xf32, #tpu.memory_space<vmem>>, vector<16xf32>,
        %get3A_296 = arith.constant 12400 : index
        %get3A_297 = tpu.vector_load %arg5[%get3A_296] {strides = array<i32>} : memref<12800xf32, #tpu.memory_space<vmem>>, vector<16xf32>,
        %add3A_298 = arith.constant 48 : i32
        %add3A_299 = arith.addi %squeeze3A_259, %add3A_298 : i32
        %swap3A_300 = arith.constant 0 : i32
        %swap3A_301 = arith.constant 0 : i32
        %swap3A_302 = arith.constant 0 : i32
        %swap3A_303 = tpu.memref_slice %run_scoped3A_8[%rem3A_201, %swap3A_301, %swap3A_302] : memref<2x1x12800xf32, #tpu.memory_space<vmem>> -> memref<1x1x12800xf32, #tpu.memory_space<vmem>>
        %swap3A_304 = tpu.memref_squeeze %swap3A_303 : memref<1x1x12800xf32, #tpu.memory_space<vmem>> -> memref<1x12800xf32, #tpu.memory_space<vmem>>
        %swap3A_305 = arith.index_cast %swap3A_300 : i32 to index
        %swap3A_306 = arith.index_cast %add3A_299 : i32 to index
        %swap3A_307 = tpu.vector_load %swap3A_304[%swap3A_305, %swap3A_306] {strides = array<i32>} : memref<1x12800xf32, #tpu.memory_space<vmem>>, vector<16xf32>,
        tpu.vector_store %swap3A_304[%swap3A_305, %swap3A_306], %get3A_297 {strides = array<i32>} : memref<1x12800xf32, #tpu.memory_space<vmem>>, vector<16xf32>,
        %slice3A_308 = vector.extract_strided_slice %get3A_210 {offsets = [2], sizes = [1], strides = [1]} : vector<16xi32> to vector<1xi32>
        %squeeze3A_309 = vector.extract %slice3A_308[0] : i32 from vector<1xi32>
        %get3A_310 = arith.constant 12416 : index
        %get3A_311 = tpu.vector_load %arg5[%get3A_310] {strides = array<i32>} : memref<12800xf32, #tpu.memory_space<vmem>>, vector<16xf32>,
        %add3A_312 = arith.constant 0 : i32
        %add3A_313 = arith.addi %squeeze3A_309, %add3A_312 : i32
        %swap3A_314 = arith.constant 0 : i32
        %swap3A_315 = arith.constant 0 : i32
        %swap3A_316 = arith.constant 0 : i32
        %swap3A_317 = tpu.memref_slice %run_scoped3A_8[%rem3A_201, %swap3A_315, %swap3A_316] : memref<2x1x12800xf32, #tpu.memory_space<vmem>> -> memref<1x1x12800xf32, #tpu.memory_space<vmem>>
        %swap3A_318 = tpu.memref_squeeze %swap3A_317 : memref<1x1x12800xf32, #tpu.memory_space<vmem>> -> memref<1x12800xf32, #tpu.memory_space<vmem>>
        %swap3A_319 = arith.index_cast %swap3A_314 : i32 to index
        %swap3A_320 = arith.index_cast %add3A_313 : i32 to index
        %swap3A_321 = tpu.vector_load %swap3A_318[%swap3A_319, %swap3A_320] {strides = array<i32>} : memref<1x12800xf32, #tpu.memory_space<vmem>>, vector<16xf32>,
        tpu.vector_store %swap3A_318[%swap3A_319, %swap3A_320], %get3A_311 {strides = array<i32>} : memref<1x12800xf32, #tpu.memory_space<vmem>>, vector<16xf32>,
        %get3A_322 = arith.constant 12432 : index
        %get3A_323 = tpu.vector_load %arg5[%get3A_322] {strides = array<i32>} : memref<12800xf32, #tpu.memory_space<vmem>>, vector<16xf32>,
        %add3A_324 = arith.constant 16 : i32
        %add3A_325 = arith.addi %squeeze3A_309, %add3A_324 : i32
        %swap3A_326 = arith.constant 0 : i32
        %swap3A_327 = arith.constant 0 : i32
        %swap3A_328 = arith.constant 0 : i32
        %swap3A_329 = tpu.memref_slice %run_scoped3A_8[%rem3A_201, %swap3A_327, %swap3A_328] : memref<2x1x12800xf32, #tpu.memory_space<vmem>> -> memref<1x1x12800xf32, #tpu.memory_space<vmem>>
        %swap3A_330 = tpu.memref_squeeze %swap3A_329 : memref<1x1x12800xf32, #tpu.memory_space<vmem>> -> memref<1x12800xf32, #tpu.memory_space<vmem>>
        %swap3A_331 = arith.index_cast %swap3A_326 : i32 to index
        %swap3A_332 = arith.index_cast %add3A_325 : i32 to index
        %swap3A_333 = tpu.vector_load %swap3A_330[%swap3A_331, %swap3A_332] {strides = array<i32>} : memref<1x12800xf32, #tpu.memory_space<vmem>>, vector<16xf32>,
        tpu.vector_store %swap3A_330[%swap3A_331, %swap3A_332], %get3A_323 {strides = array<i32>} : memref<1x12800xf32, #tpu.memory_space<vmem>>, vector<16xf32>,
        %get3A_334 = arith.constant 12448 : index
        %get3A_335 = tpu.vector_load %arg5[%get3A_334] {strides = array<i32>} : memref<12800xf32, #tpu.memory_space<vmem>>, vector<16xf32>,
        %add3A_336 = arith.constant 32 : i32
        %add3A_337 = arith.addi %squeeze3A_309, %add3A_336 : i32
        %swap3A_338 = arith.constant 0 : i32
        %swap3A_339 = arith.constant 0 : i32
        %swap3A_340 = arith.constant 0 : i32
        %swap3A_341 = tpu.memref_slice %run_scoped3A_8[%rem3A_201, %swap3A_339, %swap3A_340] : memref<2x1x12800xf32, #tpu.memory_space<vmem>> -> memref<1x1x12800xf32, #tpu.memory_space<vmem>>
        %swap3A_342 = tpu.memref_squeeze %swap3A_341 : memref<1x1x12800xf32, #tpu.memory_space<vmem>> -> memref<1x12800xf32, #tpu.memory_space<vmem>>
        %swap3A_343 = arith.index_cast %swap3A_338 : i32 to index
        %swap3A_344 = arith.index_cast %add3A_337 : i32 to index
        %swap3A_345 = tpu.vector_load %swap3A_342[%swap3A_343, %swap3A_344] {strides = array<i32>} : memref<1x12800xf32, #tpu.memory_space<vmem>>, vector<16xf32>,
        tpu.vector_store %swap3A_342[%swap3A_343, %swap3A_344], %get3A_335 {strides = array<i32>} : memref<1x12800xf32, #tpu.memory_space<vmem>>, vector<16xf32>,
        %get3A_346 = arith.constant 12464 : index
        %get3A_347 = tpu.vector_load %arg5[%get3A_346] {strides = array<i32>} : memref<12800xf32, #tpu.memory_space<vmem>>, vector<16xf32>,
        %add3A_348 = arith.constant 48 : i32
        %add3A_349 = arith.addi %squeeze3A_309, %add3A_348 : i32
        %swap3A_350 = arith.constant 0 : i32
        %swap3A_351 = arith.constant 0 : i32
        %swap3A_352 = arith.constant 0 : i32
        %swap3A_353 = tpu.memref_slice %run_scoped3A_8[%rem3A_201, %swap3A_351, %swap3A_352] : memref<2x1x12800xf32, #tpu.memory_space<vmem>> -> memref<1x1x12800xf32, #tpu.memory_space<vmem>>
        %swap3A_354 = tpu.memref_squeeze %swap3A_353 : memref<1x1x12800xf32, #tpu.memory_space<vmem>> -> memref<1x12800xf32, #tpu.memory_space<vmem>>
        %swap3A_355 = arith.index_cast %swap3A_350 : i32 to index
        %swap3A_356 = arith.index_cast %add3A_349 : i32 to index
        %swap3A_357 = tpu.vector_load %swap3A_354[%swap3A_355, %swap3A_356] {strides = array<i32>} : memref<1x12800xf32, #tpu.memory_space<vmem>>, vector<16xf32>,
        tpu.vector_store %swap3A_354[%swap3A_355, %swap3A_356], %get3A_347 {strides = array<i32>} : memref<1x12800xf32, #tpu.memory_space<vmem>>, vector<16xf32>,
        %slice3A_358 = vector.extract_strided_slice %get3A_210 {offsets = [3], sizes = [1], strides = [1]} : vector<16xi32> to vector<1xi32>
        %squeeze3A_359 = vector.extract %slice3A_358[0] : i32 from vector<1xi32>
        %get3A_360 = arith.constant 12480 : index
        %get3A_361 = tpu.vector_load %arg5[%get3A_360] {strides = array<i32>} : memref<12800xf32, #tpu.memory_space<vmem>>, vector<16xf32>,
        %add3A_362 = arith.constant 0 : i32
        %add3A_363 = arith.addi %squeeze3A_359, %add3A_362 : i32
        %swap3A_364 = arith.constant 0 : i32
        %swap3A_365 = arith.constant 0 : i32
        %swap3A_366 = arith.constant 0 : i32
        %swap3A_367 = tpu.memref_slice %run_scoped3A_8[%rem3A_201, %swap3A_365, %swap3A_366] : memref<2x1x12800xf32, #tpu.memory_space<vmem>> -> memref<1x1x12800xf32, #tpu.memory_space<vmem>>
        %swap3A_368 = tpu.memref_squeeze %swap3A_367 : memref<1x1x12800xf32, #tpu.memory_space<vmem>> -> memref<1x12800xf32, #tpu.memory_space<vmem>>
        %swap3A_369 = arith.index_cast %swap3A_364 : i32 to index
        %swap3A_370 = arith.index_cast %add3A_363 : i32 to index
        %swap3A_371 = tpu.vector_load %swap3A_368[%swap3A_369, %swap3A_370] {strides = array<i32>} : memref<1x12800xf32, #tpu.memory_space<vmem>>, vector<16xf32>,
        tpu.vector_store %swap3A_368[%swap3A_369, %swap3A_370], %get3A_361 {strides = array<i32>} : memref<1x12800xf32, #tpu.memory_space<vmem>>, vector<16xf32>,
        %get3A_372 = arith.constant 12496 : index
        %get3A_373 = tpu.vector_load %arg5[%get3A_372] {strides = array<i32>} : memref<12800xf32, #tpu.memory_space<vmem>>, vector<16xf32>,
        %add3A_374 = arith.constant 16 : i32
        %add3A_375 = arith.addi %squeeze3A_359, %add3A_374 : i32
        %swap3A_376 = arith.constant 0 : i32
        %swap3A_377 = arith.constant 0 : i32
        %swap3A_378 = arith.constant 0 : i32
        %swap3A_379 = tpu.memref_slice %run_scoped3A_8[%rem3A_201, %swap3A_377, %swap3A_378] : memref<2x1x12800xf32, #tpu.memory_space<vmem>> -> memref<1x1x12800xf32, #tpu.memory_space<vmem>>
        %swap3A_380 = tpu.memref_squeeze %swap3A_379 : memref<1x1x12800xf32, #tpu.memory_space<vmem>> -> memref<1x12800xf32, #tpu.memory_space<vmem>>
        %swap3A_381 = arith.index_cast %swap3A_376 : i32 to index
        %swap3A_382 = arith.index_cast %add3A_375 : i32 to index
        %swap3A_383 = tpu.vector_load %swap3A_380[%swap3A_381, %swap3A_382] {strides = array<i32>} : memref<1x12800xf32, #tpu.memory_space<vmem>>, vector<16xf32>,
        tpu.vector_store %swap3A_380[%swap3A_381, %swap3A_382], %get3A_373 {strides = array<i32>} : memref<1x12800xf32, #tpu.memory_space<vmem>>, vector<16xf32>,
        %get3A_384 = arith.constant 12512 : index
        %get3A_385 = tpu.vector_load %arg5[%get3A_384] {strides = array<i32>} : memref<12800xf32, #tpu.memory_space<vmem>>, vector<16xf32>,
        %add3A_386 = arith.constant 32 : i32
        %add3A_387 = arith.addi %squeeze3A_359, %add3A_386 : i32
        %swap3A_388 = arith.constant 0 : i32
        %swap3A_389 = arith.constant 0 : i32
        %swap3A_390 = arith.constant 0 : i32
        %swap3A_391 = tpu.memref_slice %run_scoped3A_8[%rem3A_201, %swap3A_389, %swap3A_390] : memref<2x1x12800xf32, #tpu.memory_space<vmem>> -> memref<1x1x12800xf32, #tpu.memory_space<vmem>>
        %swap3A_392 = tpu.memref_squeeze %swap3A_391 : memref<1x1x12800xf32, #tpu.memory_space<vmem>> -> memref<1x12800xf32, #tpu.memory_space<vmem>>
        %swap3A_393 = arith.index_cast %swap3A_388 : i32 to index
        %swap3A_394 = arith.index_cast %add3A_387 : i32 to index
        %swap3A_395 = tpu.vector_load %swap3A_392[%swap3A_393, %swap3A_394] {strides = array<i32>} : memref<1x12800xf32, #tpu.memory_space<vmem>>, vector<16xf32>,
        tpu.vector_store %swap3A_392[%swap3A_393, %swap3A_394], %get3A_385 {strides = array<i32>} : memref<1x12800xf32, #tpu.memory_space<vmem>>, vector<16xf32>,
        %get3A_396 = arith.constant 12528 : index
        %get3A_397 = tpu.vector_load %arg5[%get3A_396] {strides = array<i32>} : memref<12800xf32, #tpu.memory_space<vmem>>, vector<16xf32>,
        %add3A_398 = arith.constant 48 : i32
        %add3A_399 = arith.addi %squeeze3A_359, %add3A_398 : i32
        %swap3A_400 = arith.constant 0 : i32
        %swap3A_401 = arith.constant 0 : i32
        %swap3A_402 = arith.constant 0 : i32
        %swap3A_403 = tpu.memref_slice %run_scoped3A_8[%rem3A_201, %swap3A_401, %swap3A_402] : memref<2x1x12800xf32, #tpu.memory_space<vmem>> -> memref<1x1x12800xf32, #tpu.memory_space<vmem>>
        %swap3A_404 = tpu.memref_squeeze %swap3A_403 : memref<1x1x12800xf32, #tpu.memory_space<vmem>> -> memref<1x12800xf32, #tpu.memory_space<vmem>>
        %swap3A_405 = arith.index_cast %swap3A_400 : i32 to index
        %swap3A_406 = arith.index_cast %add3A_399 : i32 to index
        %swap3A_407 = tpu.vector_load %swap3A_404[%swap3A_405, %swap3A_406] {strides = array<i32>} : memref<1x12800xf32, #tpu.memory_space<vmem>>, vector<16xf32>,
        tpu.vector_store %swap3A_404[%swap3A_405, %swap3A_406], %get3A_397 {strides = array<i32>} : memref<1x12800xf32, #tpu.memory_space<vmem>>, vector<16xf32>,
        %slice3A_408 = vector.extract_strided_slice %get3A_210 {offsets = [4], sizes = [1], strides = [1]} : vector<16xi32> to vector<1xi32>
        %squeeze3A_409 = vector.extract %slice3A_408[0] : i32 from vector<1xi32>
        %get3A_410 = arith.constant 12544 : index
        %get3A_411 = tpu.vector_load %arg5[%get3A_410] {strides = array<i32>} : memref<12800xf32, #tpu.memory_space<vmem>>, vector<16xf32>,
        %add3A_412 = arith.constant 0 : i32
        %add3A_413 = arith.addi %squeeze3A_409, %add3A_412 : i32
        %swap3A_414 = arith.constant 0 : i32
        %swap3A_415 = arith.constant 0 : i32
        %swap3A_416 = arith.constant 0 : i32
        %swap3A_417 = tpu.memref_slice %run_scoped3A_8[%rem3A_201, %swap3A_415, %swap3A_416] : memref<2x1x12800xf32, #tpu.memory_space<vmem>> -> memref<1x1x12800xf32, #tpu.memory_space<vmem>>
        %swap3A_418 = tpu.memref_squeeze %swap3A_417 : memref<1x1x12800xf32, #tpu.memory_space<vmem>> -> memref<1x12800xf32, #tpu.memory_space<vmem>>
        %swap3A_419 = arith.index_cast %swap3A_414 : i32 to index
        %swap3A_420 = arith.index_cast %add3A_413 : i32 to index
        %swap3A_421 = tpu.vector_load %swap3A_418[%swap3A_419, %swap3A_420] {strides = array<i32>} : memref<1x12800xf32, #tpu.memory_space<vmem>>, vector<16xf32>,
        tpu.vector_store %swap3A_418[%swap3A_419, %swap3A_420], %get3A_411 {strides = array<i32>} : memref<1x12800xf32, #tpu.memory_space<vmem>>, vector<16xf32>,
        %get3A_422 = arith.constant 12560 : index
        %get3A_423 = tpu.vector_load %arg5[%get3A_422] {strides = array<i32>} : memref<12800xf32, #tpu.memory_space<vmem>>, vector<16xf32>,
        %add3A_424 = arith.constant 16 : i32
        %add3A_425 = arith.addi %squeeze3A_409, %add3A_424 : i32
        %swap3A_426 = arith.constant 0 : i32
        %swap3A_427 = arith.constant 0 : i32
        %swap3A_428 = arith.constant 0 : i32
        %swap3A_429 = tpu.memref_slice %run_scoped3A_8[%rem3A_201, %swap3A_427, %swap3A_428] : memref<2x1x12800xf32, #tpu.memory_space<vmem>> -> memref<1x1x12800xf32, #tpu.memory_space<vmem>>
        %swap3A_430 = tpu.memref_squeeze %swap3A_429 : memref<1x1x12800xf32, #tpu.memory_space<vmem>> -> memref<1x12800xf32, #tpu.memory_space<vmem>>
        %swap3A_431 = arith.index_cast %swap3A_426 : i32 to index
        %swap3A_432 = arith.index_cast %add3A_425 : i32 to index
        %swap3A_433 = tpu.vector_load %swap3A_430[%swap3A_431, %swap3A_432] {strides = array<i32>} : memref<1x12800xf32, #tpu.memory_space<vmem>>, vector<16xf32>,
        tpu.vector_store %swap3A_430[%swap3A_431, %swap3A_432], %get3A_423 {strides = array<i32>} : memref<1x12800xf32, #tpu.memory_space<vmem>>, vector<16xf32>,
        %get3A_434 = arith.constant 12576 : index
        %get3A_435 = tpu.vector_load %arg5[%get3A_434] {strides = array<i32>} : memref<12800xf32, #tpu.memory_space<vmem>>, vector<16xf32>,
        %add3A_436 = arith.constant 32 : i32
        %add3A_437 = arith.addi %squeeze3A_409, %add3A_436 : i32
        %swap3A_438 = arith.constant 0 : i32
        %swap3A_439 = arith.constant 0 : i32
        %swap3A_440 = arith.constant 0 : i32
        %swap3A_441 = tpu.memref_slice %run_scoped3A_8[%rem3A_201, %swap3A_439, %swap3A_440] : memref<2x1x12800xf32, #tpu.memory_space<vmem>> -> memref<1x1x12800xf32, #tpu.memory_space<vmem>>
        %swap3A_442 = tpu.memref_squeeze %swap3A_441 : memref<1x1x12800xf32, #tpu.memory_space<vmem>> -> memref<1x12800xf32, #tpu.memory_space<vmem>>
        %swap3A_443 = arith.index_cast %swap3A_438 : i32 to index
        %swap3A_444 = arith.index_cast %add3A_437 : i32 to index
        %swap3A_445 = tpu.vector_load %swap3A_442[%swap3A_443, %swap3A_444] {strides = array<i32>} : memref<1x12800xf32, #tpu.memory_space<vmem>>, vector<16xf32>,
        tpu.vector_store %swap3A_442[%swap3A_443, %swap3A_444], %get3A_435 {strides = array<i32>} : memref<1x12800xf32, #tpu.memory_space<vmem>>, vector<16xf32>,
        %get3A_446 = arith.constant 12592 : index
        %get3A_447 = tpu.vector_load %arg5[%get3A_446] {strides = array<i32>} : memref<12800xf32, #tpu.memory_space<vmem>>, vector<16xf32>,
        %add3A_448 = arith.constant 48 : i32
        %add3A_449 = arith.addi %squeeze3A_409, %add3A_448 : i32
        %swap3A_450 = arith.constant 0 : i32
        %swap3A_451 = arith.constant 0 : i32
        %swap3A_452 = arith.constant 0 : i32
        %swap3A_453 = tpu.memref_slice %run_scoped3A_8[%rem3A_201, %swap3A_451, %swap3A_452] : memref<2x1x12800xf32, #tpu.memory_space<vmem>> -> memref<1x1x12800xf32, #tpu.memory_space<vmem>>
        %swap3A_454 = tpu.memref_squeeze %swap3A_453 : memref<1x1x12800xf32, #tpu.memory_space<vmem>> -> memref<1x12800xf32, #tpu.memory_space<vmem>>
        %swap3A_455 = arith.index_cast %swap3A_450 : i32 to index
        %swap3A_456 = arith.index_cast %add3A_449 : i32 to index
        %swap3A_457 = tpu.vector_load %swap3A_454[%swap3A_455, %swap3A_456] {strides = array<i32>} : memref<1x12800xf32, #tpu.memory_space<vmem>>, vector<16xf32>,
        tpu.vector_store %swap3A_454[%swap3A_455, %swap3A_456], %get3A_447 {strides = array<i32>} : memref<1x12800xf32, #tpu.memory_space<vmem>>, vector<16xf32>,
        %slice3A_458 = vector.extract_strided_slice %get3A_210 {offsets = [5], sizes = [1], strides = [1]} : vector<16xi32> to vector<1xi32>
        %squeeze3A_459 = vector.extract %slice3A_458[0] : i32 from vector<1xi32>
        %get3A_460 = arith.constant 12608 : index
        %get3A_461 = tpu.vector_load %arg5[%get3A_460] {strides = array<i32>} : memref<12800xf32, #tpu.memory_space<vmem>>, vector<16xf32>,
        %add3A_462 = arith.constant 0 : i32
        %add3A_463 = arith.addi %squeeze3A_459, %add3A_462 : i32
        %swap3A_464 = arith.constant 0 : i32
        %swap3A_465 = arith.constant 0 : i32
        %swap3A_466 = arith.constant 0 : i32
        %swap3A_467 = tpu.memref_slice %run_scoped3A_8[%rem3A_201, %swap3A_465, %swap3A_466] : memref<2x1x12800xf32, #tpu.memory_space<vmem>> -> memref<1x1x12800xf32, #tpu.memory_space<vmem>>
        %swap3A_468 = tpu.memref_squeeze %swap3A_467 : memref<1x1x12800xf32, #tpu.memory_space<vmem>> -> memref<1x12800xf32, #tpu.memory_space<vmem>>
        %swap3A_469 = arith.index_cast %swap3A_464 : i32 to index
        %swap3A_470 = arith.index_cast %add3A_463 : i32 to index
        %swap3A_471 = tpu.vector_load %swap3A_468[%swap3A_469, %swap3A_470] {strides = array<i32>} : memref<1x12800xf32, #tpu.memory_space<vmem>>, vector<16xf32>,
        tpu.vector_store %swap3A_468[%swap3A_469, %swap3A_470], %get3A_461 {strides = array<i32>} : memref<1x12800xf32, #tpu.memory_space<vmem>>, vector<16xf32>,
        %get3A_472 = arith.constant 12624 : index
        %get3A_473 = tpu.vector_load %arg5[%get3A_472] {strides = array<i32>} : memref<12800xf32, #tpu.memory_space<vmem>>, vector<16xf32>,
        %add3A_474 = arith.constant 16 : i32
        %add3A_475 = arith.addi %squeeze3A_459, %add3A_474 : i32
        %swap3A_476 = arith.constant 0 : i32
        %swap3A_477 = arith.constant 0 : i32
        %swap3A_478 = arith.constant 0 : i32
        %swap3A_479 = tpu.memref_slice %run_scoped3A_8[%rem3A_201, %swap3A_477, %swap3A_478] : memref<2x1x12800xf32, #tpu.memory_space<vmem>> -> memref<1x1x12800xf32, #tpu.memory_space<vmem>>
        %swap3A_480 = tpu.memref_squeeze %swap3A_479 : memref<1x1x12800xf32, #tpu.memory_space<vmem>> -> memref<1x12800xf32, #tpu.memory_space<vmem>>
        %swap3A_481 = arith.index_cast %swap3A_476 : i32 to index
        %swap3A_482 = arith.index_cast %add3A_475 : i32 to index
        %swap3A_483 = tpu.vector_load %swap3A_480[%swap3A_481, %swap3A_482] {strides = array<i32>} : memref<1x12800xf32, #tpu.memory_space<vmem>>, vector<16xf32>,
        tpu.vector_store %swap3A_480[%swap3A_481, %swap3A_482], %get3A_473 {strides = array<i32>} : memref<1x12800xf32, #tpu.memory_space<vmem>>, vector<16xf32>,
        %get3A_484 = arith.constant 12640 : index
        %get3A_485 = tpu.vector_load %arg5[%get3A_484] {strides = array<i32>} : memref<12800xf32, #tpu.memory_space<vmem>>, vector<16xf32>,
        %add3A_486 = arith.constant 32 : i32
        %add3A_487 = arith.addi %squeeze3A_459, %add3A_486 : i32
        %swap3A_488 = arith.constant 0 : i32
        %swap3A_489 = arith.constant 0 : i32
        %swap3A_490 = arith.constant 0 : i32
        %swap3A_491 = tpu.memref_slice %run_scoped3A_8[%rem3A_201, %swap3A_489, %swap3A_490] : memref<2x1x12800xf32, #tpu.memory_space<vmem>> -> memref<1x1x12800xf32, #tpu.memory_space<vmem>>
        %swap3A_492 = tpu.memref_squeeze %swap3A_491 : memref<1x1x12800xf32, #tpu.memory_space<vmem>> -> memref<1x12800xf32, #tpu.memory_space<vmem>>
        %swap3A_493 = arith.index_cast %swap3A_488 : i32 to index
        %swap3A_494 = arith.index_cast %add3A_487 : i32 to index
        %swap3A_495 = tpu.vector_load %swap3A_492[%swap3A_493, %swap3A_494] {strides = array<i32>} : memref<1x12800xf32, #tpu.memory_space<vmem>>, vector<16xf32>,
        tpu.vector_store %swap3A_492[%swap3A_493, %swap3A_494], %get3A_485 {strides = array<i32>} : memref<1x12800xf32, #tpu.memory_space<vmem>>, vector<16xf32>,
        %get3A_496 = arith.constant 12656 : index
        %get3A_497 = tpu.vector_load %arg5[%get3A_496] {strides = array<i32>} : memref<12800xf32, #tpu.memory_space<vmem>>, vector<16xf32>,
        %add3A_498 = arith.constant 48 : i32
        %add3A_499 = arith.addi %squeeze3A_459, %add3A_498 : i32
        %swap3A_500 = arith.constant 0 : i32
        %swap3A_501 = arith.constant 0 : i32
        %swap3A_502 = arith.constant 0 : i32
        %swap3A_503 = tpu.memref_slice %run_scoped3A_8[%rem3A_201, %swap3A_501, %swap3A_502] : memref<2x1x12800xf32, #tpu.memory_space<vmem>> -> memref<1x1x12800xf32, #tpu.memory_space<vmem>>
        %swap3A_504 = tpu.memref_squeeze %swap3A_503 : memref<1x1x12800xf32, #tpu.memory_space<vmem>> -> memref<1x12800xf32, #tpu.memory_space<vmem>>
        %swap3A_505 = arith.index_cast %swap3A_500 : i32 to index
        %swap3A_506 = arith.index_cast %add3A_499 : i32 to index
        %swap3A_507 = tpu.vector_load %swap3A_504[%swap3A_505, %swap3A_506] {strides = array<i32>} : memref<1x12800xf32, #tpu.memory_space<vmem>>, vector<16xf32>,
        tpu.vector_store %swap3A_504[%swap3A_505, %swap3A_506], %get3A_497 {strides = array<i32>} : memref<1x12800xf32, #tpu.memory_space<vmem>>, vector<16xf32>,
        %slice3A_508 = vector.extract_strided_slice %get3A_210 {offsets = [6], sizes = [1], strides = [1]} : vector<16xi32> to vector<1xi32>
        %squeeze3A_509 = vector.extract %slice3A_508[0] : i32 from vector<1xi32>
        %get3A_510 = arith.constant 12672 : index
        %get3A_511 = tpu.vector_load %arg5[%get3A_510] {strides = array<i32>} : memref<12800xf32, #tpu.memory_space<vmem>>, vector<16xf32>,
        %add3A_512 = arith.constant 0 : i32
        %add3A_513 = arith.addi %squeeze3A_509, %add3A_512 : i32
        %swap3A_514 = arith.constant 0 : i32
        %swap3A_515 = arith.constant 0 : i32
        %swap3A_516 = arith.constant 0 : i32
        %swap3A_517 = tpu.memref_slice %run_scoped3A_8[%rem3A_201, %swap3A_515, %swap3A_516] : memref<2x1x12800xf32, #tpu.memory_space<vmem>> -> memref<1x1x12800xf32, #tpu.memory_space<vmem>>
        %swap3A_518 = tpu.memref_squeeze %swap3A_517 : memref<1x1x12800xf32, #tpu.memory_space<vmem>> -> memref<1x12800xf32, #tpu.memory_space<vmem>>
        %swap3A_519 = arith.index_cast %swap3A_514 : i32 to index
        %swap3A_520 = arith.index_cast %add3A_513 : i32 to index
        %swap3A_521 = tpu.vector_load %swap3A_518[%swap3A_519, %swap3A_520] {strides = array<i32>} : memref<1x12800xf32, #tpu.memory_space<vmem>>, vector<16xf32>,
        tpu.vector_store %swap3A_518[%swap3A_519, %swap3A_520], %get3A_511 {strides = array<i32>} : memref<1x12800xf32, #tpu.memory_space<vmem>>, vector<16xf32>,
        %get3A_522 = arith.constant 12688 : index
        %get3A_523 = tpu.vector_load %arg5[%get3A_522] {strides = array<i32>} : memref<12800xf32, #tpu.memory_space<vmem>>, vector<16xf32>,
        %add3A_524 = arith.constant 16 : i32
        %add3A_525 = arith.addi %squeeze3A_509, %add3A_524 : i32
        %swap3A_526 = arith.constant 0 : i32
        %swap3A_527 = arith.constant 0 : i32
        %swap3A_528 = arith.constant 0 : i32
        %swap3A_529 = tpu.memref_slice %run_scoped3A_8[%rem3A_201, %swap3A_527, %swap3A_528] : memref<2x1x12800xf32, #tpu.memory_space<vmem>> -> memref<1x1x12800xf32, #tpu.memory_space<vmem>>
        %swap3A_530 = tpu.memref_squeeze %swap3A_529 : memref<1x1x12800xf32, #tpu.memory_space<vmem>> -> memref<1x12800xf32, #tpu.memory_space<vmem>>
        %swap3A_531 = arith.index_cast %swap3A_526 : i32 to index
        %swap3A_532 = arith.index_cast %add3A_525 : i32 to index
        %swap3A_533 = tpu.vector_load %swap3A_530[%swap3A_531, %swap3A_532] {strides = array<i32>} : memref<1x12800xf32, #tpu.memory_space<vmem>>, vector<16xf32>,
        tpu.vector_store %swap3A_530[%swap3A_531, %swap3A_532], %get3A_523 {strides = array<i32>} : memref<1x12800xf32, #tpu.memory_space<vmem>>, vector<16xf32>,
        %get3A_534 = arith.constant 12704 : index
        %get3A_535 = tpu.vector_load %arg5[%get3A_534] {strides = array<i32>} : memref<12800xf32, #tpu.memory_space<vmem>>, vector<16xf32>,
        %add3A_536 = arith.constant 32 : i32
        %add3A_537 = arith.addi %squeeze3A_509, %add3A_536 : i32
        %swap3A_538 = arith.constant 0 : i32
        %swap3A_539 = arith.constant 0 : i32
        %swap3A_540 = arith.constant 0 : i32
        %swap3A_541 = tpu.memref_slice %run_scoped3A_8[%rem3A_201, %swap3A_539, %swap3A_540] : memref<2x1x12800xf32, #tpu.memory_space<vmem>> -> memref<1x1x12800xf32, #tpu.memory_space<vmem>>
        %swap3A_542 = tpu.memref_squeeze %swap3A_541 : memref<1x1x12800xf32, #tpu.memory_space<vmem>> -> memref<1x12800xf32, #tpu.memory_space<vmem>>
        %swap3A_543 = arith.index_cast %swap3A_538 : i32 to index
        %swap3A_544 = arith.index_cast %add3A_537 : i32 to index
        %swap3A_545 = tpu.vector_load %swap3A_542[%swap3A_543, %swap3A_544] {strides = array<i32>} : memref<1x12800xf32, #tpu.memory_space<vmem>>, vector<16xf32>,
        tpu.vector_store %swap3A_542[%swap3A_543, %swap3A_544], %get3A_535 {strides = array<i32>} : memref<1x12800xf32, #tpu.memory_space<vmem>>, vector<16xf32>,
        %get3A_546 = arith.constant 12720 : index
        %get3A_547 = tpu.vector_load %arg5[%get3A_546] {strides = array<i32>} : memref<12800xf32, #tpu.memory_space<vmem>>, vector<16xf32>,
        %add3A_548 = arith.constant 48 : i32
        %add3A_549 = arith.addi %squeeze3A_509, %add3A_548 : i32
        %swap3A_550 = arith.constant 0 : i32
        %swap3A_551 = arith.constant 0 : i32
        %swap3A_552 = arith.constant 0 : i32
        %swap3A_553 = tpu.memref_slice %run_scoped3A_8[%rem3A_201, %swap3A_551, %swap3A_552] : memref<2x1x12800xf32, #tpu.memory_space<vmem>> -> memref<1x1x12800xf32, #tpu.memory_space<vmem>>
        %swap3A_554 = tpu.memref_squeeze %swap3A_553 : memref<1x1x12800xf32, #tpu.memory_space<vmem>> -> memref<1x12800xf32, #tpu.memory_space<vmem>>
        %swap3A_555 = arith.index_cast %swap3A_550 : i32 to index
        %swap3A_556 = arith.index_cast %add3A_549 : i32 to index
        %swap3A_557 = tpu.vector_load %swap3A_554[%swap3A_555, %swap3A_556] {strides = array<i32>} : memref<1x12800xf32, #tpu.memory_space<vmem>>, vector<16xf32>,
        tpu.vector_store %swap3A_554[%swap3A_555, %swap3A_556], %get3A_547 {strides = array<i32>} : memref<1x12800xf32, #tpu.memory_space<vmem>>, vector<16xf32>,
        %slice3A_558 = vector.extract_strided_slice %get3A_210 {offsets = [7], sizes = [1], strides = [1]} : vector<16xi32> to vector<1xi32>
        %squeeze3A_559 = vector.extract %slice3A_558[0] : i32 from vector<1xi32>
        %get3A_560 = arith.constant 12736 : index
        %get3A_561 = tpu.vector_load %arg5[%get3A_560] {strides = array<i32>} : memref<12800xf32, #tpu.memory_space<vmem>>, vector<16xf32>,
        %add3A_562 = arith.constant 0 : i32
        %add3A_563 = arith.addi %squeeze3A_559, %add3A_562 : i32
        %swap3A_564 = arith.constant 0 : i32
        %swap3A_565 = arith.constant 0 : i32
        %swap3A_566 = arith.constant 0 : i32
        %swap3A_567 = tpu.memref_slice %run_scoped3A_8[%rem3A_201, %swap3A_565, %swap3A_566] : memref<2x1x12800xf32, #tpu.memory_space<vmem>> -> memref<1x1x12800xf32, #tpu.memory_space<vmem>>
        %swap3A_568 = tpu.memref_squeeze %swap3A_567 : memref<1x1x12800xf32, #tpu.memory_space<vmem>> -> memref<1x12800xf32, #tpu.memory_space<vmem>>
        %swap3A_569 = arith.index_cast %swap3A_564 : i32 to index
        %swap3A_570 = arith.index_cast %add3A_563 : i32 to index
        %swap3A_571 = tpu.vector_load %swap3A_568[%swap3A_569, %swap3A_570] {strides = array<i32>} : memref<1x12800xf32, #tpu.memory_space<vmem>>, vector<16xf32>,
        tpu.vector_store %swap3A_568[%swap3A_569, %swap3A_570], %get3A_561 {strides = array<i32>} : memref<1x12800xf32, #tpu.memory_space<vmem>>, vector<16xf32>,
        %get3A_572 = arith.constant 12752 : index
        %get3A_573 = tpu.vector_load %arg5[%get3A_572] {strides = array<i32>} : memref<12800xf32, #tpu.memory_space<vmem>>, vector<16xf32>,
        %add3A_574 = arith.constant 16 : i32
        %add3A_575 = arith.addi %squeeze3A_559, %add3A_574 : i32
        %swap3A_576 = arith.constant 0 : i32
        %swap3A_577 = arith.constant 0 : i32
        %swap3A_578 = arith.constant 0 : i32
        %swap3A_579 = tpu.memref_slice %run_scoped3A_8[%rem3A_201, %swap3A_577, %swap3A_578] : memref<2x1x12800xf32, #tpu.memory_space<vmem>> -> memref<1x1x12800xf32, #tpu.memory_space<vmem>>
        %swap3A_580 = tpu.memref_squeeze %swap3A_579 : memref<1x1x12800xf32, #tpu.memory_space<vmem>> -> memref<1x12800xf32, #tpu.memory_space<vmem>>
        %swap3A_581 = arith.index_cast %swap3A_576 : i32 to index
        %swap3A_582 = arith.index_cast %add3A_575 : i32 to index
        %swap3A_583 = tpu.vector_load %swap3A_580[%swap3A_581, %swap3A_582] {strides = array<i32>} : memref<1x12800xf32, #tpu.memory_space<vmem>>, vector<16xf32>,
        tpu.vector_store %swap3A_580[%swap3A_581, %swap3A_582], %get3A_573 {strides = array<i32>} : memref<1x12800xf32, #tpu.memory_space<vmem>>, vector<16xf32>,
        %get3A_584 = arith.constant 12768 : index
        %get3A_585 = tpu.vector_load %arg5[%get3A_584] {strides = array<i32>} : memref<12800xf32, #tpu.memory_space<vmem>>, vector<16xf32>,
        %add3A_586 = arith.constant 32 : i32
        %add3A_587 = arith.addi %squeeze3A_559, %add3A_586 : i32
        %swap3A_588 = arith.constant 0 : i32
        %swap3A_589 = arith.constant 0 : i32
        %swap3A_590 = arith.constant 0 : i32
        %swap3A_591 = tpu.memref_slice %run_scoped3A_8[%rem3A_201, %swap3A_589, %swap3A_590] : memref<2x1x12800xf32, #tpu.memory_space<vmem>> -> memref<1x1x12800xf32, #tpu.memory_space<vmem>>
        %swap3A_592 = tpu.memref_squeeze %swap3A_591 : memref<1x1x12800xf32, #tpu.memory_space<vmem>> -> memref<1x12800xf32, #tpu.memory_space<vmem>>
        %swap3A_593 = arith.index_cast %swap3A_588 : i32 to index
        %swap3A_594 = arith.index_cast %add3A_587 : i32 to index
        %swap3A_595 = tpu.vector_load %swap3A_592[%swap3A_593, %swap3A_594] {strides = array<i32>} : memref<1x12800xf32, #tpu.memory_space<vmem>>, vector<16xf32>,
        tpu.vector_store %swap3A_592[%swap3A_593, %swap3A_594], %get3A_585 {strides = array<i32>} : memref<1x12800xf32, #tpu.memory_space<vmem>>, vector<16xf32>,
        %get3A_596 = arith.constant 12784 : index
        %get3A_597 = tpu.vector_load %arg5[%get3A_596] {strides = array<i32>} : memref<12800xf32, #tpu.memory_space<vmem>>, vector<16xf32>,
        %add3A_598 = arith.constant 48 : i32
        %add3A_599 = arith.addi %squeeze3A_559, %add3A_598 : i32
        %swap3A_600 = arith.constant 0 : i32
        %swap3A_601 = arith.constant 0 : i32
        %swap3A_602 = arith.constant 0 : i32
        %swap3A_603 = tpu.memref_slice %run_scoped3A_8[%rem3A_201, %swap3A_601, %swap3A_602] : memref<2x1x12800xf32, #tpu.memory_space<vmem>> -> memref<1x1x12800xf32, #tpu.memory_space<vmem>>
        %swap3A_604 = tpu.memref_squeeze %swap3A_603 : memref<1x1x12800xf32, #tpu.memory_space<vmem>> -> memref<1x12800xf32, #tpu.memory_space<vmem>>
        %swap3A_605 = arith.index_cast %swap3A_600 : i32 to index
        %swap3A_606 = arith.index_cast %add3A_599 : i32 to index
        %swap3A_607 = tpu.vector_load %swap3A_604[%swap3A_605, %swap3A_606] {strides = array<i32>} : memref<1x12800xf32, #tpu.memory_space<vmem>>, vector<16xf32>,
        tpu.vector_store %swap3A_604[%swap3A_605, %swap3A_606], %get3A_597 {strides = array<i32>} : memref<1x12800xf32, #tpu.memory_space<vmem>>, vector<16xf32>,
        "tpu.trace_stop"() : () -> ()
        %ne3A_608 = arith.cmpi ne, %add3A_131, %add3A_149 : i32
        %or3A_609 = arith.constant false
        %or3A_610 = arith.ori %or3A_609, %ne3A_608 : i1
        %or3A_611 = arith.constant false
        %or3A_612 = arith.ori %or3A_610, %or3A_611 : i1
        %or3A_613 = arith.ori %or3A_612, %eq3A_130 : i1
        %convert_element_type3A_614 = arith.extui %or3A_613 : i1 to i32
        %cond3A_615 = arith.constant 0 : i32
        %cond3A_616 = arith.cmpi ne, %convert_element_type3A_614, %cond3A_615 : i32
        scf.if %cond3A_616 {
        } else {
        }
        %and3A_617 = arith.constant false
        %and3A_618 = arith.andi %or3A_613, %and3A_617 : i1
        %ne3A_619 = arith.cmpi ne, %add3A_131, %add3A_149 : i32
        %or3A_620 = arith.constant false
        %or3A_621 = arith.ori %or3A_620, %ne3A_619 : i1
        %or3A_622 = arith.constant false
        %or3A_623 = arith.ori %or3A_621, %or3A_622 : i1
        %or3A_624 = arith.ori %or3A_623, %eq3A_130 : i1
        %convert_element_type3A_625 = arith.extui %or3A_624 : i1 to i32
        %cond3A_626 = arith.constant 0 : i32
        %cond3A_627 = arith.cmpi ne, %convert_element_type3A_625, %cond3A_626 : i32
        scf.if %cond3A_627 {
          "tpu.trace_start"() <{level = 10 : i32, message = "ep_copy_out"}> : () -> ()
          %rem3A_679 = arith.constant 2 : i32
          %rem3A_680 = arith.remui %scan3A_124, %rem3A_679 : i32
          %mul3A_681 = arith.constant 1 : i32
          %mul3A_682 = arith.muli %mul3A_681, %add3A_131 : i32
          %dma_start3A_683 = arith.constant 0 : i32
          %dma_start3A_684 = arith.constant 0 : i32
          %dma_start3A_685 = tpu.memref_slice %run_scoped3A_8[%rem3A_680, %dma_start3A_683, %dma_start3A_684] : memref<2x1x12800xf32, #tpu.memory_space<vmem>> -> memref<1x1x12800xf32, #tpu.memory_space<vmem>>
          %dma_start3A_686 = tpu.memref_squeeze %dma_start3A_685 : memref<1x1x12800xf32, #tpu.memory_space<vmem>> -> memref<1x12800xf32, #tpu.memory_space<vmem>>
          %dma_start3A_687 = arith.constant 0 : i32
          %dma_start3A_688 = tpu.memref_slice %arg4[%mul3A_682, %dma_start3A_687] : memref<16384x12800xf32, #tpu.memory_space<hbm>> -> memref<1x12800xf32, #tpu.memory_space<hbm>>
          %dma_start3A_689 = tpu.memref_slice %run_scoped3A_9[%rem3A_680] : memref<2x!tpu.dma_semaphore, #tpu.memory_space<semaphore_mem>> -> memref<1x!tpu.dma_semaphore, #tpu.memory_space<semaphore_mem>>
          %dma_start3A_690 = tpu.memref_squeeze %dma_start3A_689 : memref<1x!tpu.dma_semaphore, #tpu.memory_space<semaphore_mem>> -> memref<!tpu.dma_semaphore, #tpu.memory_space<semaphore_mem>>
          %dma_start3A_691 = arith.constant 0 : i32
          %dma_start3A_692 = tpu.memref_slice %arg4[%mul3A_682, %dma_start3A_691] : memref<16384x12800xf32, #tpu.memory_space<hbm>> -> memref<1x12800xf32, #tpu.memory_space<hbm>>
          %dma_start3A_693 = arith.constant 0 : i32
          %dma_start3A_694 = arith.constant 0 : i32
          %dma_start3A_695 = tpu.memref_slice %run_scoped3A_8[%rem3A_680, %dma_start3A_693, %dma_start3A_694] : memref<2x1x12800xf32, #tpu.memory_space<vmem>> -> memref<1x1x12800xf32, #tpu.memory_space<vmem>>
          %dma_start3A_696 = tpu.memref_squeeze %dma_start3A_695 : memref<1x1x12800xf32, #tpu.memory_space<vmem>> -> memref<1x12800xf32, #tpu.memory_space<vmem>>
          tpu.enqueue_dma source(%dma_start3A_696 : memref<1x12800xf32, #tpu.memory_space<vmem>>) target(%dma_start3A_692 : memref<1x12800xf32, #tpu.memory_space<hbm>>) target_semaphore(%dma_start3A_690 : memref<!tpu.dma_semaphore, #tpu.memory_space<semaphore_mem>>)
          "tpu.trace_stop"() : () -> ()
        } else {
        }
        %and3A_628 = arith.constant true
        %and3A_629 = arith.andi %or3A_624, %and3A_628 : i1
        %add3A_630 = arith.constant 1 : i32
        %add3A_631 = arith.addi %scan3A_124, %add3A_630 : i32
        %select_n3A_632 = arith.select %and3A_629, %add3A_631, %scan3A_124 : i32
        %ne3A_633 = arith.cmpi ne, %add3A_131, %add3A_140 : i32
        %or3A_634 = arith.constant false
        %or3A_635 = arith.ori %or3A_634, %ne3A_633 : i1
        %or3A_636 = arith.constant false
        %or3A_637 = arith.ori %or3A_635, %or3A_636 : i1
        %not3A_638 = arith.constant true
        %not3A_639 = arith.xori %eq3A_128, %not3A_638 : i1
        %and3A_640 = arith.andi %or3A_637, %not3A_639 : i1
        %convert_element_type3A_641 = arith.extui %and3A_640 : i1 to i32
        %cond3A_642 = arith.constant 0 : i32
        %cond3A_643 = arith.cmpi ne, %convert_element_type3A_641, %cond3A_642 : i32
        scf.if %cond3A_643 {
        } else {
        }
        %and3A_644 = arith.constant false
        %and3A_645 = arith.andi %and3A_640, %and3A_644 : i1
        %ne3A_646 = arith.cmpi ne, %add3A_131, %add3A_140 : i32
        %or3A_647 = arith.constant false
        %or3A_648 = arith.ori %or3A_647, %ne3A_646 : i1
        %or3A_649 = arith.constant false
        %or3A_650 = arith.ori %or3A_648, %or3A_649 : i1
        %not3A_651 = arith.constant true
        %not3A_652 = arith.xori %eq3A_128, %not3A_651 : i1
        %and3A_653 = arith.andi %or3A_650, %not3A_652 : i1
        %convert_element_type3A_654 = arith.extui %and3A_653 : i1 to i32
        %cond3A_655 = arith.constant 0 : i32
        %cond3A_656 = arith.cmpi ne, %convert_element_type3A_654, %cond3A_655 : i32
        scf.if %cond3A_656 {
          "tpu.trace_start"() <{level = 10 : i32, message = "ep_wait_out"}> : () -> ()
          %rem3A_679 = arith.constant 2 : i32
          %rem3A_680 = arith.remui %scan3A_125, %rem3A_679 : i32
          %mul3A_681 = arith.constant 1 : i32
          %mul3A_682 = arith.muli %mul3A_681, %add3A_140 : i32
          %dma_wait3A_683 = arith.constant 0 : i32
          %dma_wait3A_684 = arith.constant 0 : i32
          %dma_wait3A_685 = tpu.memref_slice %run_scoped3A_8[%rem3A_680, %dma_wait3A_683, %dma_wait3A_684] : memref<2x1x12800xf32, #tpu.memory_space<vmem>> -> memref<1x1x12800xf32, #tpu.memory_space<vmem>>
          %dma_wait3A_686 = tpu.memref_squeeze %dma_wait3A_685 : memref<1x1x12800xf32, #tpu.memory_space<vmem>> -> memref<1x12800xf32, #tpu.memory_space<vmem>>
          %dma_wait3A_687 = arith.constant 0 : i32
          %dma_wait3A_688 = tpu.memref_slice %arg4[%mul3A_682, %dma_wait3A_687] : memref<16384x12800xf32, #tpu.memory_space<hbm>> -> memref<1x12800xf32, #tpu.memory_space<hbm>>
          %dma_wait3A_689 = tpu.memref_slice %run_scoped3A_9[%rem3A_680] : memref<2x!tpu.dma_semaphore, #tpu.memory_space<semaphore_mem>> -> memref<1x!tpu.dma_semaphore, #tpu.memory_space<semaphore_mem>>
          %dma_wait3A_690 = tpu.memref_squeeze %dma_wait3A_689 : memref<1x!tpu.dma_semaphore, #tpu.memory_space<semaphore_mem>> -> memref<!tpu.dma_semaphore, #tpu.memory_space<semaphore_mem>>
          %dma_wait3A_691 = arith.constant 0 : i32
          %dma_wait3A_692 = tpu.memref_slice %arg4[%mul3A_682, %dma_wait3A_691] : memref<16384x12800xf32, #tpu.memory_space<hbm>> -> memref<1x12800xf32, #tpu.memory_space<hbm>>
          %dma_wait3A_693 = arith.constant 0 : i32
          %dma_wait3A_694 = arith.constant 0 : i32
          %dma_wait3A_695 = tpu.memref_slice %run_scoped3A_8[%rem3A_680, %dma_wait3A_693, %dma_wait3A_694] : memref<2x1x12800xf32, #tpu.memory_space<vmem>> -> memref<1x1x12800xf32, #tpu.memory_space<vmem>>
          %dma_wait3A_696 = tpu.memref_squeeze %dma_wait3A_695 : memref<1x1x12800xf32, #tpu.memory_space<vmem>> -> memref<1x12800xf32, #tpu.memory_space<vmem>>
          tpu.wait_dma2 semaphore(%dma_wait3A_690 : memref<!tpu.dma_semaphore, #tpu.memory_space<semaphore_mem>>) src(%dma_wait3A_696 : memref<1x12800xf32, #tpu.memory_space<vmem>>) dst(%dma_wait3A_692 : memref<1x12800xf32, #tpu.memory_space<hbm>>)
          "tpu.trace_stop"() : () -> ()
        } else {
        }
        %and3A_657 = arith.constant true
        %and3A_658 = arith.andi %and3A_653, %and3A_657 : i1
        %add3A_659 = arith.constant 1 : i32
        %add3A_660 = arith.addi %scan3A_125, %add3A_659 : i32
        %select_n3A_661 = arith.select %and3A_658, %add3A_660, %scan3A_125 : i32
        %ne3A_662 = arith.cmpi ne, %add3A_131, %add3A_149 : i32
        %or3A_663 = arith.constant false
        %or3A_664 = arith.ori %or3A_663, %ne3A_662 : i1
        %or3A_665 = arith.constant false
        %or3A_666 = arith.ori %or3A_664, %or3A_665 : i1
        %or3A_667 = arith.ori %or3A_666, %eq3A_130 : i1
        %add3A_668 = arith.constant 1 : i32
        %add3A_669 = arith.addi %scan3A_123, %add3A_668 : i32
        %select_n3A_670 = arith.select %or3A_667, %add3A_669, %scan3A_123 : i32
        %add3A_671 = arith.constant 1 : i32
        %add3A_672 = arith.addi %scan3A_126, %add3A_671 : i32
        %select_n3A_673 = arith.constant true
        %select_n3A_674 = arith.select %select_n3A_673, %add3A_672, %scan3A_126 : i32
        %eq3A_675 = arith.constant 512 : i32
        %eq3A_676 = arith.cmpi eq, %select_n3A_674, %eq3A_675 : i32
        %select_n3A_677 = arith.constant 0 : i32
        %select_n3A_678 = arith.select %eq3A_676, %select_n3A_677, %select_n3A_674 : i32
        scf.yield %select_n3A_169, %select_n3A_670, %select_n3A_632, %select_n3A_661, %select_n3A_678 : i32, i32, i32, i32, i32
      }
      %scan3A_68 = arith.constant 512 : i32
      %sub3A = arith.constant 1 : i32
      %sub3A_69 = arith.subi %scan3A_67#4, %sub3A : i32
      %select_n3A_70 = arith.constant true
      %select_n3A_71 = arith.select %select_n3A_70, %sub3A_69, %scan3A_67#4 : i32
      %eq3A_72 = arith.constant -1 : i32
      %eq3A_73 = arith.cmpi eq, %select_n3A_71, %eq3A_72 : i32
      %select_n3A_74 = arith.constant 511 : i32
      %select_n3A_75 = arith.select %eq3A_73, %select_n3A_74, %select_n3A_71 : i32
      %add3A_76 = arith.addi %select_n3A_75, %mul3A_6 : i32
      %sub3A_77 = arith.constant 1 : i32
      %sub3A_78 = arith.subi %select_n3A_75, %sub3A_77 : i32
      %select_n3A_79 = arith.constant true
      %select_n3A_80 = arith.select %select_n3A_79, %sub3A_78, %select_n3A_75 : i32
      %eq3A_81 = arith.constant -1 : i32
      %eq3A_82 = arith.cmpi eq, %select_n3A_80, %eq3A_81 : i32
      %select_n3A_83 = arith.constant 511 : i32
      %select_n3A_84 = arith.select %eq3A_82, %select_n3A_83, %select_n3A_80 : i32
      %add3A_85 = arith.addi %select_n3A_84, %mul3A_6 : i32
      %add3A_86 = arith.constant 1 : i32
      %add3A_87 = arith.addi %select_n3A_75, %add3A_86 : i32
      %select_n3A_88 = arith.constant true
      %select_n3A_89 = arith.select %select_n3A_88, %add3A_87, %select_n3A_75 : i32
      %eq3A_90 = arith.constant 512 : i32
      %eq3A_91 = arith.cmpi eq, %select_n3A_89, %eq3A_90 : i32
      %select_n3A_92 = arith.constant 0 : i32
      %select_n3A_93 = arith.select %eq3A_91, %select_n3A_92, %select_n3A_89 : i32
      %add3A_94 = arith.addi %select_n3A_93, %mul3A_6 : i32
      %add3A_95 = arith.constant 1 : i32
      %add3A_96 = arith.addi %select_n3A_93, %add3A_95 : i32
      %select_n3A_97 = arith.constant true
      %select_n3A_98 = arith.select %select_n3A_97, %add3A_96, %select_n3A_93 : i32
      %eq3A_99 = arith.constant 512 : i32
      %eq3A_100 = arith.cmpi eq, %select_n3A_98, %eq3A_99 : i32
      %select_n3A_101 = arith.constant 0 : i32
      %select_n3A_102 = arith.select %eq3A_100, %select_n3A_101, %select_n3A_98 : i32
      %add3A_103 = arith.addi %select_n3A_102, %mul3A_6 : i32
      "tpu.trace_start"() <{level = 10 : i32, message = "ep_finalize"}> : () -> ()
      %rem3A_104 = arith.constant 2 : i32
      %rem3A_105 = arith.remui %scan3A_67#3, %rem3A_104 : i32
      %mul3A_106 = arith.constant 1 : i32
      %mul3A_107 = arith.muli %mul3A_106, %add3A_76 : i32
      %dma_wait3A = arith.constant 0 : i32
      %dma_wait3A_108 = arith.constant 0 : i32
      %dma_wait3A_109 = tpu.memref_slice %run_scoped3A_8[%rem3A_105, %dma_wait3A, %dma_wait3A_108] : memref<2x1x12800xf32, #tpu.memory_space<vmem>> -> memref<1x1x12800xf32, #tpu.memory_space<vmem>>
      %dma_wait3A_110 = tpu.memref_squeeze %dma_wait3A_109 : memref<1x1x12800xf32, #tpu.memory_space<vmem>> -> memref<1x12800xf32, #tpu.memory_space<vmem>>
      %dma_wait3A_111 = arith.constant 0 : i32
      %dma_wait3A_112 = tpu.memref_slice %arg4[%mul3A_107, %dma_wait3A_111] : memref<16384x12800xf32, #tpu.memory_space<hbm>> -> memref<1x12800xf32, #tpu.memory_space<hbm>>
      %dma_wait3A_113 = tpu.memref_slice %run_scoped3A_9[%rem3A_105] : memref<2x!tpu.dma_semaphore, #tpu.memory_space<semaphore_mem>> -> memref<1x!tpu.dma_semaphore, #tpu.memory_space<semaphore_mem>>
      %dma_wait3A_114 = tpu.memref_squeeze %dma_wait3A_113 : memref<1x!tpu.dma_semaphore, #tpu.memory_space<semaphore_mem>> -> memref<!tpu.dma_semaphore, #tpu.memory_space<semaphore_mem>>
      %dma_wait3A_115 = arith.constant 0 : i32
      %dma_wait3A_116 = tpu.memref_slice %arg4[%mul3A_107, %dma_wait3A_115] : memref<16384x12800xf32, #tpu.memory_space<hbm>> -> memref<1x12800xf32, #tpu.memory_space<hbm>>
      %dma_wait3A_117 = arith.constant 0 : i32
      %dma_wait3A_118 = arith.constant 0 : i32
      %dma_wait3A_119 = tpu.memref_slice %run_scoped3A_8[%rem3A_105, %dma_wait3A_117, %dma_wait3A_118] : memref<2x1x12800xf32, #tpu.memory_space<vmem>> -> memref<1x1x12800xf32, #tpu.memory_space<vmem>>
      %dma_wait3A_120 = tpu.memref_squeeze %dma_wait3A_119 : memref<1x1x12800xf32, #tpu.memory_space<vmem>> -> memref<1x12800xf32, #tpu.memory_space<vmem>>
      tpu.wait_dma2 semaphore(%dma_wait3A_114 : memref<!tpu.dma_semaphore, #tpu.memory_space<semaphore_mem>>) src(%dma_wait3A_120 : memref<1x12800xf32, #tpu.memory_space<vmem>>) dst(%dma_wait3A_116 : memref<1x12800xf32, #tpu.memory_space<hbm>>)
      "tpu.trace_stop"() : () -> ()
      tpu.yield
    }) : () -> ()
    return
  }
}

module attributes {stable_mosaic.version = 14 : i64} {
  func.func @_rank_body(%arg0: i32, %arg1: memref<16x200xf32, #tpu.memory_space<vmem>>, %arg2: memref<16x208xi32, #tpu.memory_space<vmem>>) attributes {dimension_semantics = [#tpu.dimension_semantics<arbitrary>], iteration_bounds = array<i64: 1024>, scalar_prefetch = 0 : i64, scratch_operands = 0 : i64, tpu.core_type = #tpu.core_type<tc>, window_params = [{transform_indices = @transform_0, window_bounds = array<i64: 16, 200>}, {transform_indices = @transform_1, window_bounds = array<i64: 16, 208>}]} {
    %get3A = arith.constant 0 : index
    %get3A_0 = arith.constant 0 : index
    %get3A_1 = vector.load %arg1[%get3A, %get3A_0] : memref<16x200xf32, #tpu.memory_space<vmem>>, vector<16x200xf32>
    %bitcast_convert_type3A = tpu.bitcast %get3A_1 : vector<16x200xf32> -> vector<16x200xi32>
    %broadcast_in_dim3A = vector.shape_cast %bitcast_convert_type3A : vector<16x200xi32> to vector<16x200x1xi32>
    %broadcast_in_dim3A_2 = vector.shape_cast %broadcast_in_dim3A : vector<16x200x1xi32> to vector<16x200x1xi32>
    %broadcast_in_dim3A_3 = vector.broadcast %broadcast_in_dim3A_2 : vector<16x200x1xi32> to vector<16x200x200xi32>
    %broadcast_in_dim3A_4 = vector.shape_cast %bitcast_convert_type3A : vector<16x200xi32> to vector<16x1x200xi32>
    %broadcast_in_dim3A_5 = vector.shape_cast %broadcast_in_dim3A_4 : vector<16x1x200xi32> to vector<16x1x200xi32>
    %broadcast_in_dim3A_6 = vector.broadcast %broadcast_in_dim3A_5 : vector<16x1x200xi32> to vector<16x200x200xi32>
    %iota3A = tpu.iota {dimensions = array<i32: 1>} : vector<16x200x200xi32>
    %iota3A_7 = tpu.iota {dimensions = array<i32: 2>} : vector<16x200x200xi32>
    %lt3A = arith.cmpi slt, %iota3A, %iota3A_7 : vector<16x200x200xi32>
    %jit3A = arith.constant 1.000000e+00 : f32
    %jit3A_8 = arith.constant 0.000000e+00 : f32
    %broadcast_in_dim3A_9 = vector.broadcast %jit3A : f32 to vector<16x200x200xf32>
    %broadcast_in_dim3A_10 = vector.broadcast %jit3A_8 : f32 to vector<16x200x200xf32>
    %select_n3A = arith.select %lt3A, %broadcast_in_dim3A_9, %broadcast_in_dim3A_10 : vector<16x200x200xi1>, vector<16x200x200xf32>
    %lt3A_11 = arith.cmpi slt, %broadcast_in_dim3A_3, %broadcast_in_dim3A_6 : vector<16x200x200xi32>
    %eq3A = arith.cmpi eq, %broadcast_in_dim3A_3, %broadcast_in_dim3A_6 : vector<16x200x200xi32>
    %jit3A_12 = arith.constant 0.000000e+00 : f32
    %broadcast_in_dim3A_13 = vector.broadcast %jit3A_12 : f32 to vector<16x200x200xf32>
    %select_n3A_14 = arith.select %eq3A, %select_n3A, %broadcast_in_dim3A_13 : vector<16x200x200xi1>, vector<16x200x200xf32>
    %jit3A_15 = arith.constant 1.000000e+00 : f32
    %broadcast_in_dim3A_16 = vector.broadcast %jit3A_15 : f32 to vector<16x200x200xf32>
    %select_n3A_17 = arith.select %lt3A_11, %broadcast_in_dim3A_16, %select_n3A_14 : vector<16x200x200xi1>, vector<16x200x200xf32>
    %reduce_sum3A = arith.constant dense<0.000000e+00> : vector<16x200xf32>
    %reduce_sum3A_18 = vector.multi_reduction <add>, %select_n3A_17, %reduce_sum3A [1] : vector<16x200x200xf32> to vector<16x200xf32>
    %convert_element_type3A = arith.fptosi %reduce_sum3A_18 : vector<16x200xf32> to vector<16x200xi32>
    %mul3A = arith.constant 64 : i32
    %mul3A_19 = vector.broadcast %mul3A : i32 to vector<16x200xi32>
    %mul3A_20 = arith.muli %convert_element_type3A, %mul3A_19 : vector<16x200xi32>
    %broadcast_in_dim3A_21 = arith.constant 0 : i32
    %broadcast_in_dim3A_22 = vector.broadcast %broadcast_in_dim3A_21 : i32 to vector<16x8xi32>
    %concatenate3A = tpu.concatenate %mul3A_20, %broadcast_in_dim3A_22 in 1 : vector<16x200xi32>, vector<16x8xi32> -> vector<16x208xi32>
    %swap3A = arith.constant 0 : index
    %swap3A_23 = arith.constant 0 : index
    %swap3A_24 = vector.load %arg2[%swap3A, %swap3A_23] : memref<16x208xi32, #tpu.memory_space<vmem>>, vector<16x208xi32>
    tpu.vector_store %arg2[%swap3A, %swap3A_23], %concatenate3A {strides = array<i32>} : memref<16x208xi32, #tpu.memory_space<vmem>>, vector<16x208xi32>,
    return
  }
  func.func @transform_0(%arg0: i32) -> (i32, i32) {
    %c0_i32 = arith.constant 0 : i32
    %c0_i32_0 = arith.constant 0 : i32
    return %arg0, %c0_i32 : i32, i32
  }
  func.func @transform_1(%arg0: i32) -> (i32, i32) {
    %c0_i32 = arith.constant 0 : i32
    %c0_i32_0 = arith.constant 0 : i32
    return %arg0, %c0_i32 : i32, i32
  }
}

</mosaic_0001>

<sc_bundles>
// kernel: kernel.4.cloned.1.call-start
scs
__scs_entry_jumppad:
0x0: {  	(pc) =	sbr.rel $0x88, $3  }
0x1: {  	(tag) =	ssettag $0x0;
	lr =	simm.s32 $0x1  }
0x2: {  	[smem:$0x3F9F] =	sst lr;
	_ =	strace $0xD0000000  }
0x3: {  	_ = 	snop  }
0x4: {  	_ = 	snop  }
0x5: {  	_ = 	snop  }
0x6: {  	_ = 	snop  }
0x7: {  	_ = 	snop  }
__scs_overlays_trampoline_lowered:
0x8: {  	[smem:$0x3FAE] =	sst s0  }
0x9: {  	[smem:$0x3FAF] =	sst s1  }
0xa: {  	[smem:$0x3FB0] =	sst s2  }
0xb: {  	[smem:$0x3FB1] =	sst s3  }
0xc: {  	[smem:$0x3FB2] =	sst s4  }
0xd: {  	[smem:$0x3FB3] =	sst s5  }
0xe: {  	[smem:$0x3FB4] =	sst s6  }
0xf: {  	[smem:$0x3FB5] =	sst s7  }
0x10: {  	[smem:$0x3FB6] =	sst s8  }
0x11: {  	[smem:$0x3FB7] =	sst s9;
	s0 =	simm.s32 @!p0 $0x0  }
0x12: {  	s1 =	sld [smem:$0x3F9D];
	s0 =	simm.s32 @p0 $0x1  }
0x13: {  	[smem:$0x3FB8] =	sst s0;
	s0 =	simm.s32 @!p1 $0x0  }
0x14: {  	s2 =	sld [smem:$0x3F9C];
	s0 =	simm.s32 @p1 $0x1  }
0x15: {  	[smem:$0x3FB9] =	sst s0;
	s0 =	simm.s32 @!p2 $0x0  }
0x16: {  	s3 =	sld [smem:$0x3FDB];
	s0 =	simm.s32 @p2 $0x1  }
0x17: {  	s4 =	simm.s32 $0x1BF5;
	[smem:$0x3FBB] =	sst s0  }
0x18: {  	s0 =	sld [smem:$0x3F9E];
	_ =	swait.ge [sflag:s4], $0x0  }
0x19: {  	s7 =	sld [smem:$0x3F9F]  }
0x1a: {  	s8 =	sadd.s32 $0xFFFFE003, lr  }
0x1b: {  	s9 =	sadd.s32 $0xFFFFFEF7, lr;
	s5 =	simm.s32 $0xFFFFFFFF;
	p2 =	slt.u32 s8, $0xFFFFF086  }
0x1c: {  	p1 =	slt.u32 s9, $0xF7A;
	s5 =	simm.s32 @!p2 $0x0  }
0x1d: {  	s5 =	simm.s32 @p1 $0x1;
	p0 =	seq.s32 s7, s2  }
0x1e: {  	s7 =	smul.u32 @!p0 $0xF7A, s2;
	p2 =	seq.s32 @!p0 s5, $0x0  }
0x1f: {  	s9 =	smul.u32 $0xF7A, s1;
	s8 =	simm.s32 @!p0 $0x1BF5;
	p2 =	por !p2, p0  }
0x20: {  	[sflag:s8] =	ssyncset.s32 @!p0 $0xFFFFF086;
	s6 =	sadd.s32 @!p0 s3, s7;
	s7 =	simm.s32 @!p0 $0x108  }
0x21: {  	s3 =	sadd.s32 s3, s9;
	s6 =	sadd.s32 @!p0 $0x88, s6;
	s7 =	simm.s32 @p2 $0x1082  }
0x22: {  	[simem:s7], [sflag:s8] =	dma.local @!p0 [hbm:s6], $0xF7A  }
0x23: {  	s9 =	sor.u32 $0xD0000000, s2;
	s6 =	simm.s32 $0x108;
	_ =	swait.ge @!p0 [sflag:s8], $0x0  }
0x24: {  	s3 =	sadd.s32 $0x88, s3;
	s6 =	simm.s32 @!p1 $0x1082;
	[sflag:s4] =	ssyncset.s32 $0xFFFFF086  }
0x25: {  	[simem:s6], [sflag:s4] =	dma.local [hbm:s3], $0xF7A  }
0x26: {  	[smem:$0x3F9F] =	sst s1;
	(tag) =	ssettag s2;
	_ =	strace s9  }
0x27: {  	s1 =	sld [smem:$0x3FAF]  }
0x28: {  	s2 =	sld [smem:$0x3FB0]  }
0x29: {  	s4 =	sld [smem:$0x3FB2]  }
0x2a: {  	p0 =	seq.s32 s5, $0x0;
	s5 =	sld [smem:$0x3FB3]  }
0x2b: {  	s6 =	sld [smem:$0x3FB4]  }
0x2c: {  	s7 =	sld [smem:$0x3FB5]  }
0x2d: {  	s3 =	simm.s32 $0x108;
	s8 =	sld [smem:$0x3FB6]  }
0x2e: {  	s3 =	simm.s32 @!p0 $0x1082;
	s9 =	sld [smem:$0x3FB7]  }
0x2f: {  	lr =	sadd.s32 s0, s3;
	s0 =	sld [smem:$0x3FAE]  }
0x30: {  	s3 =	sld [smem:$0x3FB1]  }
0x31: {  	[smem:$0x3FBA] =	sst s10  }
0x32: {  	s10 =	sld [smem:$0x3FB8];
	_ =	sdelay $0x3  }
0x33: {  	p0 =	seq.s32 s10, $0x1;
	s10 =	sld [smem:$0x3FBA];
	_ =	sdelay $0x3  }
0x34: {  	[smem:$0x3FBA] =	sst s10  }
0x35: {  	s10 =	sld [smem:$0x3FB9];
	_ =	sdelay $0x3  }
0x36: {  	p1 =	seq.s32 s10, $0x1;
	s10 =	sld [smem:$0x3FBA];
	_ =	sdelay $0x3  }
0x37: {  	[smem:$0x3FBA] =	sst s10  }
0x38: {  	s10 =	sld [smem:$0x3FBB]  }
0x39: {  	_ = 	snop;
	(pc) =	sbr.ind lr, $3  }
0x3a: {  	_ = 	snop  }
0x3b: {  	_ = 	snop  }
0x3c: {  	p2 =	seq.s32 s10, $0x1;
	s10 =	sld [smem:$0x3FBA]  }
0x3d: {  	_ =	shalt  }
0x3e: {  	_ =	shalt  }
0x3f: {  	_ =	shalt  }
0x40: {  	_ =	shalt  }
0x41: {  	_ =	shalt  }
0x42: {  	_ =	shalt  }
0x43: {  	_ =	shalt  }
0x44: {  	_ =	shalt  }
0x45: {  	_ =	shalt  }
0x46: {  	_ =	shalt  }
0x47: {  	_ =	shalt  }
0x48: {  	_ =	shalt  }
0x49: {  	_ =	shalt  }
0x4a: {  	_ =	shalt  }
0x4b: {  	_ =	shalt  }
0x4c: {  	_ =	shalt  }
0x4d: {  	_ =	shalt  }
0x4e: {  	_ =	shalt  }
0x4f: {  	_ =	shalt  }
0x50: {  	_ =	shalt  }
0x51: {  	_ =	shalt  }
0x52: {  	_ =	shalt  }
0x53: {  	_ =	shalt  }
0x54: {  	_ =	shalt  }
0x55: {  	_ =	shalt  }
0x56: {  	_ =	shalt  }
0x57: {  	_ =	shalt  }
0x58: {  	_ =	shalt  }
0x59: {  	_ =	shalt  }
0x5a: {  	_ =	shalt  }
0x5b: {  	_ =	shalt  }
0x5c: {  	_ =	shalt  }
0x5d: {  	_ =	shalt  }
0x5e: {  	_ =	shalt  }
0x5f: {  	_ =	shalt  }
0x60: {  	_ =	shalt  }
0x61: {  	_ =	shalt  }
0x62: {  	_ =	shalt  }
0x63: {  	_ =	shalt  }
0x64: {  	_ =	shalt  }
0x65: {  	_ =	shalt  }
0x66: {  	_ =	shalt  }
0x67: {  	_ =	shalt  }
0x68: {  	_ =	shalt  }
0x69: {  	_ =	shalt  }
0x6a: {  	_ =	shalt  }
0x6b: {  	_ =	shalt  }
0x6c: {  	_ =	shalt  }
0x6d: {  	_ =	shalt  }
0x6e: {  	_ =	shalt  }
0x6f: {  	_ =	shalt  }
0x70: {  	_ =	shalt  }
0x71: {  	_ =	shalt  }
0x72: {  	_ =	shalt  }
0x73: {  	_ =	shalt  }
0x74: {  	_ =	shalt  }
0x75: {  	_ =	shalt  }
0x76: {  	_ =	shalt  }
0x77: {  	_ =	shalt  }
0x78: {  	_ =	shalt  }
0x79: {  	_ =	shalt  }
0x7a: {  	_ =	shalt  }
0x7b: {  	_ =	shalt  }
0x7c: {  	_ =	shalt  }
0x7d: {  	_ =	shalt  }
0x7e: {  	_ =	shalt  }
0x7f: {  	_ =	shalt  }
0x80: {  	_ =	shalt  }
0x81: {  	_ =	shalt  }
0x82: {  	_ =	shalt  }
0x83: {  	_ =	shalt  }
0x84: {  	_ =	shalt  }
0x85: {  	_ =	shalt  }
0x86: {  	_ =	shalt  }
0x87: {  	_ =	shalt  }
.Lfunc_end0:
.L_simem_size_0:
called_computation_lowered:
.L_overlay_start_0:
0x88: {  	s2 =	sld [smem:$0x3FD9]  }
0x89: {  	s3 =	sld [smem:$0x3FFE];
	_ =	sdelay $0x1  }
0x8a: {  	s1 =	srdreg.scid  }
0x8b: {  	s0 =	sand.u32 $0x1, s1  }
0x8c: {  	s17 =	sshll.u32 s0, $0xA;
	s2 =	sadd.s32 s3, s2  }
0x8d: {  	s2 =	sadd.s32 s2, s17  }
0x8e: {  	[smem:$0x3FC6] =	sst s2  }
0x8f: {  	_ = 	snop  }
0x90: {  	s2 =	sld [smem:$0x3FD0];
	(tm) =	ssettm $0x1  }
0x91: {  	s18 =	sld [smem:$0x3FFB];
	_ =	sdelay $0x3  }
0x92: {  	_ =	strace s18  }
0x93: {  	s3 =	sld [smem:$0x3FFC];
	_ =	sdelay $0x3  }
0x94: {  	_ =	strace s3  }
0x95: {  	s3 =	sld [smem:$0x3FFD];
	_ =	sdelay $0x3  }
0x96: {  	_ =	strace s3  }
0x97: {  	_ =	strace $0x8FFFFFFF  }
0x98: {  	s19 =	sld [smem:$0x3FDB];
	_ =	sdelay $0x1  }
0x99: {  	s4 =	simm.s32 $_scs_section_size  }
0x9a: {  	s5 =	simm.s32 $_size__tile_overlayer_lowered;
	s6 =	simm.s32 $_tile_overlayer_lowered  }
0x9b: {  	s22 =	simm.s32 $0x1BFF;
	s21 =	sshll.u32 s6, $0x1;
	s3 =	sadd.s32 s4, s19  }
0x9c: {  	s7 =	simm.s32 $0x0;
	s20 =	sshll.u32 s5, $0x1;
	s5 =	sadd.s32 s21, s3  }
0x9d: {  	[timem:s7], [sflag:s22] =	dma.local [hbm:s5], s20  }
0x9e: {  	_ =	swait.ge [sflag:s22], s20  }
0x9f: {  	s4 =	ssub.s32 $0x0, s20;
	[sflag:s22] =	ssyncset.done $0x0  }
0xa0: {  	[sflag:s22] =	ssyncadd.s32 s4;
	_ =	sdelay $0x1  }
0xa1: {  	s23 =	simm.s32 $0x1B8B  }
0xa2: {  	_ =	swait.ge [sflag:s23], $0x1  }
0xa3: {  	[sflag:s23] =	ssyncset.done $0x0  }
0xa4: {  	s25 =	simm.s32 $0x1B8E;
	s24 =	sld [smem:$0x3FFE];
	[sflag:s23] =	ssyncadd.s32 $0xFFFFFFFF  }
0xa5: {  	s26 =	simm.s32 $execute0_lowered;
	[smem:$0x3FD2] =	sst s25  }
0xa6: {  	s5 =	sshll.u32 s26, $0x1;
	_ =	strace $0x80000046;
	[dreg:$0x1] =	wrdreg $0xFFFFFFFF  }
0xa7: {  	s28 =	simm.s32 $_size_execute0_lowered;
	s3 =	sadd.s32 s3, s5;
	[dreg:$0x0] =	wrdreg $0x0  }
0xa8: {  	s5 =	sshll.u32 s28, $0x1;
	[dreg:$0x2] =	wrdreg s3  }
0xa9: {  	[dreg:$0x3] =	wrdreg s5  }
0xaa: {  	[dreg:$0x4] =	wrdreg $0xC0  }
0xab: {  	_ =	task [dreg:s7], $0x5FFFF  }
0xac: {  	[dreg:$0x1] =	wrdreg $0xFFFFFFFF  }
0xad: {  	[dreg:$0x0] =	wrdreg $0x60  }
0xae: {  	[dreg:$0x2] =	wrdreg s24  }
0xaf: {  	[dreg:$0x3] =	wrdreg s2  }
0xb0: {  	[dreg:$0x4] =	wrdreg $0x9  }
0xb1: {  	_ =	task.clear_ibuf [dreg:s7], $0x5FFFF;
	_ =	strace $0x90000046  }
0xb2: {  	s29 =	simm.s32 $0x9;
	_ =	strace $0x8000004F  }
0xb3: {  	_ =	swait.ge [sflag:s29], $0x1  }
0xb4: {  	[sflag:s29] =	ssyncadd.s32 $0xFFFFFFFF  }
0xb5: {  	_ =	strace $0x9000004F  }
0xb6: {  	_ =	sfence  }
0xb7: {  	s30 =	sld [smem:$0x0];
	_ =	sdelay $0x2  }
0xb8: {  	s31 =	sshll.u32 s1, $0xD;
	s1 =	sshrl.u32 s1, $0x2  }
0xb9: {  	s3 =	sand.u32 $0x4000, s31;
	s1 =	sadd.s32 s1, s30  }
0xba: {  	s0 =	sor.u32 s3, s0;
	s1 =	sshll.u32 s1, $0x11  }
0xbb: {  	s0 =	sor.u32 s1, s0  }
0xbc: {  	s0 =	sadd.s32 $0x8F2B, s0  }
0xbd: {  	[sflag:s0] =	ssyncadd.remote.s32 $0x1  }
0xbe: {  	_ =	sfence.sel $0xFFFF  }
0xbf: {  	[dreg:$0x0] =	wrdreg $0xFFFFFFFF;
	(pc) =	sbr.abs _section_cstart, $3  }
0xc0: {  	[dreg:$0x1] =	wrdreg $0xFFFFFFFF  }
0xc1: {  	_ =	task.clear_ibuf [dreg:s7], $0x2FFFF;
	_ =	strace $0x9FFFFFFF  }
0xc2: {  	(tm) =	ssettm $0x7FFFFFFF  }
0xc3: {  	_ =	shalt  }
tec
execute0_lowered:
.L_overlay_start_1:
0x0: {  	(tag) =	ssettag $0x1  }
0x1: {  	s0 =	rddreg [dreg:$0x0]  }
0x2: {  	s4 =	rddreg [dreg:$0x1];
	s1 =	srdreg.scid  }
0x3: {  	s2 =	simm.s32 $0x0;
	s3 =	stileid.u32;
	s1 =	sand.u32 $0x1, s1  }
0x4: {  	[smem:$0x7FF] =	sst s2;
	s3 =	sshll.u32 s3, $0x9;
	s28 =	sadd.s32 $0x600, s0  }
0x5: {  	s0 =	sadd.s32 $0xE00, s0;
	s26 =	sshll.u32 s1, $0xD;
	_ =	strace $0x80000047  }
0x6: {  	s1 =	ssub.s32 $0x2, s1;
	[dreg:$0xf] =	wrdreg s28;
	s3 =	sor.u32 s3, s26  }
0x7: {  	s29 =	sshrl.u32 s1, $0x1;
	[dreg:$0xe] =	wrdreg s3;
	s3 =	sshll.u32 s3, $0x5  }
0x8: {  	[dreg:$0x10] =	wrdreg s0;
	s30 =	ssub.s32 s1, s29;
	s31 =	sadd.s32 s4, s3  }
0x9: {  	s0 =	smax.u32 s30, $0x1;
	[dreg:$0x11] =	wrdreg s31  }
0xa: {  	s1 =	simm.s32 $0x0;
	[dreg:$0x12] =	wrdreg s0  }
.LBB2_1:
0xb: {  	[dreg:$0x13] =	wrdreg s1  }
0xc: {  	s0 =	simm.s32 $0x0;
	s28 =	rddreg [dreg:$0xf];
	s29 =	simm.s32 $0x1  }
0xd: {  	[tilespmem:s0], [sflag:$0x1] =	stream.linear.gather [hbm4b:s28+s0], $0x3200, $0x38;
	[tilespmem:$0x9800] =	vst v63  }
0xe: {  	_ =	swait.ge [sflag:s29], $0x3200  }
0xf: {  	s31 =	simm.s32 $0x80;
	[sflag:s29] =	ssyncset.done $0x0  }
0x10: {  	s2 =	simm.s32 $0x400;
	s3 =	simm.s32 $0x3200;
	[sflag:s29] =	ssyncadd.s32 $0xFFFFCE00  }
0x11: {  	s5 =	simm.s32 $0x0;
	s6 =	simm.s32 $0x0;
	_ =	strace $0x80000048  }
0x12: {  	s4 =	simm.s32 $0x0;
	s0 =	simm.s32 $0x0;
	s30 =	rddreg [dreg:$0x11]  }
0x13: {  	[tilespmem:s3], [sflag:$0x1] =	stream.strided.gather [hbm4b:s30+s31], $0x100, s2, s31, $0x200038;
	[tilespmem:$0x9800] =	vst v63  }
0x14: {  	s2 =	simm.s32 $0x0;
	s3 =	simm.s32 $0x1;
	_ =	strace $0x90000048  }
.LBB2_2:
0x15: {  	s1 =	sadd.s32 $0x1, s0  }
0x16: {  	[dreg:$0x1a] =	wrdreg s0;
	p0 =	seq.s32 s1, $0x200  }
0x17: {  	[dreg:$0x14] =	wrdreg s2;
	s1 =	simm.s32 @p0 $0x0  }
0x18: {  	[dreg:$0x18] =	wrdreg s4;
	p6 =	sne.s32 s4, $0x1FF;
	p1 =	sne.s32 s0, s1  }
0x19: {  	[dreg:$0x17] =	wrdreg s3;
	p0 =	por !p6, !p1  }
0x1a: {  	s0 =	rddreg [dreg:$0xe];
	p0 =	por !p0, !p0  }
0x1b: {  	[dreg:$0x19] =	wrdreg s1;
	s0 =	sadd.s32 @p0 s0, s1  }
0x1c: {  	s1 =	sshll.u32 @p0 s1, $0x7;
	s2 =	sand.u32 @p0 $0x1, s3;
	s0 =	sshll.u32 @p0 s0, $0x8  }
0x1d: {  	_ =	strace @p0 $0x80000049;
	s1 =	sand.u32 @p0 $0x380, s1;
	s0 =	sand.u32 @p0 $0xFFFFF800, s0  }
0x1e: {  	s4 =	simm.s32 @p0 $0x400;
	s3 =	rddreg [dreg:$0x1];
	s0 =	sor.u32 @p0 s1, s0  }
0x1f: {  	s1 =	sshll.u32 @p0 s2, $0x8;
	s2 =	sadd.s32 @p0 $0x1, s2;
	s0 =	sshrl.u32 @p0 s0, $0x3  }
0x20: {  	s1 =	sor.u32 @p0 $0x3200, s1;
	s0 =	sadd.s32 @p0 s3, s0;
	s3 =	simm.s32 @p0 $0x80  }
0x21: {  	[tilespmem:s1], [sflag:s2] =	stream.strided.gather @p0 [hbm4b:s0+s3], $0x100, s4, s3, $0x200038;
	[tilespmem:$0x9800] =	vst v63  }
0x22: {  	s3 =	sand.u32 $0x1, s6;
	_ =	strace @p0 $0x90000049;
	[dreg:$0x16] =	wrdreg s6  }
0x23: {  	s4 =	sadd.s32 $0x1, s3;
	_ =	strace $0x8000004A  }
0x24: {  	_ =	swait.ge [sflag:s4], $0x100  }
0x25: {  	[sflag:s4] =	ssyncset.done $0x0  }
0x26: {  	[sflag:s4] =	ssyncadd.s32 $0xFFFFFF00  }
0x27: {  	s0 =	sshll.u32 s3, $0x8;
	_ =	strace $0x9000004A  }
0x28: {  	_ =	strace $0x8000004B;
	[dreg:$0x1c] =	wrdreg s0  }
0x29: {  	s6 =	sor.u32 $0x3210, s0;
	[dreg:$0x15] =	wrdreg s5  }
0x2a: {  	s15 =	sand.u32 $0x1, s5;
	v0 =	vld [tilespmem:s6+$0x0]  }
0x2b: {  	s0 =	smul.u32 $0xC800, s15;
	_ =	sdelay $0x1  }
0x2c: {  	s0 =	sshrl.u32 s0, $0x2  }
0x2d: {  	s31 =	sadd.s32 $0x3400, s0  }
0x2e: {  	v1 =	vadd.s32 s31, v0  }
0x2f: {  	(v2sf) =	vpush v1, $0x0  }
0x30: {  	[dreg:$0x1b] =	wrdreg s15  }
0x31: {  	v0 =	vld [tilespmem:s6+$0xFFFFFFF0];
	_ =	sdelay $0x4  }
0x32: {  	v0 =	vadd.s32 s31, v0  }
0x33: {  	(v2sf) =	vpush v0, $0x0  }
0x34: {  	(v2sf) =	vpush v0, $0x1  }
0x35: {  	s29 =	simm.s32 $0x400;
	(v2sf) =	vpush v0, $0x2  }
0x36: {  	v2 =	vld [tilespmem:s29+$0x0];
	(v2sf) =	vpush v0, $0x3  }
0x37: {  	(v2sf) =	vpush v0, $0x4  }
0x38: {  	(v2sf) =	vpush v0, $0x5  }
0x39: {  	(v2sf) =	vpush v0, $0x6  }
0x3a: {  	(v2sf) =	vpush v0, $0x7;
	s16 =	spop (v2sf)  }
0x3b: {  	(v2sf) =	vpush v0, $0x8;
	[tilespmem:s16+$0x0] =	vst v2  }
0x3c: {  	(v2sf) =	vpush v0, $0x9;
	v2 =	vld [tilespmem:s29+$0x10]  }
0x3d: {  	(v2sf) =	vpush v0, $0xA  }
0x3e: {  	(v2sf) =	vpush v0, $0xB  }
0x3f: {  	(v2sf) =	vpush v0, $0xC  }
0x40: {  	(v2sf) =	vpush v0, $0xD  }
0x41: {  	(v2sf) =	vpush v0, $0xE;
	[tilespmem:s16+$0x10] =	vst v2  }
0x42: {  	s12 =	spop (v2sf);
	(v2sf) =	vpush v0, $0xF;
	v0 =	vld [tilespmem:s29+$0x20]  }
0x43: {  	s13 =	spop (v2sf);
	(v2sf) =	vpush v1, $0x1  }
0x44: {  	v2 =	vld [tilespmem:s29+$0xFFFFFC00];
	s10 =	spop (v2sf)  }
0x45: {  	s8 =	spop (v2sf)  }
0x46: {  	s18 =	spop (v2sf)  }
0x47: {  	s17 =	spop (v2sf);
	[tilespmem:s16+$0x20] =	vst v0  }
0x48: {  	s15 =	spop (v2sf);
	v0 =	vld [tilespmem:s29+$0x30]  }
0x49: {  	[tilespmem:s12+$0x0] =	vst v2;
	s11 =	spop (v2sf)  }
0x4a: {  	v2 =	vld [tilespmem:s29+$0xFFFFFC10];
	s9 =	spop (v2sf)  }
0x4b: {  	s1 =	spop (v2sf)  }
0x4c: {  	s0 =	spop (v2sf)  }
0x4d: {  	s7 =	spop (v2sf);
	[tilespmem:s16+$0x30] =	vst v0  }
0x4e: {  	s5 =	spop (v2sf);
	v0 =	vld [tilespmem:s29+$0x40]  }
0x4f: {  	[tilespmem:s12+$0x10] =	vst v2;
	s3 =	spop (v2sf)  }
0x50: {  	v2 =	vld [tilespmem:s29+$0xFFFFFC20];
	s2 =	spop (v2sf)  }
0x51: {  	s14 =	spop (v2sf)  }
0x52: {  	[smem:$0x7FC] =	sst s14;
	s19 =	spop (v2sf)  }
0x53: {  	[tilespmem:s19+$0x0] =	vst v0  }
0x54: {  	v0 =	vld [tilespmem:s29+$0x50]  }
0x55: {  	[tilespmem:s12+$0x20] =	vst v2  }
0x56: {  	v2 =	vld [tilespmem:s29+$0xFFFFFC30];
	_ =	sdelay $0x2  }
0x57: {  	[tilespmem:s19+$0x10] =	vst v0  }
0x58: {  	v0 =	vld [tilespmem:s29+$0x60]  }
0x59: {  	(v2sf) =	vpush v1, $0x2;
	[tilespmem:s12+$0x30] =	vst v2  }
0x5a: {  	v2 =	vld [tilespmem:s29+$0xFFFFFC40];
	_ =	sdelay $0x2  }
0x5b: {  	[tilespmem:s19+$0x20] =	vst v0  }
0x5c: {  	v0 =	vld [tilespmem:s29+$0x70]  }
0x5d: {  	[tilespmem:s13+$0x0] =	vst v2  }
0x5e: {  	v2 =	vld [tilespmem:s29+$0xFFFFFC50];
	_ =	sdelay $0x2  }
0x5f: {  	[tilespmem:s19+$0x30] =	vst v0  }
0x60: {  	v0 =	vld [tilespmem:s29+$0x80]  }
0x61: {  	[tilespmem:s13+$0x10] =	vst v2  }
0x62: {  	v2 =	vld [tilespmem:s29+$0xFFFFFC60];
	_ =	sdelay $0x1  }
0x63: {  	s20 =	spop (v2sf)  }
0x64: {  	[tilespmem:s20+$0x0] =	vst v0  }
0x65: {  	v0 =	vld [tilespmem:s29+$0x90]  }
0x66: {  	[tilespmem:s13+$0x20] =	vst v2  }
0x67: {  	v2 =	vld [tilespmem:s29+$0xFFFFFC70];
	_ =	sdelay $0x2  }
0x68: {  	[tilespmem:s20+$0x10] =	vst v0  }
0x69: {  	v0 =	vld [tilespmem:s29+$0xA0]  }
0x6a: {  	(v2sf) =	vpush v1, $0x3;
	[tilespmem:s13+$0x30] =	vst v2  }
0x6b: {  	v2 =	vld [tilespmem:s29+$0xFFFFFC80];
	_ =	sdelay $0x2  }
0x6c: {  	[tilespmem:s20+$0x20] =	vst v0  }
0x6d: {  	v0 =	vld [tilespmem:s29+$0xB0]  }
0x6e: {  	[tilespmem:s10+$0x0] =	vst v2  }
0x6f: {  	v2 =	vld [tilespmem:s29+$0xFFFFFC90];
	_ =	sdelay $0x2  }
0x70: {  	[tilespmem:s20+$0x30] =	vst v0  }
0x71: {  	v0 =	vld [tilespmem:s29+$0xC0]  }
0x72: {  	[tilespmem:s10+$0x10] =	vst v2  }
0x73: {  	v2 =	vld [tilespmem:s29+$0xFFFFFCA0];
	_ =	sdelay $0x1  }
0x74: {  	s21 =	spop (v2sf)  }
0x75: {  	[tilespmem:s21+$0x0] =	vst v0  }
0x76: {  	v0 =	vld [tilespmem:s29+$0xD0]  }
0x77: {  	[tilespmem:s10+$0x20] =	vst v2  }
0x78: {  	v2 =	vld [tilespmem:s29+$0xFFFFFCB0];
	_ =	sdelay $0x2  }
0x79: {  	[tilespmem:s21+$0x10] =	vst v0  }
0x7a: {  	v0 =	vld [tilespmem:s29+$0xE0]  }
0x7b: {  	(v2sf) =	vpush v1, $0x4;
	[tilespmem:s10+$0x30] =	vst v2  }
0x7c: {  	v2 =	vld [tilespmem:s29+$0xFFFFFCC0];
	_ =	sdelay $0x2  }
0x7d: {  	[tilespmem:s21+$0x20] =	vst v0  }
0x7e: {  	v0 =	vld [tilespmem:s29+$0xF0]  }
0x7f: {  	[tilespmem:s8+$0x0] =	vst v2  }
0x80: {  	v2 =	vld [tilespmem:s29+$0xFFFFFCD0];
	_ =	sdelay $0x2  }
0x81: {  	[tilespmem:s21+$0x30] =	vst v0  }
0x82: {  	v0 =	vld [tilespmem:s29+$0x100]  }
0x83: {  	[tilespmem:s8+$0x10] =	vst v2  }
0x84: {  	v2 =	vld [tilespmem:s29+$0xFFFFFCE0];
	_ =	sdelay $0x1  }
0x85: {  	s22 =	spop (v2sf)  }
0x86: {  	[tilespmem:s22+$0x0] =	vst v0  }
0x87: {  	v0 =	vld [tilespmem:s29+$0x110]  }
0x88: {  	[tilespmem:s8+$0x20] =	vst v2  }
0x89: {  	v2 =	vld [tilespmem:s29+$0xFFFFFCF0];
	_ =	sdelay $0x2  }
0x8a: {  	[tilespmem:s22+$0x10] =	vst v0  }
0x8b: {  	v0 =	vld [tilespmem:s29+$0x120]  }
0x8c: {  	(v2sf) =	vpush v1, $0x5;
	[tilespmem:s8+$0x30] =	vst v2  }
0x8d: {  	v2 =	vld [tilespmem:s29+$0xFFFFFD00]  }
0x8e: {  	s13 =	sadd.s32 $0x20, s6  }
0x8f: {  	v3 =	vld [tilespmem:s13+$0x0]  }
0x90: {  	[tilespmem:s22+$0x20] =	vst v0  }
0x91: {  	v0 =	vld [tilespmem:s29+$0x130]  }
0x92: {  	v4 =	vld [tilespmem:s13+$0xFFFFFFF0];
	[tilespmem:s18+$0x0] =	vst v2  }
0x93: {  	v2 =	vld [tilespmem:s29+$0xFFFFFD10]  }
0x94: {  	v3 =	vadd.s32 s31, v3  }
0x95: {  	(v2sf) =	vpush v3, $0x0  }
0x96: {  	[tilespmem:s22+$0x30] =	vst v0  }
0x97: {  	v0 =	vld [tilespmem:s29+$0x140]  }
0x98: {  	[tilespmem:s18+$0x10] =	vst v2;
	v2 =	vadd.s32 s31, v4  }
0x99: {  	v4 =	vld [tilespmem:s29+$0xFFFFFD20];
	(v2sf) =	vpush v2, $0x0  }
0x9a: {  	(v2sf) =	vpush v2, $0x1  }
0x9b: {  	s23 =	spop (v2sf);
	(v2sf) =	vpush v2, $0x2  }
0x9c: {  	(v2sf) =	vpush v2, $0x3;
	[tilespmem:s23+$0x0] =	vst v0  }
0x9d: {  	(v2sf) =	vpush v2, $0x4;
	v0 =	vld [tilespmem:s29+$0x150]  }
0x9e: {  	[tilespmem:s18+$0x20] =	vst v4;
	(v2sf) =	vpush v2, $0x5  }
0x9f: {  	s26 =	simm.s32 $0xC00;
	v4 =	vld [tilespmem:s29+$0xFFFFFD30];
	(v2sf) =	vpush v2, $0x6  }
0xa0: {  	v5 =	vld [tilespmem:s26+$0x0];
	(v2sf) =	vpush v2, $0x7  }
0xa1: {  	(v2sf) =	vpush v2, $0x8  }
0xa2: {  	(v2sf) =	vpush v2, $0x9;
	[tilespmem:s23+$0x10] =	vst v0  }
0xa3: {  	(v2sf) =	vpush v2, $0xA;
	v0 =	vld [tilespmem:s29+$0x160]  }
0xa4: {  	s21 =	spop (v2sf);
	[tilespmem:s18+$0x30] =	vst v4;
	v4 =	vld [tilespmem:s26+$0xFFFFFC00];
	(v2sf) =	vpush v1, $0x6  }
0xa5: {  	[tilespmem:s21+$0x0] =	vst v5;
	v6 =	vld [tilespmem:s29+$0xFFFFFD40]  }
0xa6: {  	v5 =	vld [tilespmem:s26+$0x10];
	_ =	sdelay $0x1  }
0xa7: {  	(v2sf) =	vpush v2, $0xB;
	s22 =	spop (v2sf);
	[tilespmem:s23+$0x20] =	vst v0  }
0xa8: {  	(v2sf) =	vpush v2, $0xC;
	s20 =	spop (v2sf);
	[tilespmem:s22+$0x0] =	vst v4;
	v0 =	vld [tilespmem:s29+$0x170]  }
0xa9: {  	(v2sf) =	vpush v2, $0xD;
	[tilespmem:s17+$0x0] =	vst v6;
	v4 =	vld [tilespmem:s26+$0xFFFFFC10];
	s19 =	spop (v2sf)  }
0xaa: {  	[tilespmem:s21+$0x10] =	vst v5;
	(v2sf) =	vpush v2, $0xE;
	v6 =	vld [tilespmem:s29+$0xFFFFFD50];
	s18 =	spop (v2sf)  }
0xab: {  	(v2sf) =	vpush v2, $0xF;
	v2 =	vld [tilespmem:s26+$0x20];
	s16 =	spop (v2sf)  }
0xac: {  	s10 =	spop (v2sf)  }
0xad: {  	s14 =	spop (v2sf);
	[tilespmem:s23+$0x30] =	vst v0  }
0xae: {  	(v2sf) =	vpush v3, $0x1;
	[tilespmem:s22+$0x10] =	vst v4;
	s12 =	spop (v2sf);
	v0 =	vld [tilespmem:s29+$0x180]  }
0xaf: {  	[tilespmem:s17+$0x10] =	vst v6;
	v4 =	vld [tilespmem:s26+$0xFFFFFC20];
	s8 =	spop (v2sf)  }
0xb0: {  	[tilespmem:s21+$0x20] =	vst v2;
	v5 =	vld [tilespmem:s29+$0xFFFFFD60];
	s6 =	spop (v2sf)  }
0xb1: {  	v2 =	vld [tilespmem:s26+$0x30];
	s4 =	spop (v2sf)  }
0xb2: {  	s23 =	spop (v2sf)  }
0xb3: {  	[tilespmem:s23+$0x0] =	vst v0  }
0xb4: {  	[tilespmem:s22+$0x20] =	vst v4;
	v0 =	vld [tilespmem:s29+$0x190]  }
0xb5: {  	[tilespmem:s17+$0x20] =	vst v5  }
0xb6: {  	s24 =	spop (v2sf);
	v4 =	vld [tilespmem:s26+$0xFFFFFC30];
	[tilespmem:s21+$0x30] =	vst v2  }
0xb7: {  	v5 =	vld [tilespmem:s29+$0xFFFFFD70];
	s25 =	spop (v2sf);
	[smem:$0x7FD] =	sst s24  }
0xb8: {  	v2 =	vld [tilespmem:s26+$0x40];
	[dreg:$0x1f] =	wrdreg s25  }
0xb9: {  	s28 =	spop (v2sf);
	[tilespmem:s23+$0x10] =	vst v0  }
0xba: {  	[dreg:$0x1e] =	wrdreg s28  }
0xbb: {  	s28 =	spop (v2sf);
	[tilespmem:s22+$0x30] =	vst v4;
	v0 =	vld [tilespmem:s29+$0x1A0]  }
0xbc: {  	(v2sf) =	vpush v1, $0x7;
	[tilespmem:s17+$0x30] =	vst v5;
	s22 =	spop (v2sf);
	v4 =	vld [tilespmem:s26+$0xFFFFFC40]  }
0xbd: {  	[dreg:$0x4] =	wrdreg s22;
	s24 =	spop (v2sf)  }
0xbe: {  	v5 =	vld [tilespmem:s29+$0xFFFFFD80];
	[tilespmem:s24+$0x0] =	vst v2  }
0xbf: {  	v2 =	vld [tilespmem:s26+$0x50]  }
0xc0: {  	[tilespmem:s23+$0x20] =	vst v0  }
0xc1: {  	[tilespmem:s20+$0x0] =	vst v4;
	v0 =	vld [tilespmem:s29+$0x1B0]  }
0xc2: {  	v4 =	vld [tilespmem:s26+$0xFFFFFC50]  }
0xc3: {  	[tilespmem:s15+$0x0] =	vst v5  }
0xc4: {  	v5 =	vld [tilespmem:s29+$0xFFFFFD90];
	[tilespmem:s24+$0x10] =	vst v2  }
0xc5: {  	v2 =	vld [tilespmem:s26+$0x60]  }
0xc6: {  	(v2sf) =	vpush v3, $0x2;
	[tilespmem:s23+$0x30] =	vst v0  }
0xc7: {  	[tilespmem:s20+$0x10] =	vst v4;
	v0 =	vld [tilespmem:s29+$0x1C0]  }
0xc8: {  	v4 =	vld [tilespmem:s26+$0xFFFFFC60]  }
0xc9: {  	[tilespmem:s15+$0x10] =	vst v5  }
0xca: {  	v5 =	vld [tilespmem:s29+$0xFFFFFDA0];
	[tilespmem:s24+$0x20] =	vst v2  }
0xcb: {  	s25 =	spop (v2sf);
	v2 =	vld [tilespmem:s26+$0x70]  }
0xcc: {  	[tilespmem:s25+$0x0] =	vst v0  }
0xcd: {  	[tilespmem:s20+$0x20] =	vst v4;
	v0 =	vld [tilespmem:s29+$0x1D0]  }
0xce: {  	v4 =	vld [tilespmem:s26+$0xFFFFFC70]  }
0xcf: {  	[tilespmem:s15+$0x20] =	vst v5  }
0xd0: {  	v5 =	vld [tilespmem:s29+$0xFFFFFDB0];
	[tilespmem:s24+$0x30] =	vst v2  }
0xd1: {  	v2 =	vld [tilespmem:s26+$0x80]  }
0xd2: {  	[tilespmem:s25+$0x10] =	vst v0  }
0xd3: {  	[tilespmem:s20+$0x30] =	vst v4;
	v0 =	vld [tilespmem:s29+$0x1E0]  }
0xd4: {  	(v2sf) =	vpush v1, $0x8;
	v4 =	vld [tilespmem:s26+$0xFFFFFC80]  }
0xd5: {  	s22 =	spop (v2sf);
	[tilespmem:s15+$0x30] =	vst v5  }
0xd6: {  	v5 =	vld [tilespmem:s29+$0xFFFFFDC0];
	[tilespmem:s22+$0x0] =	vst v2  }
0xd7: {  	v2 =	vld [tilespmem:s26+$0x90]  }
0xd8: {  	[tilespmem:s25+$0x20] =	vst v0  }
0xd9: {  	[tilespmem:s19+$0x0] =	vst v4;
	v0 =	vld [tilespmem:s29+$0x1F0]  }
0xda: {  	v4 =	vld [tilespmem:s26+$0xFFFFFC90]  }
0xdb: {  	[tilespmem:s11+$0x0] =	vst v5  }
0xdc: {  	v5 =	vld [tilespmem:s29+$0xFFFFFDD0];
	[tilespmem:s22+$0x10] =	vst v2  }
0xdd: {  	v2 =	vld [tilespmem:s26+$0xA0]  }
0xde: {  	(v2sf) =	vpush v3, $0x3;
	[tilespmem:s25+$0x30] =	vst v0  }
0xdf: {  	[tilespmem:s19+$0x10] =	vst v4;
	v0 =	vld [tilespmem:s29+$0x200]  }
0xe0: {  	v4 =	vld [tilespmem:s26+$0xFFFFFCA0]  }
0xe1: {  	[tilespmem:s11+$0x10] =	vst v5  }
0xe2: {  	v5 =	vld [tilespmem:s29+$0xFFFFFDE0];
	[tilespmem:s22+$0x20] =	vst v2  }
0xe3: {  	s23 =	spop (v2sf);
	v2 =	vld [tilespmem:s26+$0xB0]  }
0xe4: {  	[tilespmem:s23+$0x0] =	vst v0  }
0xe5: {  	[tilespmem:s19+$0x20] =	vst v4;
	v0 =	vld [tilespmem:s29+$0x210]  }
0xe6: {  	v4 =	vld [tilespmem:s26+$0xFFFFFCB0]  }
0xe7: {  	[tilespmem:s11+$0x20] =	vst v5  }
0xe8: {  	v5 =	vld [tilespmem:s29+$0xFFFFFDF0];
	[tilespmem:s22+$0x30] =	vst v2  }
0xe9: {  	v2 =	vld [tilespmem:s26+$0xC0]  }
0xea: {  	[tilespmem:s23+$0x10] =	vst v0  }
0xeb: {  	[tilespmem:s19+$0x30] =	vst v4;
	v0 =	vld [tilespmem:s29+$0x220]  }
0xec: {  	(v2sf) =	vpush v1, $0x9;
	v4 =	vld [tilespmem:s26+$0xFFFFFCC0]  }
0xed: {  	s24 =	spop (v2sf);
	[tilespmem:s11+$0x30] =	vst v5  }
0xee: {  	v5 =	vld [tilespmem:s29+$0xFFFFFE00];
	[tilespmem:s24+$0x0] =	vst v2  }
0xef: {  	v2 =	vld [tilespmem:s26+$0xD0]  }
0xf0: {  	[tilespmem:s23+$0x20] =	vst v0  }
0xf1: {  	[tilespmem:s18+$0x0] =	vst v4;
	v0 =	vld [tilespmem:s29+$0x230]  }
0xf2: {  	v4 =	vld [tilespmem:s26+$0xFFFFFCD0]  }
0xf3: {  	[tilespmem:s9+$0x0] =	vst v5  }
0xf4: {  	v5 =	vld [tilespmem:s29+$0xFFFFFE10];
	[tilespmem:s24+$0x10] =	vst v2  }
0xf5: {  	v2 =	vld [tilespmem:s26+$0xE0]  }
0xf6: {  	(v2sf) =	vpush v3, $0x4;
	[tilespmem:s23+$0x30] =	vst v0  }
0xf7: {  	[tilespmem:s18+$0x10] =	vst v4;
	v0 =	vld [tilespmem:s29+$0x240]  }
0xf8: {  	v4 =	vld [tilespmem:s26+$0xFFFFFCE0]  }
0xf9: {  	[tilespmem:s9+$0x10] =	vst v5  }
0xfa: {  	v5 =	vld [tilespmem:s29+$0xFFFFFE20];
	[tilespmem:s24+$0x20] =	vst v2  }
0xfb: {  	s25 =	spop (v2sf);
	v2 =	vld [tilespmem:s26+$0xF0]  }
0xfc: {  	[tilespmem:s25+$0x0] =	vst v0  }
0xfd: {  	[tilespmem:s18+$0x20] =	vst v4;
	v0 =	vld [tilespmem:s29+$0x250]  }
0xfe: {  	v4 =	vld [tilespmem:s26+$0xFFFFFCF0]  }
0xff: {  	[tilespmem:s9+$0x20] =	vst v5  }
0x100: {  	v5 =	vld [tilespmem:s29+$0xFFFFFE30];
	[tilespmem:s24+$0x30] =	vst v2  }
0x101: {  	v2 =	vld [tilespmem:s26+$0x100]  }
0x102: {  	[tilespmem:s25+$0x10] =	vst v0  }
0x103: {  	[tilespmem:s18+$0x30] =	vst v4;
	v0 =	vld [tilespmem:s29+$0x260]  }
0x104: {  	(v2sf) =	vpush v1, $0xA;
	v4 =	vld [tilespmem:s26+$0xFFFFFD00]  }
0x105: {  	s11 =	spop (v2sf);
	[tilespmem:s9+$0x30] =	vst v5  }
0x106: {  	v5 =	vld [tilespmem:s29+$0xFFFFFE40];
	[tilespmem:s11+$0x0] =	vst v2  }
0x107: {  	v2 =	vld [tilespmem:s26+$0x110]  }
0x108: {  	[tilespmem:s25+$0x20] =	vst v0  }
0x109: {  	[tilespmem:s16+$0x0] =	vst v4;
	v0 =	vld [tilespmem:s29+$0x270]  }
0x10a: {  	v4 =	vld [tilespmem:s26+$0xFFFFFD10]  }
0x10b: {  	[tilespmem:s1+$0x0] =	vst v5  }
0x10c: {  	v5 =	vld [tilespmem:s29+$0xFFFFFE50];
	[tilespmem:s11+$0x10] =	vst v2  }
0x10d: {  	v2 =	vld [tilespmem:s26+$0x120]  }
0x10e: {  	(v2sf) =	vpush v3, $0x5;
	[tilespmem:s25+$0x30] =	vst v0  }
0x10f: {  	[tilespmem:s16+$0x10] =	vst v4;
	v0 =	vld [tilespmem:s29+$0x280]  }
0x110: {  	s15 =	sadd.s32 $0x20, s13;
	v4 =	vld [tilespmem:s26+$0xFFFFFD20]  }
0x111: {  	v6 =	vld [tilespmem:s15+$0x0];
	[tilespmem:s1+$0x10] =	vst v5  }
0x112: {  	v5 =	vld [tilespmem:s29+$0xFFFFFE60];
	[tilespmem:s11+$0x20] =	vst v2  }
0x113: {  	s17 =	spop (v2sf);
	v2 =	vld [tilespmem:s26+$0x130]  }
0x114: {  	v7 =	vld [tilespmem:s15+$0xFFFFFFF0];
	[tilespmem:s17+$0x0] =	vst v0  }
0x115: {  	[tilespmem:s16+$0x20] =	vst v4;
	v4 =	vld [tilespmem:s29+$0x290]  }
0x116: {  	v8 =	vld [tilespmem:s26+$0xFFFFFD30]  }
0x117: {  	v0 =	vadd.s32 s31, v6;
	[tilespmem:s1+$0x20] =	vst v5  }
0x118: {  	(v2sf) =	vpush v0, $0x0;
	[tilespmem:s11+$0x30] =	vst v2;
	v2 =	vld [tilespmem:s29+$0xFFFFFE70]  }
0x119: {  	v5 =	vadd.s32 s31, v7;
	v6 =	vld [tilespmem:s26+$0x140]  }
0x11a: {  	(v2sf) =	vpush v5, $0x0;
	[tilespmem:s17+$0x10] =	vst v4  }
0x11b: {  	(v2sf) =	vpush v5, $0x1;
	[tilespmem:s16+$0x30] =	vst v8;
	v4 =	vld [tilespmem:s29+$0x2A0]  }
0x11c: {  	(v2sf) =	vpush v1, $0xB;
	v7 =	vld [tilespmem:s26+$0xFFFFFD40]  }
0x11d: {  	s18 =	spop (v2sf);
	(v2sf) =	vpush v5, $0x2;
	[tilespmem:s1+$0x30] =	vst v2  }
0x11e: {  	(v2sf) =	vpush v5, $0x3;
	v2 =	vld [tilespmem:s29+$0xFFFFFE80];
	[tilespmem:s18+$0x0] =	vst v6  }
0x11f: {  	(v2sf) =	vpush v5, $0x4;
	v6 =	vld [tilespmem:s26+$0x150]  }
0x120: {  	(v2sf) =	vpush v5, $0x5;
	[tilespmem:s17+$0x20] =	vst v4  }
0x121: {  	(v2sf) =	vpush v5, $0x6;
	[tilespmem:s10+$0x0] =	vst v7;
	v4 =	vld [tilespmem:s29+$0x2B0]  }
0x122: {  	s30 =	simm.s32 $0x1400;
	(v2sf) =	vpush v5, $0x7;
	v7 =	vld [tilespmem:s26+$0xFFFFFD50]  }
0x123: {  	(v2sf) =	vpush v5, $0x8;
	[tilespmem:s0+$0x0] =	vst v2;
	v2 =	vld [tilespmem:s30+$0x0]  }
0x124: {  	(v2sf) =	vpush v5, $0x9;
	v8 =	vld [tilespmem:s29+$0xFFFFFE90];
	[tilespmem:s18+$0x10] =	vst v6  }
0x125: {  	(v2sf) =	vpush v5, $0xA;
	v6 =	vld [tilespmem:s26+$0x160]  }
0x126: {  	(v2sf) =	vpush v3, $0x6;
	[tilespmem:s17+$0x30] =	vst v4;
	v4 =	vld [tilespmem:s30+$0xFFFFFC00]  }
0x127: {  	s19 =	spop (v2sf);
	[tilespmem:s10+$0x10] =	vst v7;
	v7 =	vld [tilespmem:s29+$0x2C0]  }
0x128: {  	[tilespmem:s19+$0x0] =	vst v2;
	v2 =	vld [tilespmem:s26+$0xFFFFFD60]  }
0x129: {  	s24 =	spop (v2sf);
	[tilespmem:s0+$0x10] =	vst v8;
	v8 =	vld [tilespmem:s30+$0x10]  }
0x12a: {  	s23 =	spop (v2sf);
	v9 =	vld [tilespmem:s29+$0xFFFFFEA0];
	[tilespmem:s18+$0x20] =	vst v6  }
0x12b: {  	(v2sf) =	vpush v5, $0xB;
	s25 =	spop (v2sf);
	[tilespmem:s24+$0x0] =	vst v4;
	v4 =	vld [tilespmem:s26+$0x170]  }
0x12c: {  	(v2sf) =	vpush v5, $0xC;
	s21 =	spop (v2sf);
	v6 =	vld [tilespmem:s30+$0xFFFFFC10];
	[tilespmem:s25+$0x0] =	vst v7  }
0x12d: {  	(v2sf) =	vpush v5, $0xD;
	s17 =	spop (v2sf);
	[tilespmem:s10+$0x20] =	vst v2;
	v2 =	vld [tilespmem:s29+$0x2D0]  }
0x12e: {  	(v2sf) =	vpush v5, $0xE;
	s22 =	spop (v2sf);
	[tilespmem:s19+$0x10] =	vst v8;
	v7 =	vld [tilespmem:s26+$0xFFFFFD70]  }
0x12f: {  	(v2sf) =	vpush v5, $0xF;
	s13 =	spop (v2sf);
	v5 =	vld [tilespmem:s30+$0x20];
	[tilespmem:s0+$0x20] =	vst v9  }
0x130: {  	s16 =	spop (v2sf);
	[tilespmem:s18+$0x30] =	vst v4;
	v4 =	vld [tilespmem:s29+$0xFFFFFEB0]  }
0x131: {  	s18 =	spop (v2sf);
	[tilespmem:s24+$0x10] =	vst v6;
	v6 =	vld [tilespmem:s26+$0x180]  }
0x132: {  	s1 =	smov.u32 s28;
	s28 =	spop (v2sf);
	v8 =	vld [tilespmem:s30+$0xFFFFFC20];
	[tilespmem:s25+$0x10] =	vst v2  }
0x133: {  	(v2sf) =	vpush v0, $0x1;
	s20 =	spop (v2sf);
	[tilespmem:s10+$0x30] =	vst v7;
	v2 =	vld [tilespmem:s29+$0x2E0]  }
0x134: {  	[tilespmem:s19+$0x20] =	vst v5;
	s11 =	spop (v2sf);
	v5 =	vld [tilespmem:s26+$0xFFFFFD80]  }
0x135: {  	[tilespmem:s0+$0x30] =	vst v4;
	v4 =	vld [tilespmem:s30+$0x30];
	s0 =	spop (v2sf)  }
0x136: {  	[tilespmem:s0+$0x0] =	vst v6;
	v6 =	vld [tilespmem:s29+$0xFFFFFEC0]  }
0x137: {  	[tilespmem:s24+$0x20] =	vst v8;
	v7 =	vld [tilespmem:s26+$0x190]  }
0x138: {  	(v2sf) =	vpush v1, $0xC;
	[tilespmem:s25+$0x20] =	vst v2  }
0x139: {  	v8 =	vld [tilespmem:s30+$0xFFFFFC30];
	[tilespmem:s14+$0x0] =	vst v5  }
0x13a: {  	s10 =	spop (v2sf);
	v2 =	vld [tilespmem:s29+$0x2F0];
	[tilespmem:s19+$0x30] =	vst v4  }
0x13b: {  	v4 =	vld [tilespmem:s26+$0xFFFFFD90];
	s19 =	spop (v2sf);
	[tilespmem:s7+$0x0] =	vst v6  }
0x13c: {  	v5 =	vld [tilespmem:s30+$0x40];
	s9 =	spop (v2sf);
	[tilespmem:s0+$0x10] =	vst v7  }
0x13d: {  	v6 =	vld [tilespmem:s29+$0xFFFFFED0];
	[dreg:$0x7] =	wrdreg s9  }
0x13e: {  	[tilespmem:s24+$0x30] =	vst v8;
	s24 =	spop (v2sf)  }
0x13f: {  	v7 =	vld [tilespmem:s26+$0x1A0];
	[dreg:$0x6] =	wrdreg s24  }
0x140: {  	[tilespmem:s25+$0x30] =	vst v2;
	s25 =	spop (v2sf)  }
0x141: {  	v2 =	vld [tilespmem:s30+$0xFFFFFC40];
	[dreg:$0x5] =	wrdreg s25  }
0x142: {  	(v2sf) =	vpush v3, $0x7;
	s24 =	spop (v2sf);
	[tilespmem:s14+$0x10] =	vst v4  }
0x143: {  	v4 =	vld [tilespmem:s29+$0x300];
	[tilespmem:s24+$0x0] =	vst v5  }
0x144: {  	[tilespmem:s7+$0x10] =	vst v6;
	v6 =	vld [tilespmem:s30+$0x50]  }
0x145: {  	v5 =	vld [tilespmem:s26+$0xFFFFFDA0];
	[tilespmem:s0+$0x20] =	vst v7  }
0x146: {  	[tilespmem:s23+$0x0] =	vst v2;
	v2 =	vld [tilespmem:s26+$0x1B0]  }
0x147: {  	s25 =	spop (v2sf);
	v8 =	vld [tilespmem:s30+$0xFFFFFC50]  }
0x148: {  	[tilespmem:s25+$0x0] =	vst v4  }
0x149: {  	v7 =	vld [tilespmem:s29+$0xFFFFFEE0];
	[tilespmem:s24+$0x10] =	vst v6  }
0x14a: {  	v4 =	vld [tilespmem:s29+$0x310];
	[tilespmem:s14+$0x20] =	vst v5  }
0x14b: {  	v5 =	vld [tilespmem:s30+$0x60];
	[tilespmem:s0+$0x30] =	vst v2  }
0x14c: {  	(v2sf) =	vpush v0, $0x2;
	v2 =	vld [tilespmem:s26+$0xFFFFFDB0];
	[tilespmem:s23+$0x10] =	vst v8  }
0x14d: {  	v6 =	vld [tilespmem:s26+$0x1C0]  }
0x14e: {  	[tilespmem:s7+$0x20] =	vst v7;
	v7 =	vld [tilespmem:s30+$0xFFFFFC60]  }
0x14f: {  	v8 =	vld [tilespmem:s29+$0xFFFFFEF0];
	[tilespmem:s25+$0x10] =	vst v4  }
0x150: {  	v4 =	vld [tilespmem:s29+$0x320];
	[tilespmem:s24+$0x20] =	vst v5  }
0x151: {  	s9 =	spop (v2sf);
	[tilespmem:s14+$0x30] =	vst v2;
	v2 =	vld [tilespmem:s30+$0x70]  }
0x152: {  	(v2sf) =	vpush v1, $0xD;
	v5 =	vld [tilespmem:s26+$0xFFFFFDC0];
	[tilespmem:s9+$0x0] =	vst v6  }
0x153: {  	[tilespmem:s23+$0x20] =	vst v7;
	v6 =	vld [tilespmem:s26+$0x1D0]  }
0x154: {  	[tilespmem:s7+$0x30] =	vst v8;
	v7 =	vld [tilespmem:s30+$0xFFFFFC70]  }
0x155: {  	v8 =	vld [tilespmem:s29+$0xFFFFFF00];
	s29 =	sld [smem:$0x7FC];
	[tilespmem:s25+$0x20] =	vst v4  }
0x156: {  	[tilespmem:s24+$0x30] =	vst v2;
	s24 =	simm.s32 $0x400  }
0x157: {  	v2 =	vld [tilespmem:s24+$0x330]  }
0x158: {  	[tilespmem:s12+$0x0] =	vst v5;
	v4 =	vld [tilespmem:s30+$0x80]  }
0x159: {  	v5 =	vld [tilespmem:s26+$0xFFFFFDD0];
	[tilespmem:s9+$0x10] =	vst v6  }
0x15a: {  	[tilespmem:s23+$0x30] =	vst v7;
	v6 =	vld [tilespmem:s26+$0x1E0]  }
0x15b: {  	(v2sf) =	vpush v3, $0x8;
	[tilespmem:s5+$0x0] =	vst v8;
	v7 =	vld [tilespmem:s30+$0xFFFFFC80]  }
0x15c: {  	s14 =	spop (v2sf);
	[tilespmem:s25+$0x30] =	vst v2;
	v2 =	vld [tilespmem:s24+$0xFFFFFF10]  }
0x15d: {  	[tilespmem:s14+$0x0] =	vst v4;
	v8 =	vld [tilespmem:s24+$0x340]  }
0x15e: {  	[tilespmem:s12+$0x10] =	vst v5;
	v4 =	vld [tilespmem:s30+$0x90]  }
0x15f: {  	v5 =	vld [tilespmem:s26+$0xFFFFFDE0];
	[tilespmem:s9+$0x20] =	vst v6  }
0x160: {  	[tilespmem:s21+$0x0] =	vst v7;
	v6 =	vld [tilespmem:s26+$0x1F0]  }
0x161: {  	s23 =	spop (v2sf);
	[tilespmem:s5+$0x10] =	vst v2;
	v2 =	vld [tilespmem:s30+$0xFFFFFC90]  }
0x162: {  	v7 =	vld [tilespmem:s24+$0xFFFFFF20];
	[tilespmem:s23+$0x0] =	vst v8  }
0x163: {  	[tilespmem:s14+$0x10] =	vst v4;
	v8 =	vld [tilespmem:s24+$0x350]  }
0x164: {  	[tilespmem:s12+$0x20] =	vst v5;
	v4 =	vld [tilespmem:s30+$0xA0]  }
0x165: {  	(v2sf) =	vpush v0, $0x3;
	v5 =	vld [tilespmem:s26+$0xFFFFFDF0];
	[tilespmem:s9+$0x30] =	vst v6  }
0x166: {  	[tilespmem:s21+$0x10] =	vst v2;
	v2 =	vld [tilespmem:s26+$0x200]  }
0x167: {  	[tilespmem:s5+$0x20] =	vst v7;
	v6 =	vld [tilespmem:s30+$0xFFFFFCA0]  }
0x168: {  	v7 =	vld [tilespmem:s24+$0xFFFFFF30];
	[tilespmem:s23+$0x10] =	vst v8  }
0x169: {  	[tilespmem:s14+$0x20] =	vst v4;
	v8 =	vld [tilespmem:s24+$0x360]  }
0x16a: {  	(v2sf) =	vpush v1, $0xE;
	s25 =	spop (v2sf);
	[tilespmem:s12+$0x30] =	vst v5;
	v4 =	vld [tilespmem:s30+$0xB0]  }
0x16b: {  	v5 =	vld [tilespmem:s26+$0xFFFFFE00];
	[tilespmem:s25+$0x0] =	vst v2  }
0x16c: {  	[tilespmem:s21+$0x20] =	vst v6;
	v2 =	vld [tilespmem:s26+$0x210]  }
0x16d: {  	[tilespmem:s5+$0x30] =	vst v7;
	v6 =	vld [tilespmem:s30+$0xFFFFFCB0]  }
0x16e: {  	v7 =	vld [tilespmem:s24+$0xFFFFFF40];
	[tilespmem:s23+$0x20] =	vst v8  }
0x16f: {  	[tilespmem:s14+$0x30] =	vst v4;
	v4 =	vld [tilespmem:s24+$0x370]  }
0x170: {  	[tilespmem:s8+$0x0] =	vst v5;
	v5 =	vld [tilespmem:s30+$0xC0]  }
0x171: {  	v8 =	vld [tilespmem:s26+$0xFFFFFE10];
	[tilespmem:s25+$0x10] =	vst v2  }
0x172: {  	[tilespmem:s21+$0x30] =	vst v6;
	v2 =	vld [tilespmem:s26+$0x220]  }
0x173: {  	(v2sf) =	vpush v3, $0x9;
	[tilespmem:s3+$0x0] =	vst v7;
	v6 =	vld [tilespmem:s30+$0xFFFFFCC0]  }
0x174: {  	s9 =	spop (v2sf);
	[tilespmem:s23+$0x30] =	vst v4;
	v4 =	vld [tilespmem:s24+$0xFFFFFF50]  }
0x175: {  	[tilespmem:s9+$0x0] =	vst v5;
	v7 =	vld [tilespmem:s24+$0x380]  }
0x176: {  	[tilespmem:s8+$0x10] =	vst v8;
	v5 =	vld [tilespmem:s30+$0xD0]  }
0x177: {  	v8 =	vld [tilespmem:s26+$0xFFFFFE20];
	[tilespmem:s25+$0x20] =	vst v2  }
0x178: {  	[tilespmem:s17+$0x0] =	vst v6;
	v2 =	vld [tilespmem:s26+$0x230]  }
0x179: {  	s12 =	spop (v2sf);
	[tilespmem:s3+$0x10] =	vst v4;
	v4 =	vld [tilespmem:s30+$0xFFFFFCD0]  }
0x17a: {  	v6 =	vld [tilespmem:s24+$0xFFFFFF60];
	[tilespmem:s12+$0x0] =	vst v7  }
0x17b: {  	[tilespmem:s9+$0x10] =	vst v5;
	v7 =	vld [tilespmem:s24+$0x390]  }
0x17c: {  	[tilespmem:s8+$0x20] =	vst v8;
	v5 =	vld [tilespmem:s30+$0xE0]  }
0x17d: {  	(v2sf) =	vpush v0, $0x4;
	[tilespmem:s25+$0x30] =	vst v2;
	v2 =	vld [tilespmem:s26+$0xFFFFFE30]  }
0x17e: {  	[tilespmem:s17+$0x10] =	vst v4;
	v4 =	vld [tilespmem:s26+$0x240]  }
0x17f: {  	[tilespmem:s3+$0x20] =	vst v6;
	v6 =	vld [tilespmem:s30+$0xFFFFFCE0]  }
0x180: {  	v8 =	vld [tilespmem:s24+$0xFFFFFF70];
	[tilespmem:s12+$0x10] =	vst v7  }
0x181: {  	[tilespmem:s9+$0x20] =	vst v5;
	v7 =	vld [tilespmem:s24+$0x3A0]  }
0x182: {  	(v2sf) =	vpush v1, $0xF;
	s14 =	spop (v2sf);
	v1 =	vld [tilespmem:s30+$0xF0];
	[tilespmem:s8+$0x30] =	vst v2  }
0x183: {  	v2 =	vld [tilespmem:s26+$0xFFFFFE40];
	[tilespmem:s14+$0x0] =	vst v4  }
0x184: {  	[tilespmem:s17+$0x20] =	vst v6;
	v4 =	vld [tilespmem:s26+$0x250]  }
0x185: {  	[tilespmem:s3+$0x30] =	vst v8;
	v5 =	vld [tilespmem:s30+$0xFFFFFCF0]  }
0x186: {  	v6 =	vld [tilespmem:s24+$0xFFFFFF80];
	[tilespmem:s12+$0x20] =	vst v7  }
0x187: {  	[tilespmem:s9+$0x30] =	vst v1;
	v1 =	vld [tilespmem:s24+$0x3B0]  }
0x188: {  	[tilespmem:s6+$0x0] =	vst v2;
	v2 =	vld [tilespmem:s30+$0x100]  }
0x189: {  	v7 =	vld [tilespmem:s26+$0xFFFFFE50];
	[tilespmem:s14+$0x10] =	vst v4  }
0x18a: {  	[tilespmem:s17+$0x30] =	vst v5;
	v4 =	vld [tilespmem:s26+$0x260]  }
0x18b: {  	s17 =	sadd.s32 $0x20, s15;
	[tilespmem:s2+$0x0] =	vst v6;
	v5 =	vld [tilespmem:s30+$0xFFFFFD00]  }
0x18c: {  	(v2sf) =	vpush v3, $0xA;
	s21 =	spop (v2sf);
	v8 =	vld [tilespmem:s17+$0x0];
	[tilespmem:s12+$0x30] =	vst v1  }
0x18d: {  	v1 =	vld [tilespmem:s24+$0xFFFFFF90];
	[tilespmem:s21+$0x0] =	vst v2  }
0x18e: {  	v2 =	vld [tilespmem:s30+$0x110]  }
0x18f: {  	v6 =	vld [tilespmem:s24+$0x3C0];
	[tilespmem:s6+$0x10] =	vst v7  }
0x190: {  	v7 =	vld [tilespmem:s26+$0xFFFFFE60];
	[tilespmem:s14+$0x20] =	vst v4  }
0x191: {  	[tilespmem:s22+$0x0] =	vst v5;
	v4 =	vld [tilespmem:s26+$0x270]  }
0x192: {  	[tilespmem:s2+$0x10] =	vst v1;
	v1 =	vld [tilespmem:s30+$0xFFFFFD10]  }
0x193: {  	s23 =	spop (v2sf);
	v5 =	vld [tilespmem:s24+$0xFFFFFFA0];
	[tilespmem:s21+$0x10] =	vst v2  }
0x194: {  	[tilespmem:s23+$0x0] =	vst v6;
	v2 =	vld [tilespmem:s30+$0x120]  }
0x195: {  	v6 =	vld [tilespmem:s24+$0x3D0];
	[tilespmem:s6+$0x20] =	vst v7  }
0x196: {  	(v2sf) =	vpush v0, $0x5;
	[tilespmem:s14+$0x30] =	vst v4;
	v4 =	vld [tilespmem:s26+$0xFFFFFE70]  }
0x197: {  	[tilespmem:s22+$0x10] =	vst v1;
	v1 =	vld [tilespmem:s26+$0x280]  }
0x198: {  	[tilespmem:s2+$0x20] =	vst v5;
	v5 =	vld [tilespmem:s30+$0xFFFFFD20]  }
0x199: {  	v7 =	vld [tilespmem:s24+$0xFFFFFFB0];
	[tilespmem:s21+$0x20] =	vst v2  }
0x19a: {  	[tilespmem:s23+$0x10] =	vst v6;
	v2 =	vld [tilespmem:s30+$0x130]  }
0x19b: {  	s25 =	spop (v2sf);
	[tilespmem:s6+$0x30] =	vst v4  }
0x19c: {  	v52 =	vld [tilespmem:s17+$0xFFFFFFF0];
	[tilespmem:s25+$0x0] =	vst v1;
	v1 =	vadd.s32 s31, v8  }
0x19d: {  	[tilespmem:s22+$0x20] =	vst v5;
	v5 =	vld [tilespmem:s26+$0x290];
	(v2sf) =	vpush v1, $0x0  }
0x19e: {  	v4 =	vld [tilespmem:s24+$0x3E0];
	[tilespmem:s2+$0x30] =	vst v7  }
0x19f: {  	v6 =	vld [tilespmem:s30+$0xFFFFFD30];
	[tilespmem:s21+$0x30] =	vst v2  }
0x1a0: {  	v2 =	vld [tilespmem:s26+$0xFFFFFE80];
	[dreg:$0x3] =	wrdreg s31  }
0x1a1: {  	v7 =	vadd.s32 s31, v52;
	v8 =	vld [tilespmem:s30+$0x140]  }
0x1a2: {  	(v2sf) =	vpush v7, $0x0;
	[tilespmem:s25+$0x10] =	vst v5  }
0x1a3: {  	(v2sf) =	vpush v7, $0x1;
	v5 =	vld [tilespmem:s24+$0xFFFFFFC0];
	[tilespmem:s23+$0x20] =	vst v4  }
0x1a4: {  	(v2sf) =	vpush v3, $0xB;
	[tilespmem:s22+$0x30] =	vst v6;
	v6 =	vld [tilespmem:s26+$0x2A0]  }
0x1a5: {  	s6 =	spop (v2sf);
	(v2sf) =	vpush v7, $0x2;
	v4 =	vld [tilespmem:s30+$0xFFFFFD40];
	[tilespmem:s4+$0x0] =	vst v2  }
0x1a6: {  	(v2sf) =	vpush v7, $0x3;
	v2 =	vld [tilespmem:s26+$0xFFFFFE90];
	[tilespmem:s6+$0x0] =	vst v8  }
0x1a7: {  	s3 =	simm.s32 $0x1C00;
	v8 =	vld [tilespmem:s30+$0x150]  }
0x1a8: {  	v54 =	vld [tilespmem:s3+$0x0];
	(v2sf) =	vpush v7, $0x4;
	[tilespmem:s29+$0x0] =	vst v5  }
0x1a9: {  	(v2sf) =	vpush v7, $0x5;
	[tilespmem:s25+$0x20] =	vst v6;
	v5 =	vld [tilespmem:s24+$0xFFFFFFD0]  }
0x1aa: {  	(v2sf) =	vpush v7, $0x6;
	[tilespmem:s13+$0x0] =	vst v4;
	v4 =	vld [tilespmem:s26+$0x2B0]  }
0x1ab: {  	(v2sf) =	vpush v7, $0x7;
	v6 =	vld [tilespmem:s30+$0xFFFFFD50];
	[tilespmem:s4+$0x10] =	vst v2  }
0x1ac: {  	(v2sf) =	vpush v7, $0x8;
	s9 =	spop (v2sf);
	[tilespmem:s6+$0x10] =	vst v8  }
0x1ad: {  	(v2sf) =	vpush v7, $0x9;
	v8 =	vld [tilespmem:s3+$0xFFFFFC00];
	[tilespmem:s9+$0x0] =	vst v54  }
0x1ae: {  	(v2sf) =	vpush v7, $0xA;
	[tilespmem:s29+$0x10] =	vst v5;
	v2 =	vld [tilespmem:s30+$0x160]  }
0x1af: {  	[tilespmem:s25+$0x30] =	vst v4;
	v5 =	vld [tilespmem:s3+$0x10]  }
0x1b0: {  	(v2sf) =	vpush v0, $0x6;
	[tilespmem:s13+$0x10] =	vst v6;
	v6 =	vld [tilespmem:s26+$0x2C0]  }
0x1b1: {  	v53 =	vld [tilespmem:s24+$0x3F0];
	s7 =	spop (v2sf)  }
0x1b2: {  	(v2sf) =	vpush v7, $0xB;
	s25 =	spop (v2sf);
	v55 =	vld [tilespmem:s30+$0xFFFFFD60];
	[tilespmem:s7+$0x0] =	vst v8  }
0x1b3: {  	v4 =	vld [tilespmem:s26+$0xFFFFFEA0];
	(v2sf) =	vpush v7, $0xC;
	s8 =	spop (v2sf);
	[tilespmem:s6+$0x20] =	vst v2  }
0x1b4: {  	(v2sf) =	vpush v7, $0xD;
	s0 =	spop (v2sf);
	[tilespmem:s9+$0x10] =	vst v5;
	v8 =	vld [tilespmem:s30+$0x170]  }
0x1b5: {  	s21 =	spop (v2sf);
	(v2sf) =	vpush v7, $0xE;
	[tilespmem:s8+$0x0] =	vst v6;
	v6 =	vld [tilespmem:s3+$0xFFFFFC10]  }
0x1b6: {  	[tilespmem:s23+$0x30] =	vst v53;
	(v2sf) =	vpush v7, $0xF;
	v7 =	vld [tilespmem:s3+$0x20]  }
0x1b7: {  	s14 =	spop (v2sf);
	[tilespmem:s13+$0x20] =	vst v55;
	v56 =	vld [tilespmem:s26+$0x2D0]  }
0x1b8: {  	[tilespmem:s4+$0x20] =	vst v4;
	s15 =	spop (v2sf);
	v5 =	vld [tilespmem:s30+$0xFFFFFD70]  }
0x1b9: {  	v2 =	vld [tilespmem:s24+$0xFFFFFFE0];
	s12 =	spop (v2sf);
	[tilespmem:s6+$0x30] =	vst v8  }
0x1ba: {  	v4 =	vld [tilespmem:s26+$0xFFFFFEB0];
	s23 =	spop (v2sf);
	[tilespmem:s7+$0x10] =	vst v6  }
0x1bb: {  	s22 =	spop (v2sf);
	[tilespmem:s9+$0x20] =	vst v7;
	v6 =	vld [tilespmem:s30+$0x180]  }
0x1bc: {  	s6 =	spop (v2sf);
	v8 =	vld [tilespmem:s3+$0xFFFFFC20];
	[tilespmem:s8+$0x10] =	vst v56  }
0x1bd: {  	[tilespmem:s13+$0x30] =	vst v5;
	v5 =	vld [tilespmem:s26+$0x2E0];
	s13 =	spop (v2sf)  }
0x1be: {  	v7 =	vld [tilespmem:s30+$0xFFFFFD80];
	[dreg:$0xa] =	wrdreg s13  }
0x1bf: {  	s13 =	spop (v2sf);
	[tilespmem:s4+$0x30] =	vst v4;
	v4 =	vld [tilespmem:s3+$0x30]  }
0x1c0: {  	(v2sf) =	vpush v1, $0x1;
	[tilespmem:s13+$0x0] =	vst v6  }
0x1c1: {  	v6 =	vld [tilespmem:s26+$0xFFFFFEC0];
	[tilespmem:s7+$0x20] =	vst v8  }
0x1c2: {  	v8 =	vld [tilespmem:s30+$0x190];
	[tilespmem:s8+$0x20] =	vst v5  }
0x1c3: {  	v57 =	vld [tilespmem:s3+$0xFFFFFC30];
	[tilespmem:s16+$0x0] =	vst v7  }
0x1c4: {  	(v2sf) =	vpush v3, $0xC;
	s4 =	spop (v2sf);
	v5 =	vld [tilespmem:s26+$0x2F0];
	[tilespmem:s9+$0x30] =	vst v4  }
0x1c5: {  	v4 =	vld [tilespmem:s30+$0xFFFFFD90];
	[dreg:$0x9] =	wrdreg s4  }
0x1c6: {  	s4 =	sld [smem:$0x7FD];
	_ =	sdelay $0x2  }
0x1c7: {  	s5 =	spop (v2sf);
	[tilespmem:s4+$0x0] =	vst v6  }
0x1c8: {  	v7 =	vld [tilespmem:s3+$0x40];
	[dreg:$0x8] =	wrdreg s5  }
0x1c9: {  	s9 =	spop (v2sf);
	[tilespmem:s13+$0x10] =	vst v8  }
0x1ca: {  	v6 =	vld [tilespmem:s26+$0xFFFFFED0];
	[tilespmem:s7+$0x30] =	vst v57;
	s7 =	spop (v2sf)  }
0x1cb: {  	v8 =	vld [tilespmem:s30+$0x1A0];
	[dreg:$0xb] =	wrdreg s7  }
0x1cc: {  	(v2sf) =	vpush v0, $0x7;
	s31 =	spop (v2sf);
	[tilespmem:s8+$0x30] =	vst v5;
	v5 =	vld [tilespmem:s3+$0xFFFFFC40]  }
0x1cd: {  	[tilespmem:s16+$0x10] =	vst v4;
	s8 =	spop (v2sf);
	v4 =	vld [tilespmem:s26+$0x300]  }
0x1ce: {  	[tilespmem:s8+$0x0] =	vst v7;
	v7 =	vld [tilespmem:s30+$0xFFFFFDA0]  }
0x1cf: {  	v58 =	vld [tilespmem:s3+$0x50];
	[tilespmem:s4+$0x10] =	vst v6  }
0x1d0: {  	[tilespmem:s13+$0x20] =	vst v8;
	v6 =	vld [tilespmem:s26+$0xFFFFFEE0]  }
0x1d1: {  	s2 =	spop (v2sf);
	[tilespmem:s25+$0x0] =	vst v5;
	v5 =	vld [tilespmem:s30+$0x1B0]  }
0x1d2: {  	v8 =	vld [tilespmem:s3+$0xFFFFFC50];
	[tilespmem:s2+$0x0] =	vst v4  }
0x1d3: {  	[tilespmem:s16+$0x20] =	vst v7;
	v4 =	vld [tilespmem:s26+$0x310]  }
0x1d4: {  	[tilespmem:s8+$0x10] =	vst v58;
	v7 =	vld [tilespmem:s30+$0xFFFFFDB0]  }
0x1d5: {  	v9 =	vld [tilespmem:s3+$0x60];
	[tilespmem:s4+$0x20] =	vst v6  }
0x1d6: {  	[tilespmem:s13+$0x30] =	vst v5;
	v5 =	vld [tilespmem:s26+$0xFFFFFEF0]  }
0x1d7: {  	(v2sf) =	vpush v1, $0x2;
	[tilespmem:s25+$0x10] =	vst v8;
	v6 =	vld [tilespmem:s30+$0x1C0]  }
0x1d8: {  	v8 =	vld [tilespmem:s3+$0xFFFFFC60];
	[tilespmem:s2+$0x10] =	vst v4  }
0x1d9: {  	[tilespmem:s16+$0x30] =	vst v7;
	v4 =	vld [tilespmem:s26+$0x320]  }
0x1da: {  	[tilespmem:s8+$0x20] =	vst v9;
	v7 =	vld [tilespmem:s30+$0xFFFFFDC0]  }
0x1db: {  	(v2sf) =	vpush v3, $0xD;
	[tilespmem:s4+$0x30] =	vst v5;
	v5 =	vld [tilespmem:s3+$0x70];
	s4 =	spop (v2sf)  }
0x1dc: {  	[tilespmem:s4+$0x0] =	vst v6  }
0x1dd: {  	v6 =	vld [tilespmem:s26+$0xFFFFFF00];
	[tilespmem:s25+$0x20] =	vst v8  }
0x1de: {  	v8 =	vld [tilespmem:s30+$0x1D0];
	[tilespmem:s2+$0x20] =	vst v4  }
0x1df: {  	v59 =	vld [tilespmem:s3+$0xFFFFFC70];
	[tilespmem:s18+$0x0] =	vst v7  }
0x1e0: {  	v4 =	vld [tilespmem:s26+$0x330];
	[tilespmem:s8+$0x30] =	vst v5  }
0x1e1: {  	v5 =	vld [tilespmem:s30+$0xFFFFFDD0];
	s5 =	rddreg [dreg:$0x1f]  }
0x1e2: {  	v7 =	vld [tilespmem:s3+$0x80];
	[tilespmem:s5+$0x0] =	vst v6  }
0x1e3: {  	[tilespmem:s4+$0x10] =	vst v8;
	v6 =	vld [tilespmem:s26+$0xFFFFFF10]  }
0x1e4: {  	[tilespmem:s25+$0x30] =	vst v59;
	v8 =	vld [tilespmem:s30+$0x1E0]  }
0x1e5: {  	(v2sf) =	vpush v0, $0x8;
	[tilespmem:s2+$0x30] =	vst v4;
	v4 =	vld [tilespmem:s3+$0xFFFFFC80]  }
0x1e6: {  	s7 =	spop (v2sf);
	[tilespmem:s18+$0x10] =	vst v5;
	v5 =	vld [tilespmem:s26+$0x340]  }
0x1e7: {  	[tilespmem:s7+$0x0] =	vst v7;
	v7 =	vld [tilespmem:s30+$0xFFFFFDE0]  }
0x1e8: {  	v60 =	vld [tilespmem:s3+$0x90];
	[tilespmem:s5+$0x10] =	vst v6  }
0x1e9: {  	[tilespmem:s4+$0x20] =	vst v8;
	v6 =	vld [tilespmem:s26+$0xFFFFFF20]  }
0x1ea: {  	s13 =	spop (v2sf);
	[tilespmem:s0+$0x0] =	vst v4;
	v4 =	vld [tilespmem:s30+$0x1F0]  }
0x1eb: {  	v8 =	vld [tilespmem:s3+$0xFFFFFC90];
	[tilespmem:s13+$0x0] =	vst v5  }
0x1ec: {  	[tilespmem:s18+$0x20] =	vst v7;
	v5 =	vld [tilespmem:s26+$0x350]  }
0x1ed: {  	[tilespmem:s7+$0x10] =	vst v60;
	v7 =	vld [tilespmem:s30+$0xFFFFFDF0]  }
0x1ee: {  	v9 =	vld [tilespmem:s3+$0xA0];
	[tilespmem:s5+$0x20] =	vst v6  }
0x1ef: {  	[tilespmem:s4+$0x30] =	vst v4;
	v4 =	vld [tilespmem:s26+$0xFFFFFF30]  }
0x1f0: {  	(v2sf) =	vpush v1, $0x3;
	[tilespmem:s0+$0x10] =	vst v8;
	v6 =	vld [tilespmem:s30+$0x200]  }
0x1f1: {  	v8 =	vld [tilespmem:s3+$0xFFFFFCA0];
	[tilespmem:s13+$0x10] =	vst v5  }
0x1f2: {  	[tilespmem:s18+$0x30] =	vst v7;
	v5 =	vld [tilespmem:s26+$0x360]  }
0x1f3: {  	[tilespmem:s7+$0x20] =	vst v9;
	v7 =	vld [tilespmem:s30+$0xFFFFFE00]  }
0x1f4: {  	(v2sf) =	vpush v3, $0xE;
	s16 =	spop (v2sf);
	[tilespmem:s5+$0x30] =	vst v4;
	v4 =	vld [tilespmem:s3+$0xB0]  }
0x1f5: {  	[tilespmem:s16+$0x0] =	vst v6  }
0x1f6: {  	v6 =	vld [tilespmem:s26+$0xFFFFFF40];
	[tilespmem:s0+$0x20] =	vst v8  }
0x1f7: {  	v8 =	vld [tilespmem:s30+$0x210];
	[tilespmem:s13+$0x20] =	vst v5  }
0x1f8: {  	v61 =	vld [tilespmem:s3+$0xFFFFFCB0];
	[tilespmem:s28+$0x0] =	vst v7  }
0x1f9: {  	v5 =	vld [tilespmem:s26+$0x370];
	[tilespmem:s7+$0x30] =	vst v4  }
0x1fa: {  	v4 =	vld [tilespmem:s30+$0xFFFFFE10];
	s2 =	rddreg [dreg:$0x1e]  }
0x1fb: {  	v7 =	vld [tilespmem:s3+$0xC0];
	[tilespmem:s2+$0x0] =	vst v6  }
0x1fc: {  	[tilespmem:s16+$0x10] =	vst v8;
	v6 =	vld [tilespmem:s26+$0xFFFFFF50]  }
0x1fd: {  	[tilespmem:s0+$0x30] =	vst v61;
	v8 =	vld [tilespmem:s30+$0x220]  }
0x1fe: {  	(v2sf) =	vpush v0, $0x9;
	[tilespmem:s13+$0x30] =	vst v5;
	v5 =	vld [tilespmem:s3+$0xFFFFFCC0]  }
0x1ff: {  	s18 =	spop (v2sf);
	[tilespmem:s28+$0x10] =	vst v4;
	v4 =	vld [tilespmem:s26+$0x380]  }
0x200: {  	[tilespmem:s18+$0x0] =	vst v7;
	v7 =	vld [tilespmem:s30+$0xFFFFFE20]  }
0x201: {  	v62 =	vld [tilespmem:s3+$0xD0];
	[tilespmem:s2+$0x10] =	vst v6  }
0x202: {  	[tilespmem:s16+$0x20] =	vst v8;
	v6 =	vld [tilespmem:s26+$0xFFFFFF60]  }
0x203: {  	s25 =	spop (v2sf);
	[tilespmem:s21+$0x0] =	vst v5;
	v5 =	vld [tilespmem:s30+$0x230]  }
0x204: {  	v8 =	vld [tilespmem:s3+$0xFFFFFCD0];
	[tilespmem:s25+$0x0] =	vst v4  }
0x205: {  	[tilespmem:s28+$0x20] =	vst v7;
	v4 =	vld [tilespmem:s26+$0x390]  }
0x206: {  	[tilespmem:s18+$0x10] =	vst v62;
	v7 =	vld [tilespmem:s30+$0xFFFFFE30]  }
0x207: {  	v9 =	vld [tilespmem:s3+$0xE0];
	[tilespmem:s2+$0x20] =	vst v6  }
0x208: {  	(v2sf) =	vpush v1, $0x4;
	[tilespmem:s16+$0x30] =	vst v5;
	v5 =	vld [tilespmem:s26+$0xFFFFFF70]  }
0x209: {  	[tilespmem:s21+$0x10] =	vst v8;
	v6 =	vld [tilespmem:s30+$0x240]  }
0x20a: {  	v8 =	vld [tilespmem:s3+$0xFFFFFCE0];
	[tilespmem:s25+$0x10] =	vst v4  }
0x20b: {  	[tilespmem:s28+$0x30] =	vst v7;
	v4 =	vld [tilespmem:s26+$0x3A0]  }
0x20c: {  	(v2sf) =	vpush v3, $0xF;
	[tilespmem:s18+$0x20] =	vst v9;
	v7 =	vld [tilespmem:s30+$0xFFFFFE40]  }
0x20d: {  	s28 =	spop (v2sf);
	v3 =	vld [tilespmem:s3+$0xF0];
	[tilespmem:s2+$0x30] =	vst v5  }
0x20e: {  	[tilespmem:s28+$0x0] =	vst v6;
	v5 =	vld [tilespmem:s26+$0xFFFFFF80]  }
0x20f: {  	[tilespmem:s21+$0x20] =	vst v8;
	v6 =	vld [tilespmem:s30+$0x250]  }
0x210: {  	v8 =	vld [tilespmem:s3+$0xFFFFFCF0];
	[tilespmem:s25+$0x20] =	vst v4  }
0x211: {  	[tilespmem:s20+$0x0] =	vst v7;
	v4 =	vld [tilespmem:s26+$0x3B0]  }
0x212: {  	[tilespmem:s18+$0x30] =	vst v3;
	v3 =	vld [tilespmem:s30+$0xFFFFFE50]  }
0x213: {  	v7 =	vld [tilespmem:s3+$0x100];
	[tilespmem:s1+$0x0] =	vst v5  }
0x214: {  	[tilespmem:s28+$0x10] =	vst v6;
	v5 =	vld [tilespmem:s26+$0xFFFFFF90]  }
0x215: {  	[tilespmem:s21+$0x30] =	vst v8;
	v6 =	vld [tilespmem:s30+$0x260]  }
0x216: {  	[tilespmem:s25+$0x30] =	vst v4;
	v4 =	vld [tilespmem:s3+$0xFFFFFD00]  }
0x217: {  	s0 =	spop (v2sf);
	[tilespmem:s20+$0x10] =	vst v3;
	v3 =	vld [tilespmem:s26+$0x3C0]  }
0x218: {  	[tilespmem:s0+$0x0] =	vst v7;
	v7 =	vld [tilespmem:s30+$0xFFFFFE60]  }
0x219: {  	v8 =	vld [tilespmem:s3+$0x110];
	[tilespmem:s1+$0x10] =	vst v5  }
0x21a: {  	[tilespmem:s28+$0x20] =	vst v6;
	v5 =	vld [tilespmem:s26+$0xFFFFFFA0]  }
0x21b: {  	s18 =	spop (v2sf);
	[tilespmem:s14+$0x0] =	vst v4;
	v4 =	vld [tilespmem:s30+$0x270]  }
0x21c: {  	v63 =	vld [tilespmem:s3+$0xFFFFFD10];
	[tilespmem:s18+$0x0] =	vst v3  }
0x21d: {  	[tilespmem:s20+$0x20] =	vst v7;
	v10 =	vld [tilespmem:s26+$0x3D0]  }
0x21e: {  	[tilespmem:s0+$0x10] =	vst v8;
	v8 =	vld [tilespmem:s30+$0xFFFFFE70]  }
0x21f: {  	[tilespmem:s1+$0x20] =	vst v5  }
0x220: {  	[tilespmem:s28+$0x30] =	vst v4  }
0x221: {  	[tilespmem:s14+$0x10] =	vst v63  }
0x222: {  	[tilespmem:s18+$0x10] =	vst v10  }
0x223: {  	v6 =	vld [tilespmem:s3+$0x120];
	[tilespmem:s20+$0x30] =	vst v8  }
0x224: {  	v3 =	vld [tilespmem:s26+$0xFFFFFFB0];
	s2 =	rddreg [dreg:$0x1a]  }
0x225: {  	v5 =	vld [tilespmem:s30+$0x280];
	s5 =	rddreg [dreg:$0xe]  }
0x226: {  	(v2sf) =	vpush v0, $0xA;
	v7 =	vld [tilespmem:s3+$0xFFFFFD20];
	s2 =	sadd.s32 s5, s2  }
0x227: {  	s16 =	sadd.s32 $0x20, s17;
	s17 =	simm.s32 $0x6;
	(v2sf) =	vpush v1, $0x5;
	v4 =	vld [tilespmem:s26+$0x3E0];
	[dreg:$0x1d] =	wrdreg s2  }
.LBB2_3:
0x228: {  	_ =	sdelay $0xa  }
0x229: {  	[dreg:$0xc] =	wrdreg s9  }
0x22a: {  	v8 =	vld [tilespmem:s16+$0x0];
	s2 =	rddreg [dreg:$0x6];
	[tilespmem:s0+$0x20] =	vst v6  }
0x22b: {  	s9 =	smov.u32 s2;
	s2 =	rddreg [dreg:$0xb];
	v6 =	vld [tilespmem:s3+$0x130];
	[tilespmem:s1+$0x30] =	vst v3;
	s5 =	spop (v2sf)  }
0x22c: {  	s4 =	smov.u32 s2;
	v9 =	vld [tilespmem:s16+$0xFFFFFFF0];
	[tilespmem:s5+$0x0] =	vst v5  }
0x22d: {  	[dreg:$0x6] =	wrdreg s4;
	[tilespmem:s14+$0x20] =	vst v7;
	v5 =	vld [tilespmem:s30+$0x290]  }
0x22e: {  	s4 =	rddreg [dreg:$0x3];
	v7 =	vld [tilespmem:s3+$0xFFFFFD30];
	[tilespmem:s29+$0x20] =	vst v2  }
0x22f: {  	v3 =	vadd.s32 s4, v8;
	v2 =	vld [tilespmem:s30+$0xFFFFFE80];
	[tilespmem:s18+$0x20] =	vst v4  }
0x230: {  	(v2sf) =	vpush v3, $0x0;
	v4 =	vld [tilespmem:s26+$0x3F0];
	[tilespmem:s0+$0x30] =	vst v6  }
0x231: {  	v6 =	vadd.s32 s4, v9;
	v8 =	vld [tilespmem:s3+$0x140]  }
0x232: {  	(v2sf) =	vpush v6, $0x0;
	[tilespmem:s5+$0x10] =	vst v5;
	v5 =	vld [tilespmem:s26+$0xFFFFFFC0]  }
0x233: {  	(v2sf) =	vpush v6, $0x1;
	[tilespmem:s14+$0x30] =	vst v7;
	v7 =	vld [tilespmem:s30+$0x2A0]  }
0x234: {  	(v2sf) =	vpush v0, $0xB;
	v61 =	vld [tilespmem:s3+$0xFFFFFD40];
	[tilespmem:s11+$0x0] =	vst v2  }
0x235: {  	s7 =	spop (v2sf);
	(v2sf) =	vpush v6, $0x2;
	[tilespmem:s18+$0x30] =	vst v4;
	v2 =	vld [tilespmem:s24+$0xFFFFFFF0];
	s24 =	smov.u32 s26;
	s26 =	smov.u32 s30  }
0x236: {  	s14 =	rddreg [dreg:$0x4];
	(v2sf) =	vpush v6, $0x3;
	[tilespmem:s7+$0x0] =	vst v8;
	v4 =	vld [tilespmem:s26+$0xFFFFFE90]  }
0x237: {  	(v2sf) =	vpush v6, $0x4;
	v8 =	vld [tilespmem:s3+$0x150];
	[tilespmem:s14+$0x0] =	vst v5  }
0x238: {  	(v2sf) =	vpush v6, $0x5;
	[tilespmem:s5+$0x20] =	vst v7;
	v5 =	vld [tilespmem:s24+$0xFFFFFFD0]  }
0x239: {  	s30 =	smov.u32 s3;
	(v2sf) =	vpush v6, $0x6;
	[tilespmem:s15+$0x0] =	vst v61;
	v7 =	vld [tilespmem:s26+$0x2B0]  }
0x23a: {  	s3 =	sadd.s32 $0x800, s3;
	(v2sf) =	vpush v6, $0x7;
	v9 =	vld [tilespmem:s30+$0xFFFFFD50];
	[tilespmem:s29+$0x30] =	vst v2  }
0x23b: {  	(v2sf) =	vpush v6, $0x8;
	v2 =	vld [tilespmem:s3+$0x0];
	[tilespmem:s11+$0x10] =	vst v4  }
0x23c: {  	s1 =	smov.u32 s14;
	(v2sf) =	vpush v6, $0x9;
	[tilespmem:s7+$0x10] =	vst v8;
	v4 =	vld [tilespmem:s3+$0xFFFFFC00]  }
0x23d: {  	(v2sf) =	vpush v6, $0xA;
	v8 =	vld [tilespmem:s30+$0x160];
	[tilespmem:s1+$0x10] =	vst v5  }
0x23e: {  	(v2sf) =	vpush v1, $0x6;
	v5 =	vld [tilespmem:s26+$0xFFFFFEA0];
	[tilespmem:s5+$0x30] =	vst v7  }
0x23f: {  	s8 =	spop (v2sf);
	[tilespmem:s15+$0x10] =	vst v9;
	v7 =	vld [tilespmem:s26+$0x2C0]  }
0x240: {  	(v2sf) =	vpush v6, $0xB;
	[tilespmem:s8+$0x0] =	vst v2;
	v9 =	vld [tilespmem:s30+$0xFFFFFD60]  }
0x241: {  	(v2sf) =	vpush v6, $0xC;
	s5 =	spop (v2sf);
	v10 =	vld [tilespmem:s3+$0x10]  }
0x242: {  	(v2sf) =	vpush v6, $0xD;
	s28 =	spop (v2sf);
	v2 =	vld [tilespmem:s24+$0xFFFFFFE0];
	[tilespmem:s7+$0x20] =	vst v8  }
0x243: {  	(v2sf) =	vpush v6, $0xE;
	[tilespmem:s5+$0x0] =	vst v4;
	s13 =	spop (v2sf);
	v4 =	vld [tilespmem:s30+$0x170]  }
0x244: {  	s21 =	smov.u32 s31;
	s18 =	rddreg [dreg:$0x5];
	(v2sf) =	vpush v6, $0xF;
	v6 =	vld [tilespmem:s3+$0xFFFFFC10];
	s31 =	spop (v2sf);
	[tilespmem:s13+$0x0] =	vst v7  }
0x245: {  	s20 =	smov.u32 s18;
	s18 =	spop (v2sf);
	[tilespmem:s15+$0x20] =	vst v9;
	v7 =	vld [tilespmem:s26+$0x2D0]  }
0x246: {  	s14 =	spop (v2sf);
	[tilespmem:s8+$0x10] =	vst v10;
	v8 =	vld [tilespmem:s30+$0xFFFFFD70]  }
0x247: {  	s25 =	spop (v2sf);
	[tilespmem:s11+$0x20] =	vst v5;
	v62 =	vld [tilespmem:s3+$0x20]  }
0x248: {  	s2 =	spop (v2sf);
	(v2sf) =	vpush v3, $0x1;
	[tilespmem:s7+$0x30] =	vst v4;
	v4 =	vld [tilespmem:s26+$0xFFFFFEB0]  }
0x249: {  	[tilespmem:s5+$0x10] =	vst v6;
	s0 =	spop (v2sf);
	v5 =	vld [tilespmem:s30+$0x180]  }
0x24a: {  	[dreg:$0x4] =	wrdreg s20;
	v6 =	vld [tilespmem:s3+$0xFFFFFC20];
	s20 =	spop (v2sf);
	[tilespmem:s13+$0x10] =	vst v7  }
0x24b: {  	s7 =	spop (v2sf);
	[tilespmem:s15+$0x30] =	vst v8;
	v7 =	vld [tilespmem:s26+$0x2E0]  }
0x24c: {  	s4 =	spop (v2sf);
	(v2sf) =	vpush v0, $0xC;
	[tilespmem:s8+$0x20] =	vst v62;
	v8 =	vld [tilespmem:s30+$0xFFFFFD80]  }
0x24d: {  	s29 =	spop (v2sf);
	[tilespmem:s11+$0x30] =	vst v4;
	v9 =	vld [tilespmem:s3+$0x30]  }
0x24e: {  	[tilespmem:s29+$0x0] =	vst v5;
	v4 =	vld [tilespmem:s26+$0xFFFFFEC0]  }
0x24f: {  	[dreg:$0x5] =	wrdreg s21;
	[tilespmem:s5+$0x20] =	vst v6;
	v5 =	vld [tilespmem:s30+$0x190]  }
0x250: {  	s21 =	rddreg [dreg:$0xa];
	v6 =	vld [tilespmem:s3+$0xFFFFFC30];
	[tilespmem:s13+$0x20] =	vst v7  }
0x251: {  	[dreg:$0xd] =	wrdreg s7;
	[tilespmem:s12+$0x0] =	vst v8;
	v7 =	vld [tilespmem:s26+$0x2F0]  }
0x252: {  	s15 =	smov.u32 s25;
	s25 =	smov.u32 s4;
	s7 =	spop (v2sf);
	[tilespmem:s8+$0x30] =	vst v9;
	v8 =	vld [tilespmem:s30+$0xFFFFFD90]  }
0x253: {  	[dreg:$0xa] =	wrdreg s25;
	s25 =	spop (v2sf);
	[tilespmem:s10+$0x0] =	vst v4;
	v9 =	vld [tilespmem:s3+$0x40]  }
0x254: {  	s11 =	smov.u32 s21;
	s21 =	spop (v2sf);
	[tilespmem:s29+$0x10] =	vst v5;
	v4 =	vld [tilespmem:s26+$0xFFFFFED0]  }
0x255: {  	s4 =	spop (v2sf);
	[tilespmem:s5+$0x30] =	vst v6;
	v5 =	vld [tilespmem:s30+$0x1A0]  }
0x256: {  	[dreg:$0xb] =	wrdreg s4;
	s4 =	spop (v2sf);
	(v2sf) =	vpush v1, $0x7;
	v6 =	vld [tilespmem:s3+$0xFFFFFC40];
	[tilespmem:s13+$0x30] =	vst v7  }
0x257: {  	s5 =	spop (v2sf);
	[tilespmem:s12+$0x10] =	vst v8;
	v7 =	vld [tilespmem:s26+$0x300]  }
0x258: {  	[tilespmem:s5+$0x0] =	vst v9;
	v8 =	vld [tilespmem:s30+$0xFFFFFDA0]  }
0x259: {  	[tilespmem:s10+$0x10] =	vst v4;
	v9 =	vld [tilespmem:s3+$0x50]  }
0x25a: {  	[tilespmem:s29+$0x20] =	vst v5;
	v4 =	vld [tilespmem:s26+$0xFFFFFEE0]  }
0x25b: {  	[tilespmem:s28+$0x0] =	vst v6;
	s8 =	spop (v2sf);
	v5 =	vld [tilespmem:s30+$0x1B0]  }
0x25c: {  	v6 =	vld [tilespmem:s3+$0xFFFFFC50];
	[tilespmem:s8+$0x0] =	vst v7  }
0x25d: {  	[tilespmem:s12+$0x20] =	vst v8;
	v7 =	vld [tilespmem:s26+$0x310]  }
0x25e: {  	[tilespmem:s5+$0x10] =	vst v9;
	v8 =	vld [tilespmem:s30+$0xFFFFFDB0]  }
0x25f: {  	[tilespmem:s10+$0x20] =	vst v4;
	v9 =	vld [tilespmem:s3+$0x60]  }
0x260: {  	(v2sf) =	vpush v3, $0x2;
	[tilespmem:s29+$0x30] =	vst v5;
	v4 =	vld [tilespmem:s26+$0xFFFFFEF0]  }
0x261: {  	[tilespmem:s28+$0x10] =	vst v6;
	v5 =	vld [tilespmem:s30+$0x1C0]  }
0x262: {  	v6 =	vld [tilespmem:s3+$0xFFFFFC60];
	[tilespmem:s8+$0x10] =	vst v7  }
0x263: {  	[tilespmem:s12+$0x30] =	vst v8;
	v7 =	vld [tilespmem:s26+$0x320]  }
0x264: {  	(v2sf) =	vpush v0, $0xD;
	[tilespmem:s5+$0x20] =	vst v9;
	v8 =	vld [tilespmem:s30+$0xFFFFFDC0]  }
0x265: {  	s13 =	spop (v2sf);
	[tilespmem:s10+$0x30] =	vst v4;
	v9 =	vld [tilespmem:s3+$0x70]  }
0x266: {  	[tilespmem:s13+$0x0] =	vst v5;
	v4 =	vld [tilespmem:s26+$0xFFFFFF00]  }
0x267: {  	[tilespmem:s28+$0x20] =	vst v6;
	v5 =	vld [tilespmem:s30+$0x1D0]  }
0x268: {  	v6 =	vld [tilespmem:s3+$0xFFFFFC70];
	[tilespmem:s8+$0x20] =	vst v7  }
0x269: {  	[tilespmem:s23+$0x0] =	vst v8;
	v7 =	vld [tilespmem:s26+$0x330]  }
0x26a: {  	[tilespmem:s5+$0x30] =	vst v9;
	v8 =	vld [tilespmem:s30+$0xFFFFFDD0]  }
0x26b: {  	[tilespmem:s19+$0x0] =	vst v4;
	v9 =	vld [tilespmem:s3+$0x80]  }
0x26c: {  	[tilespmem:s13+$0x10] =	vst v5;
	v4 =	vld [tilespmem:s26+$0xFFFFFF10]  }
0x26d: {  	[tilespmem:s28+$0x30] =	vst v6;
	v5 =	vld [tilespmem:s30+$0x1E0]  }
0x26e: {  	s29 =	smov.u32 s1;
	s1 =	smov.u32 s9;
	s9 =	rddreg [dreg:$0x9];
	(v2sf) =	vpush v1, $0x8;
	v6 =	vld [tilespmem:s3+$0xFFFFFC80];
	[tilespmem:s8+$0x30] =	vst v7  }
0x26f: {  	s10 =	smov.u32 s9;
	s9 =	smov.u32 s7;
	s7 =	spop (v2sf);
	[tilespmem:s23+$0x10] =	vst v8;
	v7 =	vld [tilespmem:s26+$0x340]  }
0x270: {  	[tilespmem:s7+$0x0] =	vst v9;
	v8 =	vld [tilespmem:s30+$0xFFFFFDE0]  }
0x271: {  	[tilespmem:s19+$0x10] =	vst v4;
	v9 =	vld [tilespmem:s3+$0x90]  }
0x272: {  	[tilespmem:s13+$0x20] =	vst v5;
	v4 =	vld [tilespmem:s26+$0xFFFFFF20]  }
0x273: {  	s8 =	spop (v2sf);
	[tilespmem:s31+$0x0] =	vst v6;
	v5 =	vld [tilespmem:s30+$0x1F0]  }
0x274: {  	v6 =	vld [tilespmem:s3+$0xFFFFFC90];
	[tilespmem:s8+$0x0] =	vst v7  }
0x275: {  	[tilespmem:s23+$0x20] =	vst v8;
	v7 =	vld [tilespmem:s26+$0x350]  }
0x276: {  	[tilespmem:s7+$0x10] =	vst v9;
	v8 =	vld [tilespmem:s30+$0xFFFFFDF0]  }
0x277: {  	[tilespmem:s19+$0x20] =	vst v4;
	v9 =	vld [tilespmem:s3+$0xA0]  }
0x278: {  	(v2sf) =	vpush v3, $0x3;
	[tilespmem:s13+$0x30] =	vst v5;
	v4 =	vld [tilespmem:s26+$0xFFFFFF30]  }
0x279: {  	[tilespmem:s31+$0x10] =	vst v6;
	v5 =	vld [tilespmem:s30+$0x200]  }
0x27a: {  	v6 =	vld [tilespmem:s3+$0xFFFFFCA0];
	[tilespmem:s8+$0x10] =	vst v7  }
0x27b: {  	[tilespmem:s23+$0x30] =	vst v8;
	v7 =	vld [tilespmem:s26+$0x360]  }
0x27c: {  	(v2sf) =	vpush v0, $0xE;
	[tilespmem:s7+$0x20] =	vst v9;
	v8 =	vld [tilespmem:s30+$0xFFFFFE00]  }
0x27d: {  	[dreg:$0x9] =	wrdreg s9;
	s9 =	spop (v2sf);
	[tilespmem:s19+$0x30] =	vst v4;
	v9 =	vld [tilespmem:s3+$0xB0]  }
0x27e: {  	[tilespmem:s9+$0x0] =	vst v5;
	v4 =	vld [tilespmem:s26+$0xFFFFFF40]  }
0x27f: {  	[tilespmem:s31+$0x20] =	vst v6;
	v5 =	vld [tilespmem:s30+$0x210]  }
0x280: {  	v6 =	vld [tilespmem:s3+$0xFFFFFCB0];
	[tilespmem:s8+$0x20] =	vst v7  }
0x281: {  	[tilespmem:s22+$0x0] =	vst v8;
	v7 =	vld [tilespmem:s26+$0x370]  }
0x282: {  	s23 =	smov.u32 s0;
	s0 =	rddreg [dreg:$0x7];
	[tilespmem:s7+$0x30] =	vst v9;
	v8 =	vld [tilespmem:s30+$0xFFFFFE10]  }
0x283: {  	[tilespmem:s0+$0x0] =	vst v4;
	v9 =	vld [tilespmem:s3+$0xC0]  }
0x284: {  	[tilespmem:s9+$0x10] =	vst v5;
	v4 =	vld [tilespmem:s26+$0xFFFFFF50]  }
0x285: {  	[tilespmem:s31+$0x30] =	vst v6;
	v5 =	vld [tilespmem:s30+$0x220]  }
0x286: {  	(v2sf) =	vpush v1, $0x9;
	v6 =	vld [tilespmem:s3+$0xFFFFFCC0];
	[tilespmem:s8+$0x30] =	vst v7  }
0x287: {  	s5 =	spop (v2sf);
	[tilespmem:s22+$0x10] =	vst v8;
	v7 =	vld [tilespmem:s26+$0x380]  }
0x288: {  	[tilespmem:s5+$0x0] =	vst v9;
	v8 =	vld [tilespmem:s30+$0xFFFFFE20]  }
0x289: {  	[tilespmem:s0+$0x10] =	vst v4;
	v9 =	vld [tilespmem:s3+$0xD0]  }
0x28a: {  	[tilespmem:s9+$0x20] =	vst v5;
	v4 =	vld [tilespmem:s26+$0xFFFFFF60]  }
0x28b: {  	s7 =	spop (v2sf);
	[tilespmem:s18+$0x0] =	vst v6;
	v5 =	vld [tilespmem:s30+$0x230]  }
0x28c: {  	v6 =	vld [tilespmem:s3+$0xFFFFFCD0];
	[tilespmem:s7+$0x0] =	vst v7  }
0x28d: {  	[tilespmem:s22+$0x20] =	vst v8;
	v7 =	vld [tilespmem:s26+$0x390]  }
0x28e: {  	[tilespmem:s5+$0x10] =	vst v9;
	v8 =	vld [tilespmem:s30+$0xFFFFFE30]  }
0x28f: {  	[tilespmem:s0+$0x20] =	vst v4;
	v9 =	vld [tilespmem:s3+$0xE0]  }
0x290: {  	(v2sf) =	vpush v3, $0x4;
	[tilespmem:s9+$0x30] =	vst v5;
	v4 =	vld [tilespmem:s26+$0xFFFFFF70]  }
0x291: {  	[tilespmem:s18+$0x10] =	vst v6;
	v5 =	vld [tilespmem:s30+$0x240]  }
0x292: {  	v6 =	vld [tilespmem:s3+$0xFFFFFCE0];
	[tilespmem:s7+$0x10] =	vst v7  }
0x293: {  	[tilespmem:s22+$0x30] =	vst v8;
	v7 =	vld [tilespmem:s26+$0x3A0]  }
0x294: {  	s13 =	rddreg [dreg:$0x8];
	(v2sf) =	vpush v0, $0xF;
	[tilespmem:s5+$0x20] =	vst v9;
	v8 =	vld [tilespmem:s30+$0xFFFFFE40]  }
0x295: {  	s19 =	smov.u32 s13;
	v0 =	vmov v1;
	v1 =	vmov v3;
	s13 =	spop (v2sf);
	[tilespmem:s0+$0x30] =	vst v4;
	v3 =	vld [tilespmem:s3+$0xF0]  }
0x296: {  	[tilespmem:s13+$0x0] =	vst v5;
	v4 =	vld [tilespmem:s26+$0xFFFFFF80]  }
0x297: {  	[tilespmem:s18+$0x20] =	vst v6;
	v5 =	vld [tilespmem:s30+$0x250]  }
0x298: {  	v6 =	vld [tilespmem:s3+$0xFFFFFCF0];
	[tilespmem:s7+$0x20] =	vst v7  }
0x299: {  	[tilespmem:s6+$0x0] =	vst v8;
	v7 =	vld [tilespmem:s26+$0x3B0]  }
0x29a: {  	[tilespmem:s5+$0x30] =	vst v3;
	v3 =	vld [tilespmem:s30+$0xFFFFFE50]  }
0x29b: {  	[tilespmem:s1+$0x0] =	vst v4;
	v8 =	vld [tilespmem:s3+$0x100]  }
0x29c: {  	[tilespmem:s13+$0x10] =	vst v5;
	v4 =	vld [tilespmem:s26+$0xFFFFFF90]  }
0x29d: {  	[tilespmem:s18+$0x30] =	vst v6;
	v5 =	vld [tilespmem:s30+$0x260]  }
0x29e: {  	v6 =	vld [tilespmem:s3+$0xFFFFFD00];
	[tilespmem:s7+$0x30] =	vst v7  }
0x29f: {  	s0 =	spop (v2sf);
	[tilespmem:s6+$0x10] =	vst v3;
	v3 =	vld [tilespmem:s26+$0x3C0]  }
0x2a0: {  	[tilespmem:s0+$0x0] =	vst v8;
	v7 =	vld [tilespmem:s30+$0xFFFFFE60]  }
0x2a1: {  	[tilespmem:s1+$0x10] =	vst v4;
	v8 =	vld [tilespmem:s3+$0x110]  }
0x2a2: {  	[tilespmem:s13+$0x20] =	vst v5;
	v4 =	vld [tilespmem:s26+$0xFFFFFFA0]  }
0x2a3: {  	s18 =	spop (v2sf);
	[tilespmem:s14+$0x0] =	vst v6;
	v5 =	vld [tilespmem:s30+$0x270]  }
0x2a4: {  	v63 =	vld [tilespmem:s3+$0xFFFFFD10];
	[tilespmem:s18+$0x0] =	vst v3  }
0x2a5: {  	s17 =	sadd.s32 $0x2, s17;
	[tilespmem:s6+$0x20] =	vst v7;
	v10 =	vld [tilespmem:s26+$0x3D0]  }
0x2a6: {  	p2 =	slt.u32 s17, $0xA;
	[tilespmem:s0+$0x10] =	vst v8;
	v8 =	vld [tilespmem:s30+$0xFFFFFE70]  }
.Ltmp0:
0x2a7: {  	s28 =	smov.u32 s25;
	[tilespmem:s1+$0x20] =	vst v4;
	v6 =	vld [tilespmem:s3+$0x120];
	(pc) =	sbr.rel @p2 .LBB2_3-.Ltmp0, $4  }
0x2a8: {  	s16 =	sadd.s32 $0x20, s16;
	[dreg:$0x8] =	wrdreg s28;
	[tilespmem:s13+$0x30] =	vst v5;
	v3 =	vld [tilespmem:s26+$0xFFFFFFB0]  }
0x2a9: {  	s12 =	smov.u32 s2;
	s22 =	smov.u32 s20;
	s20 =	rddreg [dreg:$0xc];
	[tilespmem:s14+$0x10] =	vst v63;
	v5 =	vld [tilespmem:s30+$0x280]  }
0x2aa: {  	s28 =	rddreg [dreg:$0xd];
	s31 =	smov.u32 s4;
	(v2sf) =	vpush v0, $0xA;
	s25 =	smov.u32 s20;
	v7 =	vld [tilespmem:s3+$0xFFFFFD20];
	[tilespmem:s18+$0x10] =	vst v10  }
0x2ab: {  	s9 =	smov.u32 s21;
	[dreg:$0x7] =	wrdreg s25;
	(v2sf) =	vpush v1, $0x5;
	[tilespmem:s6+$0x30] =	vst v8;
	s6 =	smov.u32 s28;
	v4 =	vld [tilespmem:s26+$0x3E0]  }
0x2ac: {  	_ =	sdelay $0x2  }
0x2ad: {  	[tilespmem:s0+$0x20] =	vst v6  }
0x2ae: {  	v6 =	vld [tilespmem:s3+$0x130];
	_ =	sdelay $0x2  }
0x2af: {  	[tilespmem:s14+$0x20] =	vst v7  }
0x2b0: {  	v7 =	vld [tilespmem:s3+$0xFFFFFD30]  }
0x2b1: {  	[tilespmem:s0+$0x30] =	vst v6  }
0x2b2: {  	v6 =	vld [tilespmem:s3+$0x140];
	_ =	sdelay $0x2  }
0x2b3: {  	[tilespmem:s14+$0x30] =	vst v7;
	s16 =	spop (v2sf)  }
0x2b4: {  	v7 =	vld [tilespmem:s3+$0xFFFFFD40];
	s13 =	spop (v2sf)  }
0x2b5: {  	[tilespmem:s13+$0x0] =	vst v6  }
0x2b6: {  	v6 =	vld [tilespmem:s3+$0x150];
	_ =	sdelay $0x2  }
0x2b7: {  	[tilespmem:s15+$0x0] =	vst v7  }
0x2b8: {  	v7 =	vld [tilespmem:s3+$0xFFFFFD50]  }
0x2b9: {  	[tilespmem:s13+$0x10] =	vst v6  }
0x2ba: {  	(v2sf) =	vpush v0, $0xB;
	v6 =	vld [tilespmem:s3+$0x160]  }
0x2bb: {  	(v2sf) =	vpush v1, $0x6;
	_ =	sdelay $0x1  }
0x2bc: {  	[tilespmem:s15+$0x10] =	vst v7  }
0x2bd: {  	v7 =	vld [tilespmem:s3+$0xFFFFFD60]  }
0x2be: {  	[tilespmem:s13+$0x20] =	vst v6  }
0x2bf: {  	v6 =	vld [tilespmem:s3+$0x170];
	_ =	sdelay $0x2  }
0x2c0: {  	[tilespmem:s15+$0x20] =	vst v7  }
0x2c1: {  	v7 =	vld [tilespmem:s3+$0xFFFFFD70]  }
0x2c2: {  	[tilespmem:s13+$0x30] =	vst v6  }
0x2c3: {  	v6 =	vld [tilespmem:s3+$0x180];
	_ =	sdelay $0x2  }
0x2c4: {  	s14 =	spop (v2sf);
	[tilespmem:s15+$0x30] =	vst v7  }
0x2c5: {  	s17 =	spop (v2sf);
	v7 =	vld [tilespmem:s3+$0xFFFFFD80]  }
0x2c6: {  	[tilespmem:s17+$0x0] =	vst v6  }
0x2c7: {  	v6 =	vld [tilespmem:s3+$0x190];
	_ =	sdelay $0x2  }
0x2c8: {  	[tilespmem:s12+$0x0] =	vst v7  }
0x2c9: {  	v7 =	vld [tilespmem:s3+$0xFFFFFD90]  }
0x2ca: {  	[tilespmem:s17+$0x10] =	vst v6  }
0x2cb: {  	(v2sf) =	vpush v0, $0xC;
	v6 =	vld [tilespmem:s3+$0x1A0]  }
0x2cc: {  	(v2sf) =	vpush v1, $0x7;
	_ =	sdelay $0x1  }
0x2cd: {  	[tilespmem:s12+$0x10] =	vst v7  }
0x2ce: {  	v7 =	vld [tilespmem:s3+$0xFFFFFDA0]  }
0x2cf: {  	[tilespmem:s17+$0x20] =	vst v6  }
0x2d0: {  	v6 =	vld [tilespmem:s3+$0x1B0];
	_ =	sdelay $0x2  }
0x2d1: {  	[tilespmem:s12+$0x20] =	vst v7  }
0x2d2: {  	v7 =	vld [tilespmem:s3+$0xFFFFFDB0]  }
0x2d3: {  	[tilespmem:s17+$0x30] =	vst v6  }
0x2d4: {  	v6 =	vld [tilespmem:s3+$0x1C0];
	_ =	sdelay $0x2  }
0x2d5: {  	s20 =	spop (v2sf);
	[tilespmem:s12+$0x30] =	vst v7  }
0x2d6: {  	s21 =	spop (v2sf);
	v7 =	vld [tilespmem:s3+$0xFFFFFDC0]  }
0x2d7: {  	[tilespmem:s21+$0x0] =	vst v6  }
0x2d8: {  	v6 =	vld [tilespmem:s3+$0x1D0];
	_ =	sdelay $0x2  }
0x2d9: {  	[tilespmem:s23+$0x0] =	vst v7  }
0x2da: {  	v7 =	vld [tilespmem:s3+$0xFFFFFDD0]  }
0x2db: {  	[tilespmem:s21+$0x10] =	vst v6  }
0x2dc: {  	(v2sf) =	vpush v0, $0xD;
	v6 =	vld [tilespmem:s3+$0x1E0]  }
0x2dd: {  	(v2sf) =	vpush v1, $0x8;
	_ =	sdelay $0x1  }
0x2de: {  	[tilespmem:s23+$0x10] =	vst v7  }
0x2df: {  	v7 =	vld [tilespmem:s3+$0xFFFFFDE0]  }
0x2e0: {  	[tilespmem:s21+$0x20] =	vst v6  }
0x2e1: {  	v6 =	vld [tilespmem:s3+$0x1F0];
	_ =	sdelay $0x2  }
0x2e2: {  	[tilespmem:s23+$0x20] =	vst v7  }
0x2e3: {  	v7 =	vld [tilespmem:s3+$0xFFFFFDF0]  }
0x2e4: {  	[tilespmem:s21+$0x30] =	vst v6  }
0x2e5: {  	v6 =	vld [tilespmem:s3+$0x200];
	_ =	sdelay $0x2  }
0x2e6: {  	s25 =	spop (v2sf);
	[tilespmem:s23+$0x30] =	vst v7  }
0x2e7: {  	s5 =	spop (v2sf);
	v7 =	vld [tilespmem:s3+$0xFFFFFE00]  }
0x2e8: {  	[tilespmem:s5+$0x0] =	vst v6  }
0x2e9: {  	v6 =	vld [tilespmem:s3+$0x210];
	_ =	sdelay $0x2  }
0x2ea: {  	[tilespmem:s22+$0x0] =	vst v7  }
0x2eb: {  	v7 =	vld [tilespmem:s3+$0xFFFFFE10]  }
0x2ec: {  	[tilespmem:s5+$0x10] =	vst v6  }
0x2ed: {  	(v2sf) =	vpush v0, $0xE;
	v6 =	vld [tilespmem:s3+$0x220]  }
0x2ee: {  	(v2sf) =	vpush v1, $0x9;
	_ =	sdelay $0x1  }
0x2ef: {  	[tilespmem:s22+$0x10] =	vst v7  }
0x2f0: {  	v7 =	vld [tilespmem:s3+$0xFFFFFE20]  }
0x2f1: {  	[tilespmem:s5+$0x20] =	vst v6  }
0x2f2: {  	v6 =	vld [tilespmem:s3+$0x230];
	_ =	sdelay $0x2  }
0x2f3: {  	[tilespmem:s22+$0x20] =	vst v7  }
0x2f4: {  	v7 =	vld [tilespmem:s3+$0xFFFFFE30]  }
0x2f5: {  	[tilespmem:s5+$0x30] =	vst v6  }
0x2f6: {  	v6 =	vld [tilespmem:s3+$0x240];
	_ =	sdelay $0x2  }
0x2f7: {  	s28 =	spop (v2sf);
	[tilespmem:s22+$0x30] =	vst v7  }
0x2f8: {  	s4 =	spop (v2sf);
	v7 =	vld [tilespmem:s3+$0xFFFFFE40]  }
0x2f9: {  	[tilespmem:s4+$0x0] =	vst v6  }
0x2fa: {  	v6 =	vld [tilespmem:s3+$0x250];
	_ =	sdelay $0x2  }
0x2fb: {  	[tilespmem:s6+$0x0] =	vst v7  }
0x2fc: {  	v7 =	vld [tilespmem:s3+$0xFFFFFE50]  }
0x2fd: {  	[tilespmem:s4+$0x10] =	vst v6  }
0x2fe: {  	(v2sf) =	vpush v0, $0xF;
	v52 =	vld [tilespmem:s3+$0x260]  }
0x2ff: {  	(v2sf) =	vpush v1, $0xA;
	_ =	sdelay $0x1  }
0x300: {  	[tilespmem:s6+$0x10] =	vst v7  }
0x301: {  	v53 =	vld [tilespmem:s3+$0xFFFFFE60]  }
0x302: {  	[tilespmem:s4+$0x20] =	vst v52  }
0x303: {  	v0 =	vld [tilespmem:s3+$0x270];
	_ =	sdelay $0x2  }
0x304: {  	[tilespmem:s6+$0x20] =	vst v53  }
0x305: {  	v6 =	vld [tilespmem:s3+$0xFFFFFE70]  }
0x306: {  	[tilespmem:s4+$0x30] =	vst v0  }
0x307: {  	v0 =	vld [tilespmem:s3+$0x280];
	_ =	sdelay $0x1  }
0x308: {  	v54 =	vld [tilespmem:s30+$0xFFFFFE80];
	[tilespmem:s16+$0x0] =	vst v5  }
0x309: {  	v5 =	vld [tilespmem:s30+$0x290];
	s7 =	spop (v2sf);
	[tilespmem:s6+$0x30] =	vst v6  }
0x30a: {  	s8 =	spop (v2sf);
	v7 =	vld [tilespmem:s3+$0xFFFFFE80]  }
0x30b: {  	[tilespmem:s8+$0x0] =	vst v0  }
0x30c: {  	v0 =	vld [tilespmem:s3+$0x290]  }
0x30d: {  	[tilespmem:s11+$0x0] =	vst v54  }
0x30e: {  	v6 =	vld [tilespmem:s30+$0xFFFFFE90];
	s2 =	rddreg [dreg:$0xa];
	[tilespmem:s16+$0x10] =	vst v5  }
0x30f: {  	[tilespmem:s2+$0x0] =	vst v7;
	v5 =	vld [tilespmem:s30+$0x2A0]  }
0x310: {  	v7 =	vld [tilespmem:s3+$0xFFFFFE90]  }
0x311: {  	[tilespmem:s8+$0x10] =	vst v0  }
0x312: {  	v0 =	vld [tilespmem:s3+$0x2A0]  }
0x313: {  	(v2sf) =	vpush v1, $0xB;
	[tilespmem:s11+$0x10] =	vst v6  }
0x314: {  	v6 =	vld [tilespmem:s30+$0xFFFFFEA0];
	[tilespmem:s16+$0x20] =	vst v5  }
0x315: {  	[tilespmem:s2+$0x10] =	vst v7;
	v5 =	vld [tilespmem:s30+$0x2B0]  }
0x316: {  	v7 =	vld [tilespmem:s3+$0xFFFFFEA0]  }
0x317: {  	[tilespmem:s8+$0x20] =	vst v0  }
0x318: {  	v0 =	vld [tilespmem:s3+$0x2B0]  }
0x319: {  	[tilespmem:s11+$0x20] =	vst v6  }
0x31a: {  	v6 =	vld [tilespmem:s30+$0xFFFFFEB0];
	[tilespmem:s16+$0x30] =	vst v5  }
0x31b: {  	[tilespmem:s2+$0x20] =	vst v7;
	v5 =	vld [tilespmem:s30+$0x2C0]  }
0x31c: {  	v7 =	vld [tilespmem:s3+$0xFFFFFEB0]  }
0x31d: {  	[tilespmem:s8+$0x30] =	vst v0  }
0x31e: {  	v0 =	vld [tilespmem:s3+$0x2C0]  }
0x31f: {  	[tilespmem:s11+$0x30] =	vst v6  }
0x320: {  	v6 =	vld [tilespmem:s30+$0xFFFFFEC0];
	[tilespmem:s14+$0x0] =	vst v5  }
0x321: {  	[tilespmem:s2+$0x30] =	vst v7;
	v5 =	vld [tilespmem:s30+$0x2D0]  }
0x322: {  	s13 =	spop (v2sf);
	v7 =	vld [tilespmem:s3+$0xFFFFFEC0]  }
0x323: {  	[tilespmem:s13+$0x0] =	vst v0  }
0x324: {  	v0 =	vld [tilespmem:s3+$0x2D0]  }
0x325: {  	[tilespmem:s10+$0x0] =	vst v6  }
0x326: {  	v6 =	vld [tilespmem:s30+$0xFFFFFED0];
	s4 =	rddreg [dreg:$0x9];
	[tilespmem:s14+$0x10] =	vst v5  }
0x327: {  	[tilespmem:s4+$0x0] =	vst v7;
	v5 =	vld [tilespmem:s30+$0x2E0]  }
0x328: {  	v7 =	vld [tilespmem:s3+$0xFFFFFED0]  }
0x329: {  	[tilespmem:s13+$0x10] =	vst v0  }
0x32a: {  	v0 =	vld [tilespmem:s3+$0x2E0]  }
0x32b: {  	(v2sf) =	vpush v1, $0xC;
	[tilespmem:s10+$0x10] =	vst v6  }
0x32c: {  	v6 =	vld [tilespmem:s30+$0xFFFFFEE0];
	[tilespmem:s14+$0x20] =	vst v5  }
0x32d: {  	[tilespmem:s4+$0x10] =	vst v7;
	v5 =	vld [tilespmem:s30+$0x2F0]  }
0x32e: {  	v7 =	vld [tilespmem:s3+$0xFFFFFEE0]  }
0x32f: {  	[tilespmem:s13+$0x20] =	vst v0  }
0x330: {  	v0 =	vld [tilespmem:s3+$0x2F0]  }
0x331: {  	[tilespmem:s10+$0x20] =	vst v6  }
0x332: {  	v6 =	vld [tilespmem:s30+$0xFFFFFEF0];
	[tilespmem:s14+$0x30] =	vst v5  }
0x333: {  	[tilespmem:s4+$0x20] =	vst v7;
	v5 =	vld [tilespmem:s30+$0x300]  }
0x334: {  	v7 =	vld [tilespmem:s3+$0xFFFFFEF0]  }
0x335: {  	[tilespmem:s13+$0x30] =	vst v0  }
0x336: {  	v0 =	vld [tilespmem:s3+$0x300]  }
0x337: {  	[tilespmem:s10+$0x30] =	vst v6  }
0x338: {  	v6 =	vld [tilespmem:s30+$0xFFFFFF00];
	[tilespmem:s20+$0x0] =	vst v5  }
0x339: {  	[tilespmem:s4+$0x30] =	vst v7;
	v5 =	vld [tilespmem:s30+$0x310]  }
0x33a: {  	s15 =	spop (v2sf);
	v7 =	vld [tilespmem:s3+$0xFFFFFF00]  }
0x33b: {  	[tilespmem:s15+$0x0] =	vst v0  }
0x33c: {  	v0 =	vld [tilespmem:s3+$0x310]  }
0x33d: {  	[tilespmem:s19+$0x0] =	vst v6  }
0x33e: {  	v6 =	vld [tilespmem:s30+$0xFFFFFF10];
	s4 =	rddreg [dreg:$0x8];
	[tilespmem:s20+$0x10] =	vst v5  }
0x33f: {  	[tilespmem:s4+$0x0] =	vst v7;
	v5 =	vld [tilespmem:s30+$0x320]  }
0x340: {  	v7 =	vld [tilespmem:s3+$0xFFFFFF10]  }
0x341: {  	[tilespmem:s15+$0x10] =	vst v0  }
0x342: {  	v0 =	vld [tilespmem:s3+$0x320]  }
0x343: {  	(v2sf) =	vpush v1, $0xD;
	[tilespmem:s19+$0x10] =	vst v6  }
0x344: {  	v6 =	vld [tilespmem:s30+$0xFFFFFF20];
	[tilespmem:s20+$0x20] =	vst v5  }
0x345: {  	[tilespmem:s4+$0x10] =	vst v7;
	v5 =	vld [tilespmem:s30+$0x330]  }
0x346: {  	v7 =	vld [tilespmem:s3+$0xFFFFFF20]  }
0x347: {  	[tilespmem:s15+$0x20] =	vst v0  }
0x348: {  	v0 =	vld [tilespmem:s3+$0x330]  }
0x349: {  	[tilespmem:s19+$0x20] =	vst v6  }
0x34a: {  	v6 =	vld [tilespmem:s30+$0xFFFFFF30];
	[tilespmem:s20+$0x30] =	vst v5  }
0x34b: {  	[tilespmem:s4+$0x20] =	vst v7;
	v5 =	vld [tilespmem:s30+$0x340]  }
0x34c: {  	v7 =	vld [tilespmem:s3+$0xFFFFFF30]  }
0x34d: {  	[tilespmem:s15+$0x30] =	vst v0  }
0x34e: {  	v0 =	vld [tilespmem:s3+$0x340]  }
0x34f: {  	[tilespmem:s19+$0x30] =	vst v6  }
0x350: {  	v6 =	vld [tilespmem:s30+$0xFFFFFF40];
	[tilespmem:s25+$0x0] =	vst v5  }
0x351: {  	[tilespmem:s4+$0x30] =	vst v7;
	v5 =	vld [tilespmem:s30+$0x350]  }
0x352: {  	s16 =	spop (v2sf);
	v7 =	vld [tilespmem:s3+$0xFFFFFF40]  }
0x353: {  	[tilespmem:s16+$0x0] =	vst v0  }
0x354: {  	s5 =	rddreg [dreg:$0x7];
	v0 =	vld [tilespmem:s3+$0x350]  }
0x355: {  	[tilespmem:s5+$0x0] =	vst v6  }
0x356: {  	[tilespmem:s25+$0x10] =	vst v5;
	v6 =	vld [tilespmem:s30+$0xFFFFFF50]  }
0x357: {  	[tilespmem:s9+$0x0] =	vst v7;
	v5 =	vld [tilespmem:s30+$0x360]  }
0x358: {  	v7 =	vld [tilespmem:s3+$0xFFFFFF50]  }
0x359: {  	[tilespmem:s16+$0x10] =	vst v0  }
0x35a: {  	v0 =	vld [tilespmem:s3+$0x360]  }
0x35b: {  	(v2sf) =	vpush v1, $0xE;
	[tilespmem:s5+$0x10] =	vst v6  }
0x35c: {  	[tilespmem:s25+$0x20] =	vst v5;
	v6 =	vld [tilespmem:s30+$0xFFFFFF60]  }
0x35d: {  	[tilespmem:s9+$0x10] =	vst v7;
	v5 =	vld [tilespmem:s30+$0x370]  }
0x35e: {  	v7 =	vld [tilespmem:s3+$0xFFFFFF60]  }
0x35f: {  	[tilespmem:s16+$0x20] =	vst v0  }
0x360: {  	v0 =	vld [tilespmem:s3+$0x370]  }
0x361: {  	[tilespmem:s5+$0x20] =	vst v6  }
0x362: {  	[tilespmem:s25+$0x30] =	vst v5;
	v6 =	vld [tilespmem:s30+$0xFFFFFF70]  }
0x363: {  	[tilespmem:s9+$0x20] =	vst v7;
	v5 =	vld [tilespmem:s30+$0x380]  }
0x364: {  	v7 =	vld [tilespmem:s3+$0xFFFFFF70]  }
0x365: {  	[tilespmem:s16+$0x30] =	vst v0  }
0x366: {  	v0 =	vld [tilespmem:s3+$0x380]  }
0x367: {  	[tilespmem:s5+$0x30] =	vst v6  }
0x368: {  	[tilespmem:s28+$0x0] =	vst v5;
	v6 =	vld [tilespmem:s30+$0xFFFFFF80]  }
0x369: {  	[tilespmem:s9+$0x30] =	vst v7;
	v5 =	vld [tilespmem:s30+$0x390]  }
0x36a: {  	s17 =	spop (v2sf);
	v7 =	vld [tilespmem:s3+$0xFFFFFF80]  }
0x36b: {  	[tilespmem:s17+$0x0] =	vst v0  }
0x36c: {  	s2 =	rddreg [dreg:$0x6]  }
0x36d: {  	v0 =	vld [tilespmem:s3+$0x390];
	[tilespmem:s2+$0x0] =	vst v6  }
0x36e: {  	v6 =	vld [tilespmem:s30+$0xFFFFFF90];
	s4 =	rddreg [dreg:$0xb];
	[tilespmem:s28+$0x10] =	vst v5  }
0x36f: {  	[tilespmem:s4+$0x0] =	vst v7;
	v5 =	vld [tilespmem:s30+$0x3A0]  }
0x370: {  	v7 =	vld [tilespmem:s3+$0xFFFFFF90];
	_ =	sdelay $0x1  }
0x371: {  	[tilespmem:s17+$0x10] =	vst v0  }
0x372: {  	v0 =	vld [tilespmem:s3+$0x3A0];
	[tilespmem:s2+$0x10] =	vst v6  }
0x373: {  	(v2sf) =	vpush v1, $0xF;
	v6 =	vld [tilespmem:s30+$0xFFFFFFA0];
	[tilespmem:s28+$0x20] =	vst v5  }
0x374: {  	[tilespmem:s4+$0x10] =	vst v7;
	v5 =	vld [tilespmem:s30+$0x3B0]  }
0x375: {  	v55 =	vld [tilespmem:s3+$0xFFFFFFA0];
	_ =	sdelay $0x1  }
0x376: {  	[tilespmem:s17+$0x20] =	vst v0  }
0x377: {  	v0 =	vld [tilespmem:s3+$0x3B0];
	[tilespmem:s2+$0x20] =	vst v6  }
0x378: {  	v6 =	vld [tilespmem:s30+$0xFFFFFFB0];
	[tilespmem:s28+$0x30] =	vst v5  }
0x379: {  	[tilespmem:s4+$0x20] =	vst v55;
	v56 =	vld [tilespmem:s30+$0x3C0]  }
0x37a: {  	[tilespmem:s1+$0x30] =	vst v3;
	v1 =	vld [tilespmem:s3+$0xFFFFFFB0]  }
0x37b: {  	[tilespmem:s18+$0x20] =	vst v4  }
0x37c: {  	v57 =	vld [tilespmem:s26+$0xFFFFFFC0];
	[tilespmem:s17+$0x30] =	vst v0  }
0x37d: {  	v58 =	vld [tilespmem:s3+$0x3C0];
	[tilespmem:s2+$0x30] =	vst v6  }
0x37e: {  	[tilespmem:s7+$0x0] =	vst v56  }
0x37f: {  	v6 =	vld [tilespmem:s30+$0xFFFFFFC0];
	[tilespmem:s4+$0x30] =	vst v1  }
0x380: {  	v1 =	vld [tilespmem:s3+$0xFFFFFFC0];
	s1 =	rddreg [dreg:$0x4]  }
0x381: {  	s19 =	spop (v2sf);
	v4 =	vld [tilespmem:s26+$0x3F0];
	[tilespmem:s1+$0x0] =	vst v57  }
0x382: {  	v59 =	vld [tilespmem:s30+$0x3D0];
	[tilespmem:s19+$0x0] =	vst v58  }
0x383: {  	v60 =	vld [tilespmem:s26+$0xFFFFFFD0];
	s2 =	rddreg [dreg:$0x5]  }
0x384: {  	v5 =	vld [tilespmem:s3+$0x3D0];
	[tilespmem:s2+$0x0] =	vst v6  }
0x385: {  	v6 =	vld [tilespmem:s30+$0xFFFFFFD0];
	[tilespmem:s31+$0x0] =	vst v1  }
0x386: {  	[tilespmem:s18+$0x30] =	vst v4;
	v1 =	vld [tilespmem:s3+$0xFFFFFFD0]  }
0x387: {  	[tilespmem:s7+$0x10] =	vst v59  }
0x388: {  	v0 =	vld [tilespmem:s30+$0x3E0];
	[tilespmem:s1+$0x10] =	vst v60  }
0x389: {  	[tilespmem:s19+$0x10] =	vst v5;
	v3 =	vld [tilespmem:s26+$0xFFFFFFE0]  }
0x38a: {  	v61 =	vld [tilespmem:s3+$0x3E0];
	[tilespmem:s2+$0x10] =	vst v6  }
0x38b: {  	v62 =	vld [tilespmem:s30+$0xFFFFFFE0];
	[tilespmem:s31+$0x10] =	vst v1  }
0x38c: {  	[tilespmem:s29+$0x20] =	vst v2;
	v1 =	vld [tilespmem:s3+$0xFFFFFFE0]  }
0x38d: {  	v2 =	vld [tilespmem:s24+$0xFFFFFFF0];
	[tilespmem:s7+$0x20] =	vst v0  }
0x38e: {  	v0 =	vld [tilespmem:s30+$0x3F0];
	[tilespmem:s1+$0x20] =	vst v3  }
0x38f: {  	[tilespmem:s19+$0x20] =	vst v61;
	v3 =	vld [tilespmem:s26+$0xFFFFFFF0]  }
0x390: {  	v4 =	vld [tilespmem:s3+$0x3F0];
	[tilespmem:s2+$0x20] =	vst v62  }
0x391: {  	v5 =	vld [tilespmem:s30+$0xFFFFFFF0];
	[tilespmem:s31+$0x20] =	vst v1  }
0x392: {  	[tilespmem:s29+$0x30] =	vst v2;
	v1 =	vld [tilespmem:s3+$0xFFFFFFF0]  }
0x393: {  	[tilespmem:s7+$0x30] =	vst v0  }
0x394: {  	[tilespmem:s1+$0x30] =	vst v3  }
0x395: {  	[tilespmem:s19+$0x30] =	vst v4  }
0x396: {  	[tilespmem:s2+$0x30] =	vst v5  }
0x397: {  	[tilespmem:s31+$0x30] =	vst v1  }
0x398: {  	s0 =	rddreg [dreg:$0x1c]  }
0x399: {  	v0 =	vld [tilespmem:s0+$0x32C0];
	_ =	sdelay $0x3  }
0x39a: {  	s5 =	rddreg [dreg:$0x3]  }
0x39b: {  	v0 =	vadd.s32 s5, v0  }
0x39c: {  	(v2sf) =	vpush v0, $0x1  }
0x39d: {  	(v2sf) =	vpush v0, $0x0;
	_ =	sdelay $0xa  }
0x39e: {  	v1 =	vld [tilespmem:$0x3000];
	_ =	sdelay $0x2  }
0x39f: {  	s20 =	spop (v2sf)  }
0x3a0: {  	s21 =	spop (v2sf)  }
0x3a1: {  	[tilespmem:s21+$0x0] =	vst v1  }
0x3a2: {  	v1 =	vld [tilespmem:$0x3010];
	_ =	sdelay $0x4  }
0x3a3: {  	[tilespmem:s21+$0x10] =	vst v1  }
0x3a4: {  	v1 =	vld [tilespmem:$0x3020];
	_ =	sdelay $0x4  }
0x3a5: {  	[tilespmem:s21+$0x20] =	vst v1  }
0x3a6: {  	v1 =	vld [tilespmem:$0x3030];
	_ =	sdelay $0x4  }
0x3a7: {  	[tilespmem:s21+$0x30] =	vst v1  }
0x3a8: {  	v1 =	vld [tilespmem:$0x3040];
	_ =	sdelay $0x4  }
0x3a9: {  	[tilespmem:s20+$0x0] =	vst v1  }
0x3aa: {  	v1 =	vld [tilespmem:$0x3050];
	_ =	sdelay $0x4  }
0x3ab: {  	[tilespmem:s20+$0x10] =	vst v1  }
0x3ac: {  	(v2sf) =	vpush v0, $0x3;
	v1 =	vld [tilespmem:$0x3060]  }
0x3ad: {  	(v2sf) =	vpush v0, $0x2;
	_ =	sdelay $0x3  }
0x3ae: {  	[tilespmem:s20+$0x20] =	vst v1  }
0x3af: {  	v1 =	vld [tilespmem:$0x3070];
	_ =	sdelay $0x4  }
0x3b0: {  	[tilespmem:s20+$0x30] =	vst v1  }
0x3b1: {  	v1 =	vld [tilespmem:$0x3080];
	_ =	sdelay $0x2  }
0x3b2: {  	s22 =	spop (v2sf)  }
0x3b3: {  	s23 =	spop (v2sf)  }
0x3b4: {  	[tilespmem:s23+$0x0] =	vst v1  }
0x3b5: {  	v1 =	vld [tilespmem:$0x3090];
	_ =	sdelay $0x4  }
0x3b6: {  	[tilespmem:s23+$0x10] =	vst v1  }
0x3b7: {  	v1 =	vld [tilespmem:$0x30A0];
	_ =	sdelay $0x4  }
0x3b8: {  	[tilespmem:s23+$0x20] =	vst v1  }
0x3b9: {  	v1 =	vld [tilespmem:$0x30B0];
	_ =	sdelay $0x4  }
0x3ba: {  	[tilespmem:s23+$0x30] =	vst v1  }
0x3bb: {  	v1 =	vld [tilespmem:$0x30C0];
	_ =	sdelay $0x4  }
0x3bc: {  	[tilespmem:s22+$0x0] =	vst v1  }
0x3bd: {  	v1 =	vld [tilespmem:$0x30D0];
	_ =	sdelay $0x4  }
0x3be: {  	[tilespmem:s22+$0x10] =	vst v1  }
0x3bf: {  	(v2sf) =	vpush v0, $0x5;
	v1 =	vld [tilespmem:$0x30E0]  }
0x3c0: {  	(v2sf) =	vpush v0, $0x4;
	_ =	sdelay $0x3  }
0x3c1: {  	[tilespmem:s22+$0x20] =	vst v1  }
0x3c2: {  	v1 =	vld [tilespmem:$0x30F0];
	_ =	sdelay $0x4  }
0x3c3: {  	[tilespmem:s22+$0x30] =	vst v1  }
0x3c4: {  	v1 =	vld [tilespmem:$0x3100];
	_ =	sdelay $0x2  }
0x3c5: {  	s24 =	spop (v2sf)  }
0x3c6: {  	s25 =	spop (v2sf)  }
0x3c7: {  	[tilespmem:s25+$0x0] =	vst v1  }
0x3c8: {  	v1 =	vld [tilespmem:$0x3110];
	_ =	sdelay $0x4  }
0x3c9: {  	[tilespmem:s25+$0x10] =	vst v1  }
0x3ca: {  	v1 =	vld [tilespmem:$0x3120];
	_ =	sdelay $0x4  }
0x3cb: {  	[tilespmem:s25+$0x20] =	vst v1  }
0x3cc: {  	v1 =	vld [tilespmem:$0x3130];
	_ =	sdelay $0x4  }
0x3cd: {  	[tilespmem:s25+$0x30] =	vst v1  }
0x3ce: {  	v1 =	vld [tilespmem:$0x3140];
	_ =	sdelay $0x4  }
0x3cf: {  	[tilespmem:s24+$0x0] =	vst v1  }
0x3d0: {  	v1 =	vld [tilespmem:$0x3150];
	_ =	sdelay $0x4  }
0x3d1: {  	[tilespmem:s24+$0x10] =	vst v1  }
0x3d2: {  	(v2sf) =	vpush v0, $0x7;
	v1 =	vld [tilespmem:$0x3160]  }
0x3d3: {  	(v2sf) =	vpush v0, $0x6;
	_ =	sdelay $0x3  }
0x3d4: {  	[tilespmem:s24+$0x20] =	vst v1  }
0x3d5: {  	v63 =	vld [tilespmem:$0x3170];
	_ =	sdelay $0x4  }
0x3d6: {  	[tilespmem:s24+$0x30] =	vst v63  }
0x3d7: {  	v0 =	vld [tilespmem:$0x3180];
	_ =	sdelay $0x2  }
0x3d8: {  	s26 =	spop (v2sf)  }
0x3d9: {  	s28 =	spop (v2sf)  }
0x3da: {  	[tilespmem:s28+$0x0] =	vst v0  }
0x3db: {  	v0 =	vld [tilespmem:$0x3190];
	_ =	sdelay $0x4  }
0x3dc: {  	[tilespmem:s28+$0x10] =	vst v0  }
0x3dd: {  	v0 =	vld [tilespmem:$0x31A0];
	_ =	sdelay $0x4  }
0x3de: {  	[tilespmem:s28+$0x20] =	vst v0  }
0x3df: {  	v0 =	vld [tilespmem:$0x31B0];
	_ =	sdelay $0x4  }
0x3e0: {  	[tilespmem:s28+$0x30] =	vst v0  }
0x3e1: {  	v0 =	vld [tilespmem:$0x31C0];
	_ =	sdelay $0x4  }
0x3e2: {  	[tilespmem:s26+$0x0] =	vst v0  }
0x3e3: {  	v0 =	vld [tilespmem:$0x31D0];
	_ =	sdelay $0x4  }
0x3e4: {  	[tilespmem:s26+$0x10] =	vst v0  }
0x3e5: {  	v0 =	vld [tilespmem:$0x31E0];
	_ =	sdelay $0x4  }
0x3e6: {  	[tilespmem:s26+$0x20] =	vst v0  }
0x3e7: {  	v0 =	vld [tilespmem:$0x31F0];
	_ =	sdelay $0x1  }
0x3e8: {  	s4 =	rddreg [dreg:$0x18]  }
0x3e9: {  	p2 =	seq.s32 s4, $0x1FF  }
0x3ea: {  	s1 =	rddreg [dreg:$0x1d];
	p1 =	por p2, p1  }
0x3eb: {  	s2 =	rddreg [dreg:$0x1a];
	s1 =	sshrl.u32 @p1 s1, $0x3;
	[tilespmem:s26+$0x30] =	vst v0  }
0x3ec: {  	s2 =	sshll.u32 @p1 s2, $0x7;
	s1 =	smul.u32 @p1 $0x19000, s1;
	_ =	strace $0x9000004B  }
0x3ed: {  	s0 =	sand.u32 @p1 $0x380, s2;
	_ =	strace @p1 $0x8000004C  }
0x3ee: {  	s0 =	sor.u32 @p1 s0, s1;
	s1 =	rddreg [dreg:$0x1b]  }
0x3ef: {  	s3 =	simm.s32 @p1 $0x400;
	s0 =	sshrl.u32 @p1 s0, $0x3;
	s2 =	rddreg [dreg:$0x10]  }
0x3f0: {  	s1 =	sadd.s32 @p1 $0x3, s1;
	s0 =	sadd.s32 @p1 s2, s0;
	s2 =	simm.s32 @p1 $0x80  }
0x3f1: {  	[hbm4b:s0+s2] =	stream.strided.scatter @p1 [tilespmem:s5], [sflag:s1], $0x3200, s3, s2, $0x200038;
	[tilespmem:$0x9800] =	vst v63  }
0x3f2: {  	_ =	strace @p1 $0x9000004C  }
0x3f3: {  	p2 =	seq.s32 s4, $0x0;
	s2 =	rddreg [dreg:$0x14]  }
0x3f4: {  	s0 =	sand.u32 @!p2 $0x1, s2  }
0x3f5: {  	_ =	strace @!p2 $0x8000004D;
	s0 =	sadd.s32 @!p2 $0x3, s0  }
0x3f6: {  	s1 =	simm.s32 $0x1;
	_ =	swait.ge @!p2 [sflag:s0], $0x3200  }
0x3f7: {  	s1 =	simm.s32 @!p0 $0x0;
	p0 =	sne.s32 s4, $0x0;
	[sflag:s0] =	ssyncset.done @!p2 $0x0  }
0x3f8: {  	s4 =	sadd.s32 $0x1, s4;
	[sflag:s0] =	ssyncadd.s32 @!p2 $0xFFFFCE00;
	s0 =	simm.s32 $0x1  }
0x3f9: {  	s0 =	simm.s32 @!p0 $0x0;
	p0 =	sne.s32 s4, $0x200  }
.Ltmp1:
0x3fa: {  	s29 =	rddreg [dreg:$0x17];
	(pc) =	sbr.rel @p0 .LBB2_2-.Ltmp1, $4  }
0x3fb: {  	s30 =	rddreg [dreg:$0x15]  }
0x3fc: {  	s31 =	rddreg [dreg:$0x16];
	s3 =	sadd.s32 s1, s29;
	s1 =	simm.s32 $0x1  }
0x3fd: {  	s1 =	simm.s32 @!p1 $0x0;
	_ =	strace @!p2 $0x9000004D;
	s2 =	sadd.s32 s0, s2  }
0x3fe: {  	s5 =	sadd.s32 s1, s30;
	s6 =	sadd.s32 s1, s31;
	s0 =	rddreg [dreg:$0x19]  }
0x3ff: {  	s0 =	sand.u32 $0x1, s2  }
0x400: {  	_ =	strace $0x8000004E;
	s0 =	sadd.s32 $0x3, s0  }
0x401: {  	_ =	swait.ge [sflag:s0], $0x3200  }
0x402: {  	s1 =	rddreg [dreg:$0x13]  }
0x403: {  	s31 =	rddreg [dreg:$0x12];
	s1 =	sadd.s32 $0x1, s1  }
0x404: {  	p0 =	sne.s32 s1, s31  }
.Ltmp2:
0x405: {  	_ = 	snop;
	(pc) =	sbr.rel @p0 .LBB2_1-.Ltmp2, $4  }
0x406: {  	_ = 	snop  }
0x407: {  	[sflag:s0] =	ssyncset.done $0x0  }
0x408: {  	[sflag:s0] =	ssyncadd.s32 $0xFFFFCE00  }
0x409: {  	_ =	strace $0x9000004E  }
0x40a: {  	_ =	sfence.sel $0x180000  }
0x40b: {  	[bflag:$0x0] =	sbarrier.arrive $0xFFFF  }
0x40c: {  	_ =	strace $0x90000047  }
0x40d: {  	s0 =	stileid.u32;
	[bflag:$0x2] =	sbarrier.arrive $0xFFFF  }
0x40e: {  	p0 =	sne.s32 s0, $0x0;
	s0 =	rddreg [dreg:$0x2]  }
0x40f: {  	s0 =	sadd.s32 @!p0 $0x100000, s0  }
0x410: {  	[sflag:s0] =	ssyncadd.tile.s32 @!p0 $0x1;
	_ =	shalt  }
.Lfunc_end2:
_tile_overlayer_lowered:
.L_overlay_start_2:
0x411: {  	(tag) =	ssettag $0x2  }
0x412: {  	s0 =	rddreg [dreg:$0x0];
	s2 =	stileid.u32  }
0x413: {  	s1 =	rddreg [dreg:$0x1];
	p0 =	sne.s32 s2, $0x0  }
0x414: {  	s3 =	rddreg [dreg:$0x2];
	[bflag:$0x3] =	sbarrier.arrive $0xFFFF;
	s2 =	simm.s32 @!p0 $0x1C01  }
0x415: {  	[timem:s3], [sflag:s2] =	dma.local @!p0 [hbm:s0], s1  }
0x416: {  	s0 =	simm.s32 @!p0 $0x1  }
0x417: {  	_ =	swait.ge @!p0 [sflag:s0], s1  }
0x418: {  	s1 =	ssub.s32 @!p0 $0x0, s1;
	[sflag:s0] =	ssyncset.done @!p0 $0x0  }
0x419: {  	[sflag:s0] =	ssyncadd.s32 @!p0 s1  }
0x41a: {  	[bflag:$0x3] =	sbarrier.arrive $0xFFFF  }
0x41b: {  	_ =	shalt  }

</sc_bundles>
